<compile_context>
chip_gen: v7x
topology: tpu7x:2x2x1
jax: 0.10.2.dev20260603
libtpu: 0.0.44.dev20260713+nightly
codegen_flags: <defaults>
</compile_context>

<pallas_src>
import functools

import jax
import jax.numpy as jnp
from jax import lax
from jax.experimental import pallas as pl
from jax.experimental.pallas import tpu as pltpu
from jax.experimental.pallas import tpu_sc as plsc

N = 10000
D = 128
E = 320000

NC, NS = 2, 16
NW = NC * NS
CHUNK = 128
CPW = 80
E_PAD = NW * CPW * CHUNK
ACC_ROWS = 10112
ZROWS = ACC_ROWS // NS
HALF = CPW // 2


@functools.cache
def _build_seg_sum():
    mesh = plsc.VectorSubcoreMesh(core_axis_name="c", subcore_axis_name="s",
                                  num_cores=NC, num_subcores=NS)
    return functools.partial(
        pl.kernel,
        out_type=jax.ShapeDtypeStruct((NC * ACC_ROWS, D), jnp.float32),
        mesh=mesh,
        scratch_types=_seg_scratch(),
    )(_seg_sum_body)


def _seg_scratch():
    return ([
        pltpu.VMEM_SHARED((ACC_ROWS, D), jnp.float32),
        pltpu.VMEM((HALF, CHUNK), jnp.int32),
        pltpu.VMEM((HALF, CHUNK), jnp.int32),
    ] + [pltpu.VMEM((CHUNK, D), jnp.float32)] * 2
      + [pltpu.SemaphoreType.DMA] * 3)


def _seg_sum(h, src2d, dst2d):
    return _build_seg_sum()(h, src2d, dst2d)


@functools.cache
def _build_seg_sum2():
    mesh = plsc.VectorSubcoreMesh(core_axis_name="c", subcore_axis_name="s",
                                  num_cores=NC, num_subcores=NS)
    return functools.partial(
        pl.kernel,
        out_type=jax.ShapeDtypeStruct((2 * NC * ACC_ROWS, D), jnp.float32),
        mesh=mesh,
        scratch_types=_seg_scratch(),
    )(_seg_sum2_body)


def _seg_sum2(x, h, src2d, dst2d):
    return _build_seg_sum2()(x, h, src2d, dst2d)


def _zero_acc_slice(zb, acc, z_base, sem):
    def _zb(i, carry):
        zb[i // 8, pl.ds((i % 8) * 16, 16)] = jnp.zeros((16,), jnp.float32)
        return carry
    lax.fori_loop(0, CHUNK * D // 16, _zb, 0)
    nz = ZROWS // CHUNK
    rem = ZROWS % CHUNK
    zcps = []
    for j in range(nz):
        zcps.append(pltpu.async_copy(
            zb, acc.at[pl.ds(z_base + j * CHUNK, CHUNK)], sem))
    if rem:
        zcps.append(pltpu.async_copy(
            zb.at[pl.ds(0, rem)],
            acc.at[pl.ds(z_base + nz * CHUNK, rem)], sem))
    for cp in zcps:
        cp.wait()


def _gather_scatter_half(tbl, acc, srcv, dstv, rows_a, rows_b, sem_a, sem_b):
    pltpu.async_copy(tbl.at[srcv.at[0]], rows_a, sem_a)

    def _body(i, carry):
        ci = 2 * i
        pltpu.async_copy(tbl.at[srcv.at[ci + 1]], rows_b, sem_b)
        pltpu.make_async_copy(tbl.at[srcv.at[ci]], rows_a, sem_a).wait()
        pltpu.sync_copy(rows_a, acc.at[dstv.at[ci]], add=True)

        @pl.when(ci + 2 < HALF)
        def _():
            pltpu.async_copy(tbl.at[srcv.at[ci + 2]], rows_a, sem_a)

        pltpu.make_async_copy(tbl.at[srcv.at[ci + 1]], rows_b, sem_b).wait()
        pltpu.sync_copy(rows_b, acc.at[dstv.at[ci + 1]], add=True)
        return carry
    lax.fori_loop(0, HALF // 2, _body, 0)


def _stage_idx(src_hbm, dst_hbm, srcv, dstv, idx_base, hf):
    pltpu.sync_copy(src_hbm.at[pl.ds(idx_base + hf * HALF, HALF)], srcv)
    pltpu.sync_copy(dst_hbm.at[pl.ds(idx_base + hf * HALF, HALF)], dstv)


def _seg_sum2_body(x_hbm, h_hbm, src_hbm, dst_hbm, out_hbm, acc, srcv, dstv,
                   rows_a, rows_b, sem_a, sem_b, semi):
    c = lax.axis_index("c")
    s = lax.axis_index("s")
    w = c * NS + s
    idx_base = pl.multiple_of(w * CPW, 8)
    z_base = pl.multiple_of(s * ZROWS, 8)

    cp_s = pltpu.async_copy(src_hbm.at[pl.ds(idx_base, HALF)], srcv, semi)
    cp_d = pltpu.async_copy(dst_hbm.at[pl.ds(idx_base, HALF)], dstv, semi)
    _zero_acc_slice(rows_a, acc, z_base, sem_a)
    cp_s.wait()
    cp_d.wait()
    plsc.subcore_barrier()

    staged = 0
    for t, tbl in ((0, x_hbm), (1, h_hbm)):
        for hf in ((0, 1) if t == 0 else (1, 0)):
            if hf != staged:
                _stage_idx(src_hbm, dst_hbm, srcv, dstv, idx_base, hf)
                staged = hf
            _gather_scatter_half(tbl, acc, srcv, dstv, rows_a, rows_b,
                                 sem_a, sem_b)
        plsc.subcore_barrier()
        o_base = pl.multiple_of(
            t * NC * ACC_ROWS + c * ACC_ROWS + s * ZROWS, 8)
        pltpu.sync_copy(acc.at[pl.ds(z_base, ZROWS)],
                        out_hbm.at[pl.ds(o_base, ZROWS)])
        if t == 0:
            _zero_acc_slice(rows_a, acc, z_base, sem_a)
            plsc.subcore_barrier()


def _seg_sum_body(h_hbm, src_hbm, dst_hbm, out_hbm, acc, srcv, dstv, rows_a,
                  rows_b, sem_a, sem_b, semi):
    c = lax.axis_index("c")
    s = lax.axis_index("s")
    w = c * NS + s
    idx_base = pl.multiple_of(w * CPW, 8)
    z_base = pl.multiple_of(s * ZROWS, 8)
    o_base = pl.multiple_of(c * ACC_ROWS + s * ZROWS, 8)

    cp_s = pltpu.async_copy(src_hbm.at[pl.ds(idx_base, HALF)], srcv, semi)
    cp_d = pltpu.async_copy(dst_hbm.at[pl.ds(idx_base, HALF)], dstv, semi)
    _zero_acc_slice(rows_a, acc, z_base, sem_a)
    cp_s.wait()
    cp_d.wait()
    plsc.subcore_barrier()

    for hf in range(2):
        if hf == 1:
            _stage_idx(src_hbm, dst_hbm, srcv, dstv, idx_base, hf)
        _gather_scatter_half(h_hbm, acc, srcv, dstv, rows_a, rows_b,
                             sem_a, sem_b)

    plsc.subcore_barrier()
    pltpu.sync_copy(acc.at[pl.ds(z_base, ZROWS)],
                    out_hbm.at[pl.ds(o_base, ZROWS)])



_BS = 2000


def _dot(a, b):
    return lax.dot_general(a, b, (((1,), (1,)), ((), ())),
                           preferred_element_type=jnp.float32)


def _lin_in_body(x, w, b, o):
    o[...] = _dot(x[...], w[...]) + b[...]


def _mlp_body(x, ax0, ax1, h, ah0, ah1, w1x, w1h, b1, g, be, w2, b2, w3, b3,
              o):
    zx = x[...] + ax0[...] + ax1[...]
    zh = h[...] + ah0[...] + ah1[...]
    u = _dot(zx, w1x[...]) + _dot(zh, w1h[...]) + b1[...]
    mu = jnp.mean(u, axis=-1, keepdims=True)
    var = jnp.mean((u - mu) ** 2, axis=-1, keepdims=True)
    u = (u - mu) / jnp.sqrt(var + 1e-5) * g[...] + be[...]
    u = jnp.where(u > 0, u, 0.1 * u)
    v = _dot(u, w2[...]) + b2[...]
    v = jnp.where(v > 0, v, 0.1 * v)
    o[...] = _dot(v, w3[...]) + b3[...]


def _mlp_out_body(x, ax0, ax1, h, ah0, ah1, h0, w1x, w1h, b1, g, be, w2, b2,
                  w3, b3, wo0, wo1, wo2, bo, o):
    zx = x[...] + ax0[...] + ax1[...]
    zh = h[...] + ah0[...] + ah1[...]
    u = _dot(zx, w1x[...]) + _dot(zh, w1h[...]) + b1[...]
    mu = jnp.mean(u, axis=-1, keepdims=True)
    var = jnp.mean((u - mu) ** 2, axis=-1, keepdims=True)
    u = (u - mu) / jnp.sqrt(var + 1e-5) * g[...] + be[...]
    u = jnp.where(u > 0, u, 0.1 * u)
    v = _dot(u, w2[...]) + b2[...]
    v = jnp.where(v > 0, v, 0.1 * v)
    h2 = _dot(v, w3[...]) + b3[...]
    o[...] = (_dot(h0[...], wo0[...]) + _dot(h[...], wo1[...])
              + _dot(h2, wo2[...]) + bo[...])


def _row_spec():
    return pl.BlockSpec((_BS, D), lambda i: (i, 0))


def _full_spec(shape):
    return pl.BlockSpec(shape, lambda i: tuple(0 for _ in shape))


def _lin_in(x, w, b):
    return pl.pallas_call(
        _lin_in_body,
        grid=(N // _BS,),
        in_specs=[_row_spec(), _full_spec(w.shape), _full_spec(b.shape)],
        out_specs=_row_spec(),
        out_shape=jax.ShapeDtypeStruct((N, D), jnp.float32),
    )(x, w, b)


def _mlp(x, ax0, ax1, h, ah0, ah1, p):
    w1x, w1h = p["W1"][:, :D], p["W1"][:, D:]
    args = (x, ax0, ax1, h, ah0, ah1, w1x, w1h, p["b1"].reshape(1, -1),
            p["g"].reshape(1, -1), p["be"].reshape(1, -1), p["W2"],
            p["b2"].reshape(1, -1), p["W3"], p["b3"].reshape(1, -1))
    specs = [_row_spec()] * 6 + [_full_spec(a.shape) for a in args[6:]]
    return pl.pallas_call(
        _mlp_body,
        grid=(N // _BS,),
        in_specs=specs,
        out_specs=_row_spec(),
        out_shape=jax.ShapeDtypeStruct((N, D), jnp.float32),
    )(*args)


def _mlp_out(x, ax0, ax1, h, ah0, ah1, h0, p, wo0, wo1, wo2, bo):
    w1x, w1h = p["W1"][:, :D], p["W1"][:, D:]
    args = (x, ax0, ax1, h, ah0, ah1, h0, w1x, w1h, p["b1"].reshape(1, -1),
            p["g"].reshape(1, -1), p["be"].reshape(1, -1), p["W2"],
            p["b2"].reshape(1, -1), p["W3"], p["b3"].reshape(1, -1),
            wo0, wo1, wo2, bo.reshape(1, -1))
    specs = [_row_spec()] * 7 + [_full_spec(a.shape) for a in args[7:]]
    return pl.pallas_call(
        _mlp_out_body,
        grid=(N // _BS,),
        in_specs=specs,
        out_specs=_row_spec(),
        out_shape=jax.ShapeDtypeStruct((N, D), jnp.float32),
    )(*args)


def kernel(x, edge_index, params):
    src = edge_index[0]
    dst = edge_index[1]
    pad = E_PAD - E
    ar = jnp.arange(pad, dtype=jnp.int32)
    src_p = jnp.concatenate([src, ar % N])
    dst_p = jnp.concatenate([dst, N + ar % (ACC_ROWS - N)])
    src2d = src_p.reshape(NW * CPW, CHUNK)
    dst2d = dst_p.reshape(NW * CPW, CHUNK)

    h0 = _lin_in(x, params["in_W"], params["in_b"].reshape(1, -1))
    agg2 = _seg_sum2(x, h0, src2d, dst2d)

    def parts(agg):
        return agg[:N], agg[ACC_ROWS:ACC_ROWS + N]

    p0, p1 = params["convs"][0], params["convs"][1]
    ax0, ax1 = parts(agg2)
    ah0, ah1 = parts(agg2[2 * ACC_ROWS:])
    h1 = _mlp(x, ax0, ax1, h0, ah0, ah1, p0)
    aggh1 = _seg_sum(h1, src2d, dst2d)
    a10, a11 = parts(aggh1)

    wo = params["out_W"]
    out = _mlp_out(x, ax0, ax1, h1, a10, a11, h0, p1,
                   wo[:, :D], wo[:, D:2 * D], wo[:, 2 * D:],
                   params["out_b"])
    return out

# --- scband reference (transcript-rebuilt; emitter-appended) ---
"""Pipeline reference for scband-tgae-encoder-3066606649575 (READ-ONLY COPY).

The authoritative reference and input builder live on the scoring server;
editing this copy changes nothing except your own understanding.
"""

import jax, jax.numpy as jnp
import numpy as np

N = 10000
E = 320000
D = 128
HID = [128, 128, 128]
OUT = 128


def _lin_init(key, out_dim, in_dim):
    kw, kb = jax.random.split(key)
    scale = 1.0 / np.sqrt(in_dim)
    W = jax.random.uniform(kw, (out_dim, in_dim), jnp.float32, -scale, scale)
    b = jax.random.uniform(kb, (out_dim,), jnp.float32, -scale, scale)
    return W, b


def setup_inputs(seed: int = 0) -> dict:
    key = jax.random.key(seed)
    ks = jax.random.split(key, 16)
    x = jax.random.normal(ks[0], (N, D), jnp.float32)
    edge_index = jax.random.randint(ks[1], (2, E), 0, N, dtype=jnp.int32)

    in_W, in_b = _lin_init(ks[2], HID[0], D)
    convs = []
    for i in range(2):  # n_layers - 2 hidden GIN convs
        base = jax.random.fold_in(ks[3], i)
        k1, k2, k3 = jax.random.split(base, 3)
        in_dim = D + HID[i]
        mid = 2 * HID[i + 1]
        W1, b1 = _lin_init(k1, mid, in_dim)
        g = jnp.ones((mid,), jnp.float32)
        be = jnp.zeros((mid,), jnp.float32)
        W2, b2 = _lin_init(k2, mid, mid)
        W3, b3 = _lin_init(k3, HID[i + 1], mid)
        convs.append({"W1": W1, "b1": b1, "g": g, "be": be,
                      "W2": W2, "b2": b2, "W3": W3, "b3": b3})
    out_W, out_b = _lin_init(ks[4], OUT, sum(HID))
    params = {"in_W": in_W, "in_b": in_b, "convs": convs,
              "out_W": out_W, "out_b": out_b}
    return {"x": x, "edge_index": edge_index, "params": params}


def _linear(h, W, b):
    return h @ W.T + b


def _layernorm(h, g, b, eps=1e-5):
    mu = jnp.mean(h, axis=-1, keepdims=True)
    var = jnp.mean((h - mu) ** 2, axis=-1, keepdims=True)
    return (h - mu) / jnp.sqrt(var + eps) * g + b


def _lrelu(h):
    return jnp.where(h > 0, h, 0.1 * h)


def _gin_conv(h, edge_index, p):
    src = edge_index[0]
    dst = edge_index[1]
    msgs = jnp.take(h, src, axis=0)
    agg = jax.ops.segment_sum(msgs, dst, num_segments=h.shape[0])
    z = h + agg  # (1 + eps) * x + aggr, eps = 0
    z = _linear(z, p["W1"], p["b1"])
    z = _layernorm(z, p["g"], p["be"])
    z = _lrelu(z)
    z = _linear(z, p["W2"], p["b2"])
    z = _lrelu(z)
    z = _linear(z, p["W3"], p["b3"])
    return z


def reference(x, edge_index, params):
    initial_x = x
    h = _linear(x, params["in_W"], params["in_b"])
    hidden_states = [h]
    for p in params["convs"]:
        h_cat = jnp.concatenate([initial_x, h], axis=1)
        h = _gin_conv(h_cat, edge_index, p)
        hidden_states.append(h)
    h = jnp.concatenate(hidden_states, axis=1)
    return _linear(h, params["out_W"], params["out_b"])

if __name__ == "__main__":
    import jax
    _d = setup_inputs()
    print(jax.jit(kernel)(*tuple(_d.values())))

</pallas_src>

<mosaic_0001>
#map = affine_map<(d0, d1) -> (0, 0)>
module attributes {stable_mosaic.version = 14 : i64} {
  func.func @_seg_sum2_body(%arg0: i32, %arg1: i32, %arg2: memref<10000x128xf32, #tpu.memory_space<hbm>>, %arg3: memref<10000x128xf32, #tpu.memory_space<hbm>>, %arg4: memref<2560x128xi32, #tpu.memory_space<hbm>>, %arg5: memref<2560x128xi32, #tpu.memory_space<hbm>>, %arg6: memref<40448x128xf32, #tpu.memory_space<hbm>>, %arg7: memref<10112x128xf32, #tpu.memory_space<vmem_shared>>, %arg8: memref<40x128xi32, #tpu.memory_space<vmem>>, %arg9: memref<40x128xi32, #tpu.memory_space<vmem>>, %arg10: memref<128x128xf32, #tpu.memory_space<vmem>>, %arg11: memref<128x128xf32, #tpu.memory_space<vmem>>, %arg12: memref<!tpu.dma_semaphore, #tpu.memory_space<semaphore_mem>>, %arg13: memref<!tpu.dma_semaphore, #tpu.memory_space<semaphore_mem>>, %arg14: memref<!tpu.dma_semaphore, #tpu.memory_space<semaphore_mem>>) attributes {dimension_semantics = [#tpu.dimension_semantics<core_parallel>, #tpu.dimension_semantics<subcore_parallel>], iteration_bounds = array<i64: 2, 16>, scalar_prefetch = 0 : i64, scratch_operands = 8 : i64, tpu.core_type = #tpu.core_type<sc_vector_subcore>, window_params = [{transform_indices = #map}, {transform_indices = #map}, {transform_indices = #map}, {transform_indices = #map}, {transform_indices = #map}]} {
    %mul3A = arith.constant 16 : i32
    %mul3A_0 = arith.muli %arg0, %mul3A : i32
    %add3A = arith.addi %mul3A_0, %arg1 : i32
    %mul3A_1 = arith.constant 80 : i32
    %mul3A_2 = arith.muli %add3A, %mul3A_1 : i32
    %multiple_of3A = tpu.assume_multiple %mul3A_2, 8 : i32
    %mul3A_3 = arith.constant 632 : i32
    %mul3A_4 = arith.muli %arg1, %mul3A_3 : i32
    %multiple_of3A_5 = tpu.assume_multiple %mul3A_4, 8 : i32
    %dma_start3A = arith.constant 0 : i32
    %dma_start3A_6 = tpu.memref_slice %arg4[%multiple_of3A, %dma_start3A] : memref<2560x128xi32, #tpu.memory_space<hbm>> -> memref<40x128xi32, #tpu.memory_space<hbm>>
    %dma_start3A_7 = arith.constant 0 : i32
    %dma_start3A_8 = tpu.memref_slice %arg4[%multiple_of3A, %dma_start3A_7] : memref<2560x128xi32, #tpu.memory_space<hbm>> -> memref<40x128xi32, #tpu.memory_space<hbm>>
    tpu.enqueue_dma source(%dma_start3A_8 : memref<40x128xi32, #tpu.memory_space<hbm>>) target(%arg8 : memref<40x128xi32, #tpu.memory_space<vmem>>) target_semaphore(%arg14 : memref<!tpu.dma_semaphore, #tpu.memory_space<semaphore_mem>>)
    %dma_start3A_9 = arith.constant 0 : i32
    %dma_start3A_10 = tpu.memref_slice %arg5[%multiple_of3A, %dma_start3A_9] : memref<2560x128xi32, #tpu.memory_space<hbm>> -> memref<40x128xi32, #tpu.memory_space<hbm>>
    %dma_start3A_11 = arith.constant 0 : i32
    %dma_start3A_12 = tpu.memref_slice %arg5[%multiple_of3A, %dma_start3A_11] : memref<2560x128xi32, #tpu.memory_space<hbm>> -> memref<40x128xi32, #tpu.memory_space<hbm>>
    tpu.enqueue_dma source(%dma_start3A_12 : memref<40x128xi32, #tpu.memory_space<hbm>>) target(%arg9 : memref<40x128xi32, #tpu.memory_space<vmem>>) target_semaphore(%arg14 : memref<!tpu.dma_semaphore, #tpu.memory_space<semaphore_mem>>)
    %scan3A = arith.constant 0 : i32
    %scan3A_13 = arith.constant 0 : i32
    %scan3A_14 = arith.constant 1024 : i32
    %scan3A_15 = arith.addi %scan3A_13, %scan3A_14 : i32
    %scan3A_16 = arith.constant 1 : i32
    scf.for %scan3A_234 = %scan3A_13 to %scan3A_15 step %scan3A_16  : i32 {
      %broadcast_in_dim3A = arith.constant 0.000000e+00 : f32
      %broadcast_in_dim3A_235 = vector.broadcast %broadcast_in_dim3A : f32 to vector<16xf32>
      %jit3A = arith.constant 8 : i32
      %div3A = arith.divsi %scan3A_234, %jit3A : i32
      %sign3A = arith.constant 0 : i32
      %sign3A_236 = arith.cmpi sgt, %scan3A_234, %sign3A : i32
      %sign3A_237 = arith.extui %sign3A_236 : i1 to i32
      %sign3A_238 = arith.constant 0 : i32
      %sign3A_239 = arith.cmpi slt, %scan3A_234, %sign3A_238 : i32
      %sign3A_240 = arith.extui %sign3A_239 : i1 to i32
      %sign3A_241 = arith.subi %sign3A_237, %sign3A_240 : i32
      %sign3A_242 = arith.constant 0 : i32
      %sign3A_243 = arith.cmpi sgt, %jit3A, %sign3A_242 : i32
      %sign3A_244 = arith.extui %sign3A_243 : i1 to i32
      %sign3A_245 = arith.constant 0 : i32
      %sign3A_246 = arith.cmpi slt, %jit3A, %sign3A_245 : i32
      %sign3A_247 = arith.extui %sign3A_246 : i1 to i32
      %sign3A_248 = arith.subi %sign3A_244, %sign3A_247 : i32
      %ne3A = arith.cmpi ne, %sign3A_241, %sign3A_248 : i32
      %rem3A = arith.remsi %scan3A_234, %jit3A : i32
      %ne3A_249 = arith.constant 0 : i32
      %ne3A_250 = arith.cmpi ne, %rem3A, %ne3A_249 : i32
      %and3A = arith.andi %ne3A, %ne3A_250 : i1
      %sub3A = arith.constant 1 : i32
      %sub3A_251 = arith.subi %div3A, %sub3A : i32
      %select_n3A = arith.select %and3A, %sub3A_251, %div3A : i32
      %jit3A_252 = arith.constant 8 : i32
      %eq3A = arith.constant 0 : i32
      %eq3A_253 = arith.cmpi eq, %jit3A_252, %eq3A : i32
      %jit3A_254 = arith.constant 1 : i32
      %select_n3A_255 = arith.select %eq3A_253, %jit3A_254, %jit3A_252 : i32
      %rem3A_256 = arith.remsi %scan3A_234, %select_n3A_255 : i32
      %ne3A_257 = arith.constant 0 : i32
      %ne3A_258 = arith.cmpi ne, %rem3A_256, %ne3A_257 : i32
      %lt3A = arith.constant 0 : i32
      %lt3A_259 = arith.cmpi slt, %rem3A_256, %lt3A : i32
      %lt3A_260 = arith.constant 0 : i32
      %lt3A_261 = arith.cmpi slt, %select_n3A_255, %lt3A_260 : i32
      %ne3A_262 = arith.xori %lt3A_259, %lt3A_261 : i1
      %and3A_263 = arith.andi %ne3A_262, %ne3A_258 : i1
      %add3A_264 = arith.addi %rem3A_256, %select_n3A_255 : i32
      %select_n3A_265 = arith.select %and3A_263, %add3A_264, %rem3A_256 : i32
      %mul3A_266 = arith.constant 16 : i32
      %mul3A_267 = arith.muli %select_n3A_265, %mul3A_266 : i32
      %swap3A = arith.index_cast %select_n3A : i32 to index
      %swap3A_268 = arith.index_cast %mul3A_267 : i32 to index
      %swap3A_269 = tpu.vector_load %arg10[%swap3A, %swap3A_268] {strides = array<i32>} : memref<128x128xf32, #tpu.memory_space<vmem>>, vector<1x16xf32>,
      %swap3A_270 = vector.shape_cast %swap3A_269 : vector<1x16xf32> to vector<16xf32>
      %swap3A_271 = vector.shape_cast %broadcast_in_dim3A_235 : vector<16xf32> to vector<1x16xf32>
      tpu.vector_store %arg10[%swap3A, %swap3A_268], %swap3A_271 {strides = array<i32>} : memref<128x128xf32, #tpu.memory_space<vmem>>, vector<1x16xf32>,
    }
    %scan3A_17 = arith.constant 1024 : i32
    %add3A_18 = arith.constant 0 : i32
    %add3A_19 = arith.addi %multiple_of3A_5, %add3A_18 : i32
    %dma_start3A_20 = arith.constant 0 : i32
    %dma_start3A_21 = tpu.memref_slice %arg7[%add3A_19, %dma_start3A_20] : memref<10112x128xf32, #tpu.memory_space<vmem_shared>> -> memref<128x128xf32, #tpu.memory_space<vmem_shared>>
    %dma_start3A_22 = arith.constant 0 : i32
    %dma_start3A_23 = tpu.memref_slice %arg7[%add3A_19, %dma_start3A_22] : memref<10112x128xf32, #tpu.memory_space<vmem_shared>> -> memref<128x128xf32, #tpu.memory_space<vmem_shared>>
    tpu.enqueue_dma source(%arg10 : memref<128x128xf32, #tpu.memory_space<vmem>>) target(%dma_start3A_23 : memref<128x128xf32, #tpu.memory_space<vmem_shared>>) target_semaphore(%arg12 : memref<!tpu.dma_semaphore, #tpu.memory_space<semaphore_mem>>)
    %add3A_24 = arith.constant 128 : i32
    %add3A_25 = arith.addi %multiple_of3A_5, %add3A_24 : i32
    %dma_start3A_26 = arith.constant 0 : i32
    %dma_start3A_27 = tpu.memref_slice %arg7[%add3A_25, %dma_start3A_26] : memref<10112x128xf32, #tpu.memory_space<vmem_shared>> -> memref<128x128xf32, #tpu.memory_space<vmem_shared>>
    %dma_start3A_28 = arith.constant 0 : i32
    %dma_start3A_29 = tpu.memref_slice %arg7[%add3A_25, %dma_start3A_28] : memref<10112x128xf32, #tpu.memory_space<vmem_shared>> -> memref<128x128xf32, #tpu.memory_space<vmem_shared>>
    tpu.enqueue_dma source(%arg10 : memref<128x128xf32, #tpu.memory_space<vmem>>) target(%dma_start3A_29 : memref<128x128xf32, #tpu.memory_space<vmem_shared>>) target_semaphore(%arg12 : memref<!tpu.dma_semaphore, #tpu.memory_space<semaphore_mem>>)
    %add3A_30 = arith.constant 256 : i32
    %add3A_31 = arith.addi %multiple_of3A_5, %add3A_30 : i32
    %dma_start3A_32 = arith.constant 0 : i32
    %dma_start3A_33 = tpu.memref_slice %arg7[%add3A_31, %dma_start3A_32] : memref<10112x128xf32, #tpu.memory_space<vmem_shared>> -> memref<128x128xf32, #tpu.memory_space<vmem_shared>>
    %dma_start3A_34 = arith.constant 0 : i32
    %dma_start3A_35 = tpu.memref_slice %arg7[%add3A_31, %dma_start3A_34] : memref<10112x128xf32, #tpu.memory_space<vmem_shared>> -> memref<128x128xf32, #tpu.memory_space<vmem_shared>>
    tpu.enqueue_dma source(%arg10 : memref<128x128xf32, #tpu.memory_space<vmem>>) target(%dma_start3A_35 : memref<128x128xf32, #tpu.memory_space<vmem_shared>>) target_semaphore(%arg12 : memref<!tpu.dma_semaphore, #tpu.memory_space<semaphore_mem>>)
    %add3A_36 = arith.constant 384 : i32
    %add3A_37 = arith.addi %multiple_of3A_5, %add3A_36 : i32
    %dma_start3A_38 = arith.constant 0 : i32
    %dma_start3A_39 = tpu.memref_slice %arg7[%add3A_37, %dma_start3A_38] : memref<10112x128xf32, #tpu.memory_space<vmem_shared>> -> memref<128x128xf32, #tpu.memory_space<vmem_shared>>
    %dma_start3A_40 = arith.constant 0 : i32
    %dma_start3A_41 = tpu.memref_slice %arg7[%add3A_37, %dma_start3A_40] : memref<10112x128xf32, #tpu.memory_space<vmem_shared>> -> memref<128x128xf32, #tpu.memory_space<vmem_shared>>
    tpu.enqueue_dma source(%arg10 : memref<128x128xf32, #tpu.memory_space<vmem>>) target(%dma_start3A_41 : memref<128x128xf32, #tpu.memory_space<vmem_shared>>) target_semaphore(%arg12 : memref<!tpu.dma_semaphore, #tpu.memory_space<semaphore_mem>>)
    %add3A_42 = arith.constant 512 : i32
    %add3A_43 = arith.addi %multiple_of3A_5, %add3A_42 : i32
    %dma_start3A_44 = arith.constant 0 : i32
    %dma_start3A_45 = arith.constant 0 : i32
    %dma_start3A_46 = tpu.memref_slice %arg10[%dma_start3A_44, %dma_start3A_45] : memref<128x128xf32, #tpu.memory_space<vmem>> -> memref<120x128xf32, #tpu.memory_space<vmem>>
    %dma_start3A_47 = arith.constant 0 : i32
    %dma_start3A_48 = tpu.memref_slice %arg7[%add3A_43, %dma_start3A_47] : memref<10112x128xf32, #tpu.memory_space<vmem_shared>> -> memref<120x128xf32, #tpu.memory_space<vmem_shared>>
    %dma_start3A_49 = arith.constant 0 : i32
    %dma_start3A_50 = tpu.memref_slice %arg7[%add3A_43, %dma_start3A_49] : memref<10112x128xf32, #tpu.memory_space<vmem_shared>> -> memref<120x128xf32, #tpu.memory_space<vmem_shared>>
    %dma_start3A_51 = arith.constant 0 : i32
    %dma_start3A_52 = arith.constant 0 : i32
    %dma_start3A_53 = tpu.memref_slice %arg10[%dma_start3A_51, %dma_start3A_52] : memref<128x128xf32, #tpu.memory_space<vmem>> -> memref<120x128xf32, #tpu.memory_space<vmem>>
    tpu.enqueue_dma source(%dma_start3A_53 : memref<120x128xf32, #tpu.memory_space<vmem>>) target(%dma_start3A_50 : memref<120x128xf32, #tpu.memory_space<vmem_shared>>) target_semaphore(%arg12 : memref<!tpu.dma_semaphore, #tpu.memory_space<semaphore_mem>>)
    %dma_wait3A = arith.constant 0 : i32
    %dma_wait3A_54 = tpu.memref_slice %arg7[%add3A_19, %dma_wait3A] : memref<10112x128xf32, #tpu.memory_space<vmem_shared>> -> memref<128x128xf32, #tpu.memory_space<vmem_shared>>
    %dma_wait3A_55 = arith.constant 0 : i32
    %dma_wait3A_56 = tpu.memref_slice %arg7[%add3A_19, %dma_wait3A_55] : memref<10112x128xf32, #tpu.memory_space<vmem_shared>> -> memref<128x128xf32, #tpu.memory_space<vmem_shared>>
    tpu.wait_dma2 semaphore(%arg12 : memref<!tpu.dma_semaphore, #tpu.memory_space<semaphore_mem>>) src(%arg10 : memref<128x128xf32, #tpu.memory_space<vmem>>) dst(%dma_wait3A_56 : memref<128x128xf32, #tpu.memory_space<vmem_shared>>)
    %dma_wait3A_57 = arith.constant 0 : i32
    %dma_wait3A_58 = tpu.memref_slice %arg7[%add3A_25, %dma_wait3A_57] : memref<10112x128xf32, #tpu.memory_space<vmem_shared>> -> memref<128x128xf32, #tpu.memory_space<vmem_shared>>
    %dma_wait3A_59 = arith.constant 0 : i32
    %dma_wait3A_60 = tpu.memref_slice %arg7[%add3A_25, %dma_wait3A_59] : memref<10112x128xf32, #tpu.memory_space<vmem_shared>> -> memref<128x128xf32, #tpu.memory_space<vmem_shared>>
    tpu.wait_dma2 semaphore(%arg12 : memref<!tpu.dma_semaphore, #tpu.memory_space<semaphore_mem>>) src(%arg10 : memref<128x128xf32, #tpu.memory_space<vmem>>) dst(%dma_wait3A_60 : memref<128x128xf32, #tpu.memory_space<vmem_shared>>)
    %dma_wait3A_61 = arith.constant 0 : i32
    %dma_wait3A_62 = tpu.memref_slice %arg7[%add3A_31, %dma_wait3A_61] : memref<10112x128xf32, #tpu.memory_space<vmem_shared>> -> memref<128x128xf32, #tpu.memory_space<vmem_shared>>
    %dma_wait3A_63 = arith.constant 0 : i32
    %dma_wait3A_64 = tpu.memref_slice %arg7[%add3A_31, %dma_wait3A_63] : memref<10112x128xf32, #tpu.memory_space<vmem_shared>> -> memref<128x128xf32, #tpu.memory_space<vmem_shared>>
    tpu.wait_dma2 semaphore(%arg12 : memref<!tpu.dma_semaphore, #tpu.memory_space<semaphore_mem>>) src(%arg10 : memref<128x128xf32, #tpu.memory_space<vmem>>) dst(%dma_wait3A_64 : memref<128x128xf32, #tpu.memory_space<vmem_shared>>)
    %dma_wait3A_65 = arith.constant 0 : i32
    %dma_wait3A_66 = tpu.memref_slice %arg7[%add3A_37, %dma_wait3A_65] : memref<10112x128xf32, #tpu.memory_space<vmem_shared>> -> memref<128x128xf32, #tpu.memory_space<vmem_shared>>
    %dma_wait3A_67 = arith.constant 0 : i32
    %dma_wait3A_68 = tpu.memref_slice %arg7[%add3A_37, %dma_wait3A_67] : memref<10112x128xf32, #tpu.memory_space<vmem_shared>> -> memref<128x128xf32, #tpu.memory_space<vmem_shared>>
    tpu.wait_dma2 semaphore(%arg12 : memref<!tpu.dma_semaphore, #tpu.memory_space<semaphore_mem>>) src(%arg10 : memref<128x128xf32, #tpu.memory_space<vmem>>) dst(%dma_wait3A_68 : memref<128x128xf32, #tpu.memory_space<vmem_shared>>)
    %dma_wait3A_69 = arith.constant 0 : i32
    %dma_wait3A_70 = arith.constant 0 : i32
    %dma_wait3A_71 = tpu.memref_slice %arg10[%dma_wait3A_69, %dma_wait3A_70] : memref<128x128xf32, #tpu.memory_space<vmem>> -> memref<120x128xf32, #tpu.memory_space<vmem>>
    %dma_wait3A_72 = arith.constant 0 : i32
    %dma_wait3A_73 = tpu.memref_slice %arg7[%add3A_43, %dma_wait3A_72] : memref<10112x128xf32, #tpu.memory_space<vmem_shared>> -> memref<120x128xf32, #tpu.memory_space<vmem_shared>>
    %dma_wait3A_74 = arith.constant 0 : i32
    %dma_wait3A_75 = tpu.memref_slice %arg7[%add3A_43, %dma_wait3A_74] : memref<10112x128xf32, #tpu.memory_space<vmem_shared>> -> memref<120x128xf32, #tpu.memory_space<vmem_shared>>
    %dma_wait3A_76 = arith.constant 0 : i32
    %dma_wait3A_77 = arith.constant 0 : i32
    %dma_wait3A_78 = tpu.memref_slice %arg10[%dma_wait3A_76, %dma_wait3A_77] : memref<128x128xf32, #tpu.memory_space<vmem>> -> memref<120x128xf32, #tpu.memory_space<vmem>>
    tpu.wait_dma2 semaphore(%arg12 : memref<!tpu.dma_semaphore, #tpu.memory_space<semaphore_mem>>) src(%dma_wait3A_78 : memref<120x128xf32, #tpu.memory_space<vmem>>) dst(%dma_wait3A_75 : memref<120x128xf32, #tpu.memory_space<vmem_shared>>)
    %dma_wait3A_79 = arith.constant 0 : i32
    %dma_wait3A_80 = tpu.memref_slice %arg4[%multiple_of3A, %dma_wait3A_79] : memref<2560x128xi32, #tpu.memory_space<hbm>> -> memref<40x128xi32, #tpu.memory_space<hbm>>
    %dma_wait3A_81 = arith.constant 0 : i32
    %dma_wait3A_82 = tpu.memref_slice %arg4[%multiple_of3A, %dma_wait3A_81] : memref<2560x128xi32, #tpu.memory_space<hbm>> -> memref<40x128xi32, #tpu.memory_space<hbm>>
    tpu.wait_dma2 semaphore(%arg14 : memref<!tpu.dma_semaphore, #tpu.memory_space<semaphore_mem>>) src(%dma_wait3A_82 : memref<40x128xi32, #tpu.memory_space<hbm>>) dst(%arg8 : memref<40x128xi32, #tpu.memory_space<vmem>>)
    %dma_wait3A_83 = arith.constant 0 : i32
    %dma_wait3A_84 = tpu.memref_slice %arg5[%multiple_of3A, %dma_wait3A_83] : memref<2560x128xi32, #tpu.memory_space<hbm>> -> memref<40x128xi32, #tpu.memory_space<hbm>>
    %dma_wait3A_85 = arith.constant 0 : i32
    %dma_wait3A_86 = tpu.memref_slice %arg5[%multiple_of3A, %dma_wait3A_85] : memref<2560x128xi32, #tpu.memory_space<hbm>> -> memref<40x128xi32, #tpu.memory_space<hbm>>
    tpu.wait_dma2 semaphore(%arg14 : memref<!tpu.dma_semaphore, #tpu.memory_space<semaphore_mem>>) src(%dma_wait3A_86 : memref<40x128xi32, #tpu.memory_space<hbm>>) dst(%arg9 : memref<40x128xi32, #tpu.memory_space<vmem>>)
    %barrier3A = arith.constant 0 : index
    tpu.barrier barrier_id(%barrier3A)
    %dma_start3A_87 = arith.constant 0 : i32
    %dma_start3A_88 = arith.constant 0 : i32
    %dma_start3A_89 = tpu.memref_slice %arg8[%dma_start3A_87, %dma_start3A_88] : memref<40x128xi32, #tpu.memory_space<vmem>> -> memref<1x128xi32, #tpu.memory_space<vmem>>
    %dma_start3A_90 = tpu.memref_squeeze %dma_start3A_89 : memref<1x128xi32, #tpu.memory_space<vmem>> -> memref<128xi32, #tpu.memory_space<vmem>>
    %dma_start3A_91 = arith.constant 0 : i32
    %dma_start3A_92 = arith.constant 0 : i32
    %dma_start3A_93 = tpu.memref_slice %arg2[%dma_start3A_91, %dma_start3A_92] : memref<10000x128xf32, #tpu.memory_space<hbm>> -> memref<10000x128xf32, #tpu.memory_space<hbm>>
    tpu.enqueue_indirect_dma source(%dma_start3A_93 : memref<10000x128xf32, #tpu.memory_space<hbm>>) target(%arg10 : memref<128x128xf32, #tpu.memory_space<vmem>>) offsets(%dma_start3A_90 : memref<128xi32, #tpu.memory_space<vmem>>) semaphore(%arg12 : memref<!tpu.dma_semaphore, #tpu.memory_space<semaphore_mem>>)
    %scan3A_94 = arith.constant 0 : i32
    %scan3A_95 = arith.constant 0 : i32
    %scan3A_96 = arith.constant 20 : i32
    %scan3A_97 = arith.addi %scan3A_95, %scan3A_96 : i32
    %scan3A_98 = arith.constant 1 : i32
    scf.for %scan3A_234 = %scan3A_95 to %scan3A_97 step %scan3A_98  : i32 {
      %mul3A_235 = arith.constant 2 : i32
      %mul3A_236 = arith.muli %mul3A_235, %scan3A_234 : i32
      %add3A_237 = arith.constant 1 : i32
      %add3A_238 = arith.addi %mul3A_236, %add3A_237 : i32
      %dma_start3A_239 = arith.constant 0 : i32
      %dma_start3A_240 = tpu.memref_slice %arg8[%add3A_238, %dma_start3A_239] : memref<40x128xi32, #tpu.memory_space<vmem>> -> memref<1x128xi32, #tpu.memory_space<vmem>>
      %dma_start3A_241 = tpu.memref_squeeze %dma_start3A_240 : memref<1x128xi32, #tpu.memory_space<vmem>> -> memref<128xi32, #tpu.memory_space<vmem>>
      %dma_start3A_242 = arith.constant 0 : i32
      %dma_start3A_243 = arith.constant 0 : i32
      %dma_start3A_244 = tpu.memref_slice %arg2[%dma_start3A_242, %dma_start3A_243] : memref<10000x128xf32, #tpu.memory_space<hbm>> -> memref<10000x128xf32, #tpu.memory_space<hbm>>
      tpu.enqueue_indirect_dma source(%dma_start3A_244 : memref<10000x128xf32, #tpu.memory_space<hbm>>) target(%arg11 : memref<128x128xf32, #tpu.memory_space<vmem>>) offsets(%dma_start3A_241 : memref<128xi32, #tpu.memory_space<vmem>>) semaphore(%arg13 : memref<!tpu.dma_semaphore, #tpu.memory_space<semaphore_mem>>)
      %dma_wait3A_245 = arith.constant 0 : i32
      %dma_wait3A_246 = tpu.memref_slice %arg8[%mul3A_236, %dma_wait3A_245] : memref<40x128xi32, #tpu.memory_space<vmem>> -> memref<1x128xi32, #tpu.memory_space<vmem>>
      %dma_wait3A_247 = tpu.memref_squeeze %dma_wait3A_246 : memref<1x128xi32, #tpu.memory_space<vmem>> -> memref<128xi32, #tpu.memory_space<vmem>>
      %dma_wait3A_248 = arith.constant 0 : i32
      %dma_wait3A_249 = arith.constant 0 : i32
      %dma_wait3A_250 = tpu.memref_slice %arg2[%dma_wait3A_248, %dma_wait3A_249] : memref<10000x128xf32, #tpu.memory_space<hbm>> -> memref<10000x128xf32, #tpu.memory_space<hbm>>
      tpu.wait_indirect_dma semaphore(%arg12 : memref<!tpu.dma_semaphore, #tpu.memory_space<semaphore_mem>>) src(%dma_wait3A_250 : memref<10000x128xf32, #tpu.memory_space<hbm>>) dst(%arg10 : memref<128x128xf32, #tpu.memory_space<vmem>>)
      "tpu.region"() ({
        %run_scoped3A = tpu.sem_alloc : memref<!tpu.dma_semaphore, #tpu.memory_space<semaphore_mem>>
        %dma_start3A_265 = arith.constant 0 : i32
        %dma_start3A_266 = tpu.memref_slice %arg9[%mul3A_236, %dma_start3A_265] : memref<40x128xi32, #tpu.memory_space<vmem>> -> memref<1x128xi32, #tpu.memory_space<vmem>>
        %dma_start3A_267 = tpu.memref_squeeze %dma_start3A_266 : memref<1x128xi32, #tpu.memory_space<vmem>> -> memref<128xi32, #tpu.memory_space<vmem>>
        %dma_start3A_268 = arith.constant 0 : i32
        %dma_start3A_269 = arith.constant 0 : i32
        %dma_start3A_270 = tpu.memref_slice %arg7[%dma_start3A_268, %dma_start3A_269] : memref<10112x128xf32, #tpu.memory_space<vmem_shared>> -> memref<10112x128xf32, #tpu.memory_space<vmem_shared>>
        tpu.enqueue_indirect_dma source(%arg10 : memref<128x128xf32, #tpu.memory_space<vmem>>) target(%dma_start3A_270 : memref<10112x128xf32, #tpu.memory_space<vmem_shared>>) offsets(%dma_start3A_267 : memref<128xi32, #tpu.memory_space<vmem>>) semaphore(%run_scoped3A : memref<!tpu.dma_semaphore, #tpu.memory_space<semaphore_mem>>) {add = true}
        %dma_wait3A_271 = arith.constant 0 : i32
        %dma_wait3A_272 = tpu.memref_slice %arg9[%mul3A_236, %dma_wait3A_271] : memref<40x128xi32, #tpu.memory_space<vmem>> -> memref<1x128xi32, #tpu.memory_space<vmem>>
        %dma_wait3A_273 = tpu.memref_squeeze %dma_wait3A_272 : memref<1x128xi32, #tpu.memory_space<vmem>> -> memref<128xi32, #tpu.memory_space<vmem>>
        %dma_wait3A_274 = arith.constant 0 : i32
        %dma_wait3A_275 = arith.constant 0 : i32
        %dma_wait3A_276 = tpu.memref_slice %arg7[%dma_wait3A_274, %dma_wait3A_275] : memref<10112x128xf32, #tpu.memory_space<vmem_shared>> -> memref<10112x128xf32, #tpu.memory_space<vmem_shared>>
        tpu.wait_indirect_dma semaphore(%run_scoped3A : memref<!tpu.dma_semaphore, #tpu.memory_space<semaphore_mem>>) src(%arg10 : memref<128x128xf32, #tpu.memory_space<vmem>>) dst(%dma_wait3A_276 : memref<10112x128xf32, #tpu.memory_space<vmem_shared>>)
        tpu.yield
      }) : () -> ()
      %add3A_251 = arith.constant 2 : i32
      %add3A_252 = arith.addi %mul3A_236, %add3A_251 : i32
      %lt3A = arith.constant 40 : i32
      %lt3A_253 = arith.cmpi slt, %add3A_252, %lt3A : i32
      %convert_element_type3A = arith.extui %lt3A_253 : i1 to i32
      %cond3A = arith.constant 0 : i32
      %cond3A_254 = arith.cmpi ne, %convert_element_type3A, %cond3A : i32
      scf.if %cond3A_254 {
        %add3A_265 = arith.constant 2 : i32
        %add3A_266 = arith.addi %mul3A_236, %add3A_265 : i32
        %dma_start3A_267 = arith.constant 0 : i32
        %dma_start3A_268 = tpu.memref_slice %arg8[%add3A_266, %dma_start3A_267] : memref<40x128xi32, #tpu.memory_space<vmem>> -> memref<1x128xi32, #tpu.memory_space<vmem>>
        %dma_start3A_269 = tpu.memref_squeeze %dma_start3A_268 : memref<1x128xi32, #tpu.memory_space<vmem>> -> memref<128xi32, #tpu.memory_space<vmem>>
        %dma_start3A_270 = arith.constant 0 : i32
        %dma_start3A_271 = arith.constant 0 : i32
        %dma_start3A_272 = tpu.memref_slice %arg2[%dma_start3A_270, %dma_start3A_271] : memref<10000x128xf32, #tpu.memory_space<hbm>> -> memref<10000x128xf32, #tpu.memory_space<hbm>>
        tpu.enqueue_indirect_dma source(%dma_start3A_272 : memref<10000x128xf32, #tpu.memory_space<hbm>>) target(%arg10 : memref<128x128xf32, #tpu.memory_space<vmem>>) offsets(%dma_start3A_269 : memref<128xi32, #tpu.memory_space<vmem>>) semaphore(%arg12 : memref<!tpu.dma_semaphore, #tpu.memory_space<semaphore_mem>>)
      } else {
      }
      %add3A_255 = arith.constant 1 : i32
      %add3A_256 = arith.addi %mul3A_236, %add3A_255 : i32
      %dma_wait3A_257 = arith.constant 0 : i32
      %dma_wait3A_258 = tpu.memref_slice %arg8[%add3A_256, %dma_wait3A_257] : memref<40x128xi32, #tpu.memory_space<vmem>> -> memref<1x128xi32, #tpu.memory_space<vmem>>
      %dma_wait3A_259 = tpu.memref_squeeze %dma_wait3A_258 : memref<1x128xi32, #tpu.memory_space<vmem>> -> memref<128xi32, #tpu.memory_space<vmem>>
      %dma_wait3A_260 = arith.constant 0 : i32
      %dma_wait3A_261 = arith.constant 0 : i32
      %dma_wait3A_262 = tpu.memref_slice %arg2[%dma_wait3A_260, %dma_wait3A_261] : memref<10000x128xf32, #tpu.memory_space<hbm>> -> memref<10000x128xf32, #tpu.memory_space<hbm>>
      tpu.wait_indirect_dma semaphore(%arg13 : memref<!tpu.dma_semaphore, #tpu.memory_space<semaphore_mem>>) src(%dma_wait3A_262 : memref<10000x128xf32, #tpu.memory_space<hbm>>) dst(%arg11 : memref<128x128xf32, #tpu.memory_space<vmem>>)
      %add3A_263 = arith.constant 1 : i32
      %add3A_264 = arith.addi %mul3A_236, %add3A_263 : i32
      "tpu.region"() ({
        %run_scoped3A = tpu.sem_alloc : memref<!tpu.dma_semaphore, #tpu.memory_space<semaphore_mem>>
        %dma_start3A_265 = arith.constant 0 : i32
        %dma_start3A_266 = tpu.memref_slice %arg9[%add3A_264, %dma_start3A_265] : memref<40x128xi32, #tpu.memory_space<vmem>> -> memref<1x128xi32, #tpu.memory_space<vmem>>
        %dma_start3A_267 = tpu.memref_squeeze %dma_start3A_266 : memref<1x128xi32, #tpu.memory_space<vmem>> -> memref<128xi32, #tpu.memory_space<vmem>>
        %dma_start3A_268 = arith.constant 0 : i32
        %dma_start3A_269 = arith.constant 0 : i32
        %dma_start3A_270 = tpu.memref_slice %arg7[%dma_start3A_268, %dma_start3A_269] : memref<10112x128xf32, #tpu.memory_space<vmem_shared>> -> memref<10112x128xf32, #tpu.memory_space<vmem_shared>>
        tpu.enqueue_indirect_dma source(%arg11 : memref<128x128xf32, #tpu.memory_space<vmem>>) target(%dma_start3A_270 : memref<10112x128xf32, #tpu.memory_space<vmem_shared>>) offsets(%dma_start3A_267 : memref<128xi32, #tpu.memory_space<vmem>>) semaphore(%run_scoped3A : memref<!tpu.dma_semaphore, #tpu.memory_space<semaphore_mem>>) {add = true}
        %dma_wait3A_271 = arith.constant 0 : i32
        %dma_wait3A_272 = tpu.memref_slice %arg9[%add3A_264, %dma_wait3A_271] : memref<40x128xi32, #tpu.memory_space<vmem>> -> memref<1x128xi32, #tpu.memory_space<vmem>>
        %dma_wait3A_273 = tpu.memref_squeeze %dma_wait3A_272 : memref<1x128xi32, #tpu.memory_space<vmem>> -> memref<128xi32, #tpu.memory_space<vmem>>
        %dma_wait3A_274 = arith.constant 0 : i32
        %dma_wait3A_275 = arith.constant 0 : i32
        %dma_wait3A_276 = tpu.memref_slice %arg7[%dma_wait3A_274, %dma_wait3A_275] : memref<10112x128xf32, #tpu.memory_space<vmem_shared>> -> memref<10112x128xf32, #tpu.memory_space<vmem_shared>>
        tpu.wait_indirect_dma semaphore(%run_scoped3A : memref<!tpu.dma_semaphore, #tpu.memory_space<semaphore_mem>>) src(%arg11 : memref<128x128xf32, #tpu.memory_space<vmem>>) dst(%dma_wait3A_276 : memref<10112x128xf32, #tpu.memory_space<vmem_shared>>)
        tpu.yield
      }) : () -> ()
    }
    %scan3A_99 = arith.constant 20 : i32
    %add3A_100 = arith.constant 40 : i32
    %add3A_101 = arith.addi %multiple_of3A, %add3A_100 : i32
    "tpu.region"() ({
      %run_scoped3A = tpu.sem_alloc : memref<!tpu.dma_semaphore, #tpu.memory_space<semaphore_mem>>
      %dma_start3A_234 = arith.constant 0 : i32
      %dma_start3A_235 = tpu.memref_slice %arg4[%add3A_101, %dma_start3A_234] : memref<2560x128xi32, #tpu.memory_space<hbm>> -> memref<40x128xi32, #tpu.memory_space<hbm>>
      %dma_start3A_236 = arith.constant 0 : i32
      %dma_start3A_237 = tpu.memref_slice %arg4[%add3A_101, %dma_start3A_236] : memref<2560x128xi32, #tpu.memory_space<hbm>> -> memref<40x128xi32, #tpu.memory_space<hbm>>
      tpu.enqueue_dma source(%dma_start3A_237 : memref<40x128xi32, #tpu.memory_space<hbm>>) target(%arg8 : memref<40x128xi32, #tpu.memory_space<vmem>>) target_semaphore(%run_scoped3A : memref<!tpu.dma_semaphore, #tpu.memory_space<semaphore_mem>>)
      %dma_wait3A_238 = arith.constant 0 : i32
      %dma_wait3A_239 = tpu.memref_slice %arg4[%add3A_101, %dma_wait3A_238] : memref<2560x128xi32, #tpu.memory_space<hbm>> -> memref<40x128xi32, #tpu.memory_space<hbm>>
      %dma_wait3A_240 = arith.constant 0 : i32
      %dma_wait3A_241 = tpu.memref_slice %arg4[%add3A_101, %dma_wait3A_240] : memref<2560x128xi32, #tpu.memory_space<hbm>> -> memref<40x128xi32, #tpu.memory_space<hbm>>
      tpu.wait_dma2 semaphore(%run_scoped3A : memref<!tpu.dma_semaphore, #tpu.memory_space<semaphore_mem>>) src(%dma_wait3A_241 : memref<40x128xi32, #tpu.memory_space<hbm>>) dst(%arg8 : memref<40x128xi32, #tpu.memory_space<vmem>>)
      tpu.yield
    }) : () -> ()
    %add3A_102 = arith.constant 40 : i32
    %add3A_103 = arith.addi %multiple_of3A, %add3A_102 : i32
    "tpu.region"() ({
      %run_scoped3A = tpu.sem_alloc : memref<!tpu.dma_semaphore, #tpu.memory_space<semaphore_mem>>
      %dma_start3A_234 = arith.constant 0 : i32
      %dma_start3A_235 = tpu.memref_slice %arg5[%add3A_103, %dma_start3A_234] : memref<2560x128xi32, #tpu.memory_space<hbm>> -> memref<40x128xi32, #tpu.memory_space<hbm>>
      %dma_start3A_236 = arith.constant 0 : i32
      %dma_start3A_237 = tpu.memref_slice %arg5[%add3A_103, %dma_start3A_236] : memref<2560x128xi32, #tpu.memory_space<hbm>> -> memref<40x128xi32, #tpu.memory_space<hbm>>
      tpu.enqueue_dma source(%dma_start3A_237 : memref<40x128xi32, #tpu.memory_space<hbm>>) target(%arg9 : memref<40x128xi32, #tpu.memory_space<vmem>>) target_semaphore(%run_scoped3A : memref<!tpu.dma_semaphore, #tpu.memory_space<semaphore_mem>>)
      %dma_wait3A_238 = arith.constant 0 : i32
      %dma_wait3A_239 = tpu.memref_slice %arg5[%add3A_103, %dma_wait3A_238] : memref<2560x128xi32, #tpu.memory_space<hbm>> -> memref<40x128xi32, #tpu.memory_space<hbm>>
      %dma_wait3A_240 = arith.constant 0 : i32
      %dma_wait3A_241 = tpu.memref_slice %arg5[%add3A_103, %dma_wait3A_240] : memref<2560x128xi32, #tpu.memory_space<hbm>> -> memref<40x128xi32, #tpu.memory_space<hbm>>
      tpu.wait_dma2 semaphore(%run_scoped3A : memref<!tpu.dma_semaphore, #tpu.memory_space<semaphore_mem>>) src(%dma_wait3A_241 : memref<40x128xi32, #tpu.memory_space<hbm>>) dst(%arg9 : memref<40x128xi32, #tpu.memory_space<vmem>>)
      tpu.yield
    }) : () -> ()
    %dma_start3A_104 = arith.constant 0 : i32
    %dma_start3A_105 = arith.constant 0 : i32
    %dma_start3A_106 = tpu.memref_slice %arg8[%dma_start3A_104, %dma_start3A_105] : memref<40x128xi32, #tpu.memory_space<vmem>> -> memref<1x128xi32, #tpu.memory_space<vmem>>
    %dma_start3A_107 = tpu.memref_squeeze %dma_start3A_106 : memref<1x128xi32, #tpu.memory_space<vmem>> -> memref<128xi32, #tpu.memory_space<vmem>>
    %dma_start3A_108 = arith.constant 0 : i32
    %dma_start3A_109 = arith.constant 0 : i32
    %dma_start3A_110 = tpu.memref_slice %arg2[%dma_start3A_108, %dma_start3A_109] : memref<10000x128xf32, #tpu.memory_space<hbm>> -> memref<10000x128xf32, #tpu.memory_space<hbm>>
    tpu.enqueue_indirect_dma source(%dma_start3A_110 : memref<10000x128xf32, #tpu.memory_space<hbm>>) target(%arg10 : memref<128x128xf32, #tpu.memory_space<vmem>>) offsets(%dma_start3A_107 : memref<128xi32, #tpu.memory_space<vmem>>) semaphore(%arg12 : memref<!tpu.dma_semaphore, #tpu.memory_space<semaphore_mem>>)
    %scan3A_111 = arith.constant 0 : i32
    %scan3A_112 = arith.constant 0 : i32
    %scan3A_113 = arith.constant 20 : i32
    %scan3A_114 = arith.addi %scan3A_112, %scan3A_113 : i32
    %scan3A_115 = arith.constant 1 : i32
    scf.for %scan3A_234 = %scan3A_112 to %scan3A_114 step %scan3A_115  : i32 {
      %mul3A_235 = arith.constant 2 : i32
      %mul3A_236 = arith.muli %mul3A_235, %scan3A_234 : i32
      %add3A_237 = arith.constant 1 : i32
      %add3A_238 = arith.addi %mul3A_236, %add3A_237 : i32
      %dma_start3A_239 = arith.constant 0 : i32
      %dma_start3A_240 = tpu.memref_slice %arg8[%add3A_238, %dma_start3A_239] : memref<40x128xi32, #tpu.memory_space<vmem>> -> memref<1x128xi32, #tpu.memory_space<vmem>>
      %dma_start3A_241 = tpu.memref_squeeze %dma_start3A_240 : memref<1x128xi32, #tpu.memory_space<vmem>> -> memref<128xi32, #tpu.memory_space<vmem>>
      %dma_start3A_242 = arith.constant 0 : i32
      %dma_start3A_243 = arith.constant 0 : i32
      %dma_start3A_244 = tpu.memref_slice %arg2[%dma_start3A_242, %dma_start3A_243] : memref<10000x128xf32, #tpu.memory_space<hbm>> -> memref<10000x128xf32, #tpu.memory_space<hbm>>
      tpu.enqueue_indirect_dma source(%dma_start3A_244 : memref<10000x128xf32, #tpu.memory_space<hbm>>) target(%arg11 : memref<128x128xf32, #tpu.memory_space<vmem>>) offsets(%dma_start3A_241 : memref<128xi32, #tpu.memory_space<vmem>>) semaphore(%arg13 : memref<!tpu.dma_semaphore, #tpu.memory_space<semaphore_mem>>)
      %dma_wait3A_245 = arith.constant 0 : i32
      %dma_wait3A_246 = tpu.memref_slice %arg8[%mul3A_236, %dma_wait3A_245] : memref<40x128xi32, #tpu.memory_space<vmem>> -> memref<1x128xi32, #tpu.memory_space<vmem>>
      %dma_wait3A_247 = tpu.memref_squeeze %dma_wait3A_246 : memref<1x128xi32, #tpu.memory_space<vmem>> -> memref<128xi32, #tpu.memory_space<vmem>>
      %dma_wait3A_248 = arith.constant 0 : i32
      %dma_wait3A_249 = arith.constant 0 : i32
      %dma_wait3A_250 = tpu.memref_slice %arg2[%dma_wait3A_248, %dma_wait3A_249] : memref<10000x128xf32, #tpu.memory_space<hbm>> -> memref<10000x128xf32, #tpu.memory_space<hbm>>
      tpu.wait_indirect_dma semaphore(%arg12 : memref<!tpu.dma_semaphore, #tpu.memory_space<semaphore_mem>>) src(%dma_wait3A_250 : memref<10000x128xf32, #tpu.memory_space<hbm>>) dst(%arg10 : memref<128x128xf32, #tpu.memory_space<vmem>>)
      "tpu.region"() ({
        %run_scoped3A = tpu.sem_alloc : memref<!tpu.dma_semaphore, #tpu.memory_space<semaphore_mem>>
        %dma_start3A_265 = arith.constant 0 : i32
        %dma_start3A_266 = tpu.memref_slice %arg9[%mul3A_236, %dma_start3A_265] : memref<40x128xi32, #tpu.memory_space<vmem>> -> memref<1x128xi32, #tpu.memory_space<vmem>>
        %dma_start3A_267 = tpu.memref_squeeze %dma_start3A_266 : memref<1x128xi32, #tpu.memory_space<vmem>> -> memref<128xi32, #tpu.memory_space<vmem>>
        %dma_start3A_268 = arith.constant 0 : i32
        %dma_start3A_269 = arith.constant 0 : i32
        %dma_start3A_270 = tpu.memref_slice %arg7[%dma_start3A_268, %dma_start3A_269] : memref<10112x128xf32, #tpu.memory_space<vmem_shared>> -> memref<10112x128xf32, #tpu.memory_space<vmem_shared>>
        tpu.enqueue_indirect_dma source(%arg10 : memref<128x128xf32, #tpu.memory_space<vmem>>) target(%dma_start3A_270 : memref<10112x128xf32, #tpu.memory_space<vmem_shared>>) offsets(%dma_start3A_267 : memref<128xi32, #tpu.memory_space<vmem>>) semaphore(%run_scoped3A : memref<!tpu.dma_semaphore, #tpu.memory_space<semaphore_mem>>) {add = true}
        %dma_wait3A_271 = arith.constant 0 : i32
        %dma_wait3A_272 = tpu.memref_slice %arg9[%mul3A_236, %dma_wait3A_271] : memref<40x128xi32, #tpu.memory_space<vmem>> -> memref<1x128xi32, #tpu.memory_space<vmem>>
        %dma_wait3A_273 = tpu.memref_squeeze %dma_wait3A_272 : memref<1x128xi32, #tpu.memory_space<vmem>> -> memref<128xi32, #tpu.memory_space<vmem>>
        %dma_wait3A_274 = arith.constant 0 : i32
        %dma_wait3A_275 = arith.constant 0 : i32
        %dma_wait3A_276 = tpu.memref_slice %arg7[%dma_wait3A_274, %dma_wait3A_275] : memref<10112x128xf32, #tpu.memory_space<vmem_shared>> -> memref<10112x128xf32, #tpu.memory_space<vmem_shared>>
        tpu.wait_indirect_dma semaphore(%run_scoped3A : memref<!tpu.dma_semaphore, #tpu.memory_space<semaphore_mem>>) src(%arg10 : memref<128x128xf32, #tpu.memory_space<vmem>>) dst(%dma_wait3A_276 : memref<10112x128xf32, #tpu.memory_space<vmem_shared>>)
        tpu.yield
      }) : () -> ()
      %add3A_251 = arith.constant 2 : i32
      %add3A_252 = arith.addi %mul3A_236, %add3A_251 : i32
      %lt3A = arith.constant 40 : i32
      %lt3A_253 = arith.cmpi slt, %add3A_252, %lt3A : i32
      %convert_element_type3A = arith.extui %lt3A_253 : i1 to i32
      %cond3A = arith.constant 0 : i32
      %cond3A_254 = arith.cmpi ne, %convert_element_type3A, %cond3A : i32
      scf.if %cond3A_254 {
        %add3A_265 = arith.constant 2 : i32
        %add3A_266 = arith.addi %mul3A_236, %add3A_265 : i32
        %dma_start3A_267 = arith.constant 0 : i32
        %dma_start3A_268 = tpu.memref_slice %arg8[%add3A_266, %dma_start3A_267] : memref<40x128xi32, #tpu.memory_space<vmem>> -> memref<1x128xi32, #tpu.memory_space<vmem>>
        %dma_start3A_269 = tpu.memref_squeeze %dma_start3A_268 : memref<1x128xi32, #tpu.memory_space<vmem>> -> memref<128xi32, #tpu.memory_space<vmem>>
        %dma_start3A_270 = arith.constant 0 : i32
        %dma_start3A_271 = arith.constant 0 : i32
        %dma_start3A_272 = tpu.memref_slice %arg2[%dma_start3A_270, %dma_start3A_271] : memref<10000x128xf32, #tpu.memory_space<hbm>> -> memref<10000x128xf32, #tpu.memory_space<hbm>>
        tpu.enqueue_indirect_dma source(%dma_start3A_272 : memref<10000x128xf32, #tpu.memory_space<hbm>>) target(%arg10 : memref<128x128xf32, #tpu.memory_space<vmem>>) offsets(%dma_start3A_269 : memref<128xi32, #tpu.memory_space<vmem>>) semaphore(%arg12 : memref<!tpu.dma_semaphore, #tpu.memory_space<semaphore_mem>>)
      } else {
      }
      %add3A_255 = arith.constant 1 : i32
      %add3A_256 = arith.addi %mul3A_236, %add3A_255 : i32
      %dma_wait3A_257 = arith.constant 0 : i32
      %dma_wait3A_258 = tpu.memref_slice %arg8[%add3A_256, %dma_wait3A_257] : memref<40x128xi32, #tpu.memory_space<vmem>> -> memref<1x128xi32, #tpu.memory_space<vmem>>
      %dma_wait3A_259 = tpu.memref_squeeze %dma_wait3A_258 : memref<1x128xi32, #tpu.memory_space<vmem>> -> memref<128xi32, #tpu.memory_space<vmem>>
      %dma_wait3A_260 = arith.constant 0 : i32
      %dma_wait3A_261 = arith.constant 0 : i32
      %dma_wait3A_262 = tpu.memref_slice %arg2[%dma_wait3A_260, %dma_wait3A_261] : memref<10000x128xf32, #tpu.memory_space<hbm>> -> memref<10000x128xf32, #tpu.memory_space<hbm>>
      tpu.wait_indirect_dma semaphore(%arg13 : memref<!tpu.dma_semaphore, #tpu.memory_space<semaphore_mem>>) src(%dma_wait3A_262 : memref<10000x128xf32, #tpu.memory_space<hbm>>) dst(%arg11 : memref<128x128xf32, #tpu.memory_space<vmem>>)
      %add3A_263 = arith.constant 1 : i32
      %add3A_264 = arith.addi %mul3A_236, %add3A_263 : i32
      "tpu.region"() ({
        %run_scoped3A = tpu.sem_alloc : memref<!tpu.dma_semaphore, #tpu.memory_space<semaphore_mem>>
        %dma_start3A_265 = arith.constant 0 : i32
        %dma_start3A_266 = tpu.memref_slice %arg9[%add3A_264, %dma_start3A_265] : memref<40x128xi32, #tpu.memory_space<vmem>> -> memref<1x128xi32, #tpu.memory_space<vmem>>
        %dma_start3A_267 = tpu.memref_squeeze %dma_start3A_266 : memref<1x128xi32, #tpu.memory_space<vmem>> -> memref<128xi32, #tpu.memory_space<vmem>>
        %dma_start3A_268 = arith.constant 0 : i32
        %dma_start3A_269 = arith.constant 0 : i32
        %dma_start3A_270 = tpu.memref_slice %arg7[%dma_start3A_268, %dma_start3A_269] : memref<10112x128xf32, #tpu.memory_space<vmem_shared>> -> memref<10112x128xf32, #tpu.memory_space<vmem_shared>>
        tpu.enqueue_indirect_dma source(%arg11 : memref<128x128xf32, #tpu.memory_space<vmem>>) target(%dma_start3A_270 : memref<10112x128xf32, #tpu.memory_space<vmem_shared>>) offsets(%dma_start3A_267 : memref<128xi32, #tpu.memory_space<vmem>>) semaphore(%run_scoped3A : memref<!tpu.dma_semaphore, #tpu.memory_space<semaphore_mem>>) {add = true}
        %dma_wait3A_271 = arith.constant 0 : i32
        %dma_wait3A_272 = tpu.memref_slice %arg9[%add3A_264, %dma_wait3A_271] : memref<40x128xi32, #tpu.memory_space<vmem>> -> memref<1x128xi32, #tpu.memory_space<vmem>>
        %dma_wait3A_273 = tpu.memref_squeeze %dma_wait3A_272 : memref<1x128xi32, #tpu.memory_space<vmem>> -> memref<128xi32, #tpu.memory_space<vmem>>
        %dma_wait3A_274 = arith.constant 0 : i32
        %dma_wait3A_275 = arith.constant 0 : i32
        %dma_wait3A_276 = tpu.memref_slice %arg7[%dma_wait3A_274, %dma_wait3A_275] : memref<10112x128xf32, #tpu.memory_space<vmem_shared>> -> memref<10112x128xf32, #tpu.memory_space<vmem_shared>>
        tpu.wait_indirect_dma semaphore(%run_scoped3A : memref<!tpu.dma_semaphore, #tpu.memory_space<semaphore_mem>>) src(%arg11 : memref<128x128xf32, #tpu.memory_space<vmem>>) dst(%dma_wait3A_276 : memref<10112x128xf32, #tpu.memory_space<vmem_shared>>)
        tpu.yield
      }) : () -> ()
    }
    %scan3A_116 = arith.constant 20 : i32
    %barrier3A_117 = arith.constant 0 : index
    tpu.barrier barrier_id(%barrier3A_117)
    %mul3A_118 = arith.constant 10112 : i32
    %mul3A_119 = arith.muli %arg0, %mul3A_118 : i32
    %add3A_120 = arith.constant 0 : i32
    %add3A_121 = arith.addi %add3A_120, %mul3A_119 : i32
    %mul3A_122 = arith.constant 632 : i32
    %mul3A_123 = arith.muli %arg1, %mul3A_122 : i32
    %add3A_124 = arith.addi %add3A_121, %mul3A_123 : i32
    %multiple_of3A_125 = tpu.assume_multiple %add3A_124, 8 : i32
    "tpu.region"() ({
      %run_scoped3A = tpu.sem_alloc : memref<!tpu.dma_semaphore, #tpu.memory_space<semaphore_mem>>
      %dma_start3A_234 = arith.constant 0 : i32
      %dma_start3A_235 = tpu.memref_slice %arg6[%multiple_of3A_125, %dma_start3A_234] : memref<40448x128xf32, #tpu.memory_space<hbm>> -> memref<632x128xf32, #tpu.memory_space<hbm>>
      %dma_start3A_236 = arith.constant 0 : i32
      %dma_start3A_237 = tpu.memref_slice %arg7[%multiple_of3A_5, %dma_start3A_236] : memref<10112x128xf32, #tpu.memory_space<vmem_shared>> -> memref<632x128xf32, #tpu.memory_space<vmem_shared>>
      tpu.enqueue_dma source(%dma_start3A_237 : memref<632x128xf32, #tpu.memory_space<vmem_shared>>) target(%dma_start3A_235 : memref<632x128xf32, #tpu.memory_space<hbm>>) target_semaphore(%run_scoped3A : memref<!tpu.dma_semaphore, #tpu.memory_space<semaphore_mem>>)
      %dma_wait3A_238 = arith.constant 0 : i32
      %dma_wait3A_239 = tpu.memref_slice %arg6[%multiple_of3A_125, %dma_wait3A_238] : memref<40448x128xf32, #tpu.memory_space<hbm>> -> memref<632x128xf32, #tpu.memory_space<hbm>>
      %dma_wait3A_240 = arith.constant 0 : i32
      %dma_wait3A_241 = tpu.memref_slice %arg7[%multiple_of3A_5, %dma_wait3A_240] : memref<10112x128xf32, #tpu.memory_space<vmem_shared>> -> memref<632x128xf32, #tpu.memory_space<vmem_shared>>
      tpu.wait_dma2 semaphore(%run_scoped3A : memref<!tpu.dma_semaphore, #tpu.memory_space<semaphore_mem>>) src(%dma_wait3A_241 : memref<632x128xf32, #tpu.memory_space<vmem_shared>>) dst(%dma_wait3A_239 : memref<632x128xf32, #tpu.memory_space<hbm>>)
      tpu.yield
    }) : () -> ()
    %scan3A_126 = arith.constant 0 : i32
    %scan3A_127 = arith.constant 0 : i32
    %scan3A_128 = arith.constant 1024 : i32
    %scan3A_129 = arith.addi %scan3A_127, %scan3A_128 : i32
    %scan3A_130 = arith.constant 1 : i32
    scf.for %scan3A_234 = %scan3A_127 to %scan3A_129 step %scan3A_130  : i32 {
      %broadcast_in_dim3A = arith.constant 0.000000e+00 : f32
      %broadcast_in_dim3A_235 = vector.broadcast %broadcast_in_dim3A : f32 to vector<16xf32>
      %jit3A = arith.constant 8 : i32
      %div3A = arith.divsi %scan3A_234, %jit3A : i32
      %sign3A = arith.constant 0 : i32
      %sign3A_236 = arith.cmpi sgt, %scan3A_234, %sign3A : i32
      %sign3A_237 = arith.extui %sign3A_236 : i1 to i32
      %sign3A_238 = arith.constant 0 : i32
      %sign3A_239 = arith.cmpi slt, %scan3A_234, %sign3A_238 : i32
      %sign3A_240 = arith.extui %sign3A_239 : i1 to i32
      %sign3A_241 = arith.subi %sign3A_237, %sign3A_240 : i32
      %sign3A_242 = arith.constant 0 : i32
      %sign3A_243 = arith.cmpi sgt, %jit3A, %sign3A_242 : i32
      %sign3A_244 = arith.extui %sign3A_243 : i1 to i32
      %sign3A_245 = arith.constant 0 : i32
      %sign3A_246 = arith.cmpi slt, %jit3A, %sign3A_245 : i32
      %sign3A_247 = arith.extui %sign3A_246 : i1 to i32
      %sign3A_248 = arith.subi %sign3A_244, %sign3A_247 : i32
      %ne3A = arith.cmpi ne, %sign3A_241, %sign3A_248 : i32
      %rem3A = arith.remsi %scan3A_234, %jit3A : i32
      %ne3A_249 = arith.constant 0 : i32
      %ne3A_250 = arith.cmpi ne, %rem3A, %ne3A_249 : i32
      %and3A = arith.andi %ne3A, %ne3A_250 : i1
      %sub3A = arith.constant 1 : i32
      %sub3A_251 = arith.subi %div3A, %sub3A : i32
      %select_n3A = arith.select %and3A, %sub3A_251, %div3A : i32
      %jit3A_252 = arith.constant 8 : i32
      %eq3A = arith.constant 0 : i32
      %eq3A_253 = arith.cmpi eq, %jit3A_252, %eq3A : i32
      %jit3A_254 = arith.constant 1 : i32
      %select_n3A_255 = arith.select %eq3A_253, %jit3A_254, %jit3A_252 : i32
      %rem3A_256 = arith.remsi %scan3A_234, %select_n3A_255 : i32
      %ne3A_257 = arith.constant 0 : i32
      %ne3A_258 = arith.cmpi ne, %rem3A_256, %ne3A_257 : i32
      %lt3A = arith.constant 0 : i32
      %lt3A_259 = arith.cmpi slt, %rem3A_256, %lt3A : i32
      %lt3A_260 = arith.constant 0 : i32
      %lt3A_261 = arith.cmpi slt, %select_n3A_255, %lt3A_260 : i32
      %ne3A_262 = arith.xori %lt3A_259, %lt3A_261 : i1
      %and3A_263 = arith.andi %ne3A_262, %ne3A_258 : i1
      %add3A_264 = arith.addi %rem3A_256, %select_n3A_255 : i32
      %select_n3A_265 = arith.select %and3A_263, %add3A_264, %rem3A_256 : i32
      %mul3A_266 = arith.constant 16 : i32
      %mul3A_267 = arith.muli %select_n3A_265, %mul3A_266 : i32
      %swap3A = arith.index_cast %select_n3A : i32 to index
      %swap3A_268 = arith.index_cast %mul3A_267 : i32 to index
      %swap3A_269 = tpu.vector_load %arg10[%swap3A, %swap3A_268] {strides = array<i32>} : memref<128x128xf32, #tpu.memory_space<vmem>>, vector<1x16xf32>,
      %swap3A_270 = vector.shape_cast %swap3A_269 : vector<1x16xf32> to vector<16xf32>
      %swap3A_271 = vector.shape_cast %broadcast_in_dim3A_235 : vector<16xf32> to vector<1x16xf32>
      tpu.vector_store %arg10[%swap3A, %swap3A_268], %swap3A_271 {strides = array<i32>} : memref<128x128xf32, #tpu.memory_space<vmem>>, vector<1x16xf32>,
    }
    %scan3A_131 = arith.constant 1024 : i32
    %add3A_132 = arith.constant 0 : i32
    %add3A_133 = arith.addi %multiple_of3A_5, %add3A_132 : i32
    %dma_start3A_134 = arith.constant 0 : i32
    %dma_start3A_135 = tpu.memref_slice %arg7[%add3A_133, %dma_start3A_134] : memref<10112x128xf32, #tpu.memory_space<vmem_shared>> -> memref<128x128xf32, #tpu.memory_space<vmem_shared>>
    %dma_start3A_136 = arith.constant 0 : i32
    %dma_start3A_137 = tpu.memref_slice %arg7[%add3A_133, %dma_start3A_136] : memref<10112x128xf32, #tpu.memory_space<vmem_shared>> -> memref<128x128xf32, #tpu.memory_space<vmem_shared>>
    tpu.enqueue_dma source(%arg10 : memref<128x128xf32, #tpu.memory_space<vmem>>) target(%dma_start3A_137 : memref<128x128xf32, #tpu.memory_space<vmem_shared>>) target_semaphore(%arg12 : memref<!tpu.dma_semaphore, #tpu.memory_space<semaphore_mem>>)
    %add3A_138 = arith.constant 128 : i32
    %add3A_139 = arith.addi %multiple_of3A_5, %add3A_138 : i32
    %dma_start3A_140 = arith.constant 0 : i32
    %dma_start3A_141 = tpu.memref_slice %arg7[%add3A_139, %dma_start3A_140] : memref<10112x128xf32, #tpu.memory_space<vmem_shared>> -> memref<128x128xf32, #tpu.memory_space<vmem_shared>>
    %dma_start3A_142 = arith.constant 0 : i32
    %dma_start3A_143 = tpu.memref_slice %arg7[%add3A_139, %dma_start3A_142] : memref<10112x128xf32, #tpu.memory_space<vmem_shared>> -> memref<128x128xf32, #tpu.memory_space<vmem_shared>>
    tpu.enqueue_dma source(%arg10 : memref<128x128xf32, #tpu.memory_space<vmem>>) target(%dma_start3A_143 : memref<128x128xf32, #tpu.memory_space<vmem_shared>>) target_semaphore(%arg12 : memref<!tpu.dma_semaphore, #tpu.memory_space<semaphore_mem>>)
    %add3A_144 = arith.constant 256 : i32
    %add3A_145 = arith.addi %multiple_of3A_5, %add3A_144 : i32
    %dma_start3A_146 = arith.constant 0 : i32
    %dma_start3A_147 = tpu.memref_slice %arg7[%add3A_145, %dma_start3A_146] : memref<10112x128xf32, #tpu.memory_space<vmem_shared>> -> memref<128x128xf32, #tpu.memory_space<vmem_shared>>
    %dma_start3A_148 = arith.constant 0 : i32
    %dma_start3A_149 = tpu.memref_slice %arg7[%add3A_145, %dma_start3A_148] : memref<10112x128xf32, #tpu.memory_space<vmem_shared>> -> memref<128x128xf32, #tpu.memory_space<vmem_shared>>
    tpu.enqueue_dma source(%arg10 : memref<128x128xf32, #tpu.memory_space<vmem>>) target(%dma_start3A_149 : memref<128x128xf32, #tpu.memory_space<vmem_shared>>) target_semaphore(%arg12 : memref<!tpu.dma_semaphore, #tpu.memory_space<semaphore_mem>>)
    %add3A_150 = arith.constant 384 : i32
    %add3A_151 = arith.addi %multiple_of3A_5, %add3A_150 : i32
    %dma_start3A_152 = arith.constant 0 : i32
    %dma_start3A_153 = tpu.memref_slice %arg7[%add3A_151, %dma_start3A_152] : memref<10112x128xf32, #tpu.memory_space<vmem_shared>> -> memref<128x128xf32, #tpu.memory_space<vmem_shared>>
    %dma_start3A_154 = arith.constant 0 : i32
    %dma_start3A_155 = tpu.memref_slice %arg7[%add3A_151, %dma_start3A_154] : memref<10112x128xf32, #tpu.memory_space<vmem_shared>> -> memref<128x128xf32, #tpu.memory_space<vmem_shared>>
    tpu.enqueue_dma source(%arg10 : memref<128x128xf32, #tpu.memory_space<vmem>>) target(%dma_start3A_155 : memref<128x128xf32, #tpu.memory_space<vmem_shared>>) target_semaphore(%arg12 : memref<!tpu.dma_semaphore, #tpu.memory_space<semaphore_mem>>)
    %add3A_156 = arith.constant 512 : i32
    %add3A_157 = arith.addi %multiple_of3A_5, %add3A_156 : i32
    %dma_start3A_158 = arith.constant 0 : i32
    %dma_start3A_159 = arith.constant 0 : i32
    %dma_start3A_160 = tpu.memref_slice %arg10[%dma_start3A_158, %dma_start3A_159] : memref<128x128xf32, #tpu.memory_space<vmem>> -> memref<120x128xf32, #tpu.memory_space<vmem>>
    %dma_start3A_161 = arith.constant 0 : i32
    %dma_start3A_162 = tpu.memref_slice %arg7[%add3A_157, %dma_start3A_161] : memref<10112x128xf32, #tpu.memory_space<vmem_shared>> -> memref<120x128xf32, #tpu.memory_space<vmem_shared>>
    %dma_start3A_163 = arith.constant 0 : i32
    %dma_start3A_164 = tpu.memref_slice %arg7[%add3A_157, %dma_start3A_163] : memref<10112x128xf32, #tpu.memory_space<vmem_shared>> -> memref<120x128xf32, #tpu.memory_space<vmem_shared>>
    %dma_start3A_165 = arith.constant 0 : i32
    %dma_start3A_166 = arith.constant 0 : i32
    %dma_start3A_167 = tpu.memref_slice %arg10[%dma_start3A_165, %dma_start3A_166] : memref<128x128xf32, #tpu.memory_space<vmem>> -> memref<120x128xf32, #tpu.memory_space<vmem>>
    tpu.enqueue_dma source(%dma_start3A_167 : memref<120x128xf32, #tpu.memory_space<vmem>>) target(%dma_start3A_164 : memref<120x128xf32, #tpu.memory_space<vmem_shared>>) target_semaphore(%arg12 : memref<!tpu.dma_semaphore, #tpu.memory_space<semaphore_mem>>)
    %dma_wait3A_168 = arith.constant 0 : i32
    %dma_wait3A_169 = tpu.memref_slice %arg7[%add3A_133, %dma_wait3A_168] : memref<10112x128xf32, #tpu.memory_space<vmem_shared>> -> memref<128x128xf32, #tpu.memory_space<vmem_shared>>
    %dma_wait3A_170 = arith.constant 0 : i32
    %dma_wait3A_171 = tpu.memref_slice %arg7[%add3A_133, %dma_wait3A_170] : memref<10112x128xf32, #tpu.memory_space<vmem_shared>> -> memref<128x128xf32, #tpu.memory_space<vmem_shared>>
    tpu.wait_dma2 semaphore(%arg12 : memref<!tpu.dma_semaphore, #tpu.memory_space<semaphore_mem>>) src(%arg10 : memref<128x128xf32, #tpu.memory_space<vmem>>) dst(%dma_wait3A_171 : memref<128x128xf32, #tpu.memory_space<vmem_shared>>)
    %dma_wait3A_172 = arith.constant 0 : i32
    %dma_wait3A_173 = tpu.memref_slice %arg7[%add3A_139, %dma_wait3A_172] : memref<10112x128xf32, #tpu.memory_space<vmem_shared>> -> memref<128x128xf32, #tpu.memory_space<vmem_shared>>
    %dma_wait3A_174 = arith.constant 0 : i32
    %dma_wait3A_175 = tpu.memref_slice %arg7[%add3A_139, %dma_wait3A_174] : memref<10112x128xf32, #tpu.memory_space<vmem_shared>> -> memref<128x128xf32, #tpu.memory_space<vmem_shared>>
    tpu.wait_dma2 semaphore(%arg12 : memref<!tpu.dma_semaphore, #tpu.memory_space<semaphore_mem>>) src(%arg10 : memref<128x128xf32, #tpu.memory_space<vmem>>) dst(%dma_wait3A_175 : memref<128x128xf32, #tpu.memory_space<vmem_shared>>)
    %dma_wait3A_176 = arith.constant 0 : i32
    %dma_wait3A_177 = tpu.memref_slice %arg7[%add3A_145, %dma_wait3A_176] : memref<10112x128xf32, #tpu.memory_space<vmem_shared>> -> memref<128x128xf32, #tpu.memory_space<vmem_shared>>
    %dma_wait3A_178 = arith.constant 0 : i32
    %dma_wait3A_179 = tpu.memref_slice %arg7[%add3A_145, %dma_wait3A_178] : memref<10112x128xf32, #tpu.memory_space<vmem_shared>> -> memref<128x128xf32, #tpu.memory_space<vmem_shared>>
    tpu.wait_dma2 semaphore(%arg12 : memref<!tpu.dma_semaphore, #tpu.memory_space<semaphore_mem>>) src(%arg10 : memref<128x128xf32, #tpu.memory_space<vmem>>) dst(%dma_wait3A_179 : memref<128x128xf32, #tpu.memory_space<vmem_shared>>)
    %dma_wait3A_180 = arith.constant 0 : i32
    %dma_wait3A_181 = tpu.memref_slice %arg7[%add3A_151, %dma_wait3A_180] : memref<10112x128xf32, #tpu.memory_space<vmem_shared>> -> memref<128x128xf32, #tpu.memory_space<vmem_shared>>
    %dma_wait3A_182 = arith.constant 0 : i32
    %dma_wait3A_183 = tpu.memref_slice %arg7[%add3A_151, %dma_wait3A_182] : memref<10112x128xf32, #tpu.memory_space<vmem_shared>> -> memref<128x128xf32, #tpu.memory_space<vmem_shared>>
    tpu.wait_dma2 semaphore(%arg12 : memref<!tpu.dma_semaphore, #tpu.memory_space<semaphore_mem>>) src(%arg10 : memref<128x128xf32, #tpu.memory_space<vmem>>) dst(%dma_wait3A_183 : memref<128x128xf32, #tpu.memory_space<vmem_shared>>)
    %dma_wait3A_184 = arith.constant 0 : i32
    %dma_wait3A_185 = arith.constant 0 : i32
    %dma_wait3A_186 = tpu.memref_slice %arg10[%dma_wait3A_184, %dma_wait3A_185] : memref<128x128xf32, #tpu.memory_space<vmem>> -> memref<120x128xf32, #tpu.memory_space<vmem>>
    %dma_wait3A_187 = arith.constant 0 : i32
    %dma_wait3A_188 = tpu.memref_slice %arg7[%add3A_157, %dma_wait3A_187] : memref<10112x128xf32, #tpu.memory_space<vmem_shared>> -> memref<120x128xf32, #tpu.memory_space<vmem_shared>>
    %dma_wait3A_189 = arith.constant 0 : i32
    %dma_wait3A_190 = tpu.memref_slice %arg7[%add3A_157, %dma_wait3A_189] : memref<10112x128xf32, #tpu.memory_space<vmem_shared>> -> memref<120x128xf32, #tpu.memory_space<vmem_shared>>
    %dma_wait3A_191 = arith.constant 0 : i32
    %dma_wait3A_192 = arith.constant 0 : i32
    %dma_wait3A_193 = tpu.memref_slice %arg10[%dma_wait3A_191, %dma_wait3A_192] : memref<128x128xf32, #tpu.memory_space<vmem>> -> memref<120x128xf32, #tpu.memory_space<vmem>>
    tpu.wait_dma2 semaphore(%arg12 : memref<!tpu.dma_semaphore, #tpu.memory_space<semaphore_mem>>) src(%dma_wait3A_193 : memref<120x128xf32, #tpu.memory_space<vmem>>) dst(%dma_wait3A_190 : memref<120x128xf32, #tpu.memory_space<vmem_shared>>)
    %barrier3A_194 = arith.constant 0 : index
    tpu.barrier barrier_id(%barrier3A_194)
    %dma_start3A_195 = arith.constant 0 : i32
    %dma_start3A_196 = arith.constant 0 : i32
    %dma_start3A_197 = tpu.memref_slice %arg8[%dma_start3A_195, %dma_start3A_196] : memref<40x128xi32, #tpu.memory_space<vmem>> -> memref<1x128xi32, #tpu.memory_space<vmem>>
    %dma_start3A_198 = tpu.memref_squeeze %dma_start3A_197 : memref<1x128xi32, #tpu.memory_space<vmem>> -> memref<128xi32, #tpu.memory_space<vmem>>
    %dma_start3A_199 = arith.constant 0 : i32
    %dma_start3A_200 = arith.constant 0 : i32
    %dma_start3A_201 = tpu.memref_slice %arg3[%dma_start3A_199, %dma_start3A_200] : memref<10000x128xf32, #tpu.memory_space<hbm>> -> memref<10000x128xf32, #tpu.memory_space<hbm>>
    tpu.enqueue_indirect_dma source(%dma_start3A_201 : memref<10000x128xf32, #tpu.memory_space<hbm>>) target(%arg10 : memref<128x128xf32, #tpu.memory_space<vmem>>) offsets(%dma_start3A_198 : memref<128xi32, #tpu.memory_space<vmem>>) semaphore(%arg12 : memref<!tpu.dma_semaphore, #tpu.memory_space<semaphore_mem>>)
    %scan3A_202 = arith.constant 0 : i32
    %scan3A_203 = arith.constant 0 : i32
    %scan3A_204 = arith.constant 20 : i32
    %scan3A_205 = arith.addi %scan3A_203, %scan3A_204 : i32
    %scan3A_206 = arith.constant 1 : i32
    scf.for %scan3A_234 = %scan3A_203 to %scan3A_205 step %scan3A_206  : i32 {
      %mul3A_235 = arith.constant 2 : i32
      %mul3A_236 = arith.muli %mul3A_235, %scan3A_234 : i32
      %add3A_237 = arith.constant 1 : i32
      %add3A_238 = arith.addi %mul3A_236, %add3A_237 : i32
      %dma_start3A_239 = arith.constant 0 : i32
      %dma_start3A_240 = tpu.memref_slice %arg8[%add3A_238, %dma_start3A_239] : memref<40x128xi32, #tpu.memory_space<vmem>> -> memref<1x128xi32, #tpu.memory_space<vmem>>
      %dma_start3A_241 = tpu.memref_squeeze %dma_start3A_240 : memref<1x128xi32, #tpu.memory_space<vmem>> -> memref<128xi32, #tpu.memory_space<vmem>>
      %dma_start3A_242 = arith.constant 0 : i32
      %dma_start3A_243 = arith.constant 0 : i32
      %dma_start3A_244 = tpu.memref_slice %arg3[%dma_start3A_242, %dma_start3A_243] : memref<10000x128xf32, #tpu.memory_space<hbm>> -> memref<10000x128xf32, #tpu.memory_space<hbm>>
      tpu.enqueue_indirect_dma source(%dma_start3A_244 : memref<10000x128xf32, #tpu.memory_space<hbm>>) target(%arg11 : memref<128x128xf32, #tpu.memory_space<vmem>>) offsets(%dma_start3A_241 : memref<128xi32, #tpu.memory_space<vmem>>) semaphore(%arg13 : memref<!tpu.dma_semaphore, #tpu.memory_space<semaphore_mem>>)
      %dma_wait3A_245 = arith.constant 0 : i32
      %dma_wait3A_246 = tpu.memref_slice %arg8[%mul3A_236, %dma_wait3A_245] : memref<40x128xi32, #tpu.memory_space<vmem>> -> memref<1x128xi32, #tpu.memory_space<vmem>>
      %dma_wait3A_247 = tpu.memref_squeeze %dma_wait3A_246 : memref<1x128xi32, #tpu.memory_space<vmem>> -> memref<128xi32, #tpu.memory_space<vmem>>
      %dma_wait3A_248 = arith.constant 0 : i32
      %dma_wait3A_249 = arith.constant 0 : i32
      %dma_wait3A_250 = tpu.memref_slice %arg3[%dma_wait3A_248, %dma_wait3A_249] : memref<10000x128xf32, #tpu.memory_space<hbm>> -> memref<10000x128xf32, #tpu.memory_space<hbm>>
      tpu.wait_indirect_dma semaphore(%arg12 : memref<!tpu.dma_semaphore, #tpu.memory_space<semaphore_mem>>) src(%dma_wait3A_250 : memref<10000x128xf32, #tpu.memory_space<hbm>>) dst(%arg10 : memref<128x128xf32, #tpu.memory_space<vmem>>)
      "tpu.region"() ({
        %run_scoped3A = tpu.sem_alloc : memref<!tpu.dma_semaphore, #tpu.memory_space<semaphore_mem>>
        %dma_start3A_265 = arith.constant 0 : i32
        %dma_start3A_266 = tpu.memref_slice %arg9[%mul3A_236, %dma_start3A_265] : memref<40x128xi32, #tpu.memory_space<vmem>> -> memref<1x128xi32, #tpu.memory_space<vmem>>
        %dma_start3A_267 = tpu.memref_squeeze %dma_start3A_266 : memref<1x128xi32, #tpu.memory_space<vmem>> -> memref<128xi32, #tpu.memory_space<vmem>>
        %dma_start3A_268 = arith.constant 0 : i32
        %dma_start3A_269 = arith.constant 0 : i32
        %dma_start3A_270 = tpu.memref_slice %arg7[%dma_start3A_268, %dma_start3A_269] : memref<10112x128xf32, #tpu.memory_space<vmem_shared>> -> memref<10112x128xf32, #tpu.memory_space<vmem_shared>>
        tpu.enqueue_indirect_dma source(%arg10 : memref<128x128xf32, #tpu.memory_space<vmem>>) target(%dma_start3A_270 : memref<10112x128xf32, #tpu.memory_space<vmem_shared>>) offsets(%dma_start3A_267 : memref<128xi32, #tpu.memory_space<vmem>>) semaphore(%run_scoped3A : memref<!tpu.dma_semaphore, #tpu.memory_space<semaphore_mem>>) {add = true}
        %dma_wait3A_271 = arith.constant 0 : i32
        %dma_wait3A_272 = tpu.memref_slice %arg9[%mul3A_236, %dma_wait3A_271] : memref<40x128xi32, #tpu.memory_space<vmem>> -> memref<1x128xi32, #tpu.memory_space<vmem>>
        %dma_wait3A_273 = tpu.memref_squeeze %dma_wait3A_272 : memref<1x128xi32, #tpu.memory_space<vmem>> -> memref<128xi32, #tpu.memory_space<vmem>>
        %dma_wait3A_274 = arith.constant 0 : i32
        %dma_wait3A_275 = arith.constant 0 : i32
        %dma_wait3A_276 = tpu.memref_slice %arg7[%dma_wait3A_274, %dma_wait3A_275] : memref<10112x128xf32, #tpu.memory_space<vmem_shared>> -> memref<10112x128xf32, #tpu.memory_space<vmem_shared>>
        tpu.wait_indirect_dma semaphore(%run_scoped3A : memref<!tpu.dma_semaphore, #tpu.memory_space<semaphore_mem>>) src(%arg10 : memref<128x128xf32, #tpu.memory_space<vmem>>) dst(%dma_wait3A_276 : memref<10112x128xf32, #tpu.memory_space<vmem_shared>>)
        tpu.yield
      }) : () -> ()
      %add3A_251 = arith.constant 2 : i32
      %add3A_252 = arith.addi %mul3A_236, %add3A_251 : i32
      %lt3A = arith.constant 40 : i32
      %lt3A_253 = arith.cmpi slt, %add3A_252, %lt3A : i32
      %convert_element_type3A = arith.extui %lt3A_253 : i1 to i32
      %cond3A = arith.constant 0 : i32
      %cond3A_254 = arith.cmpi ne, %convert_element_type3A, %cond3A : i32
      scf.if %cond3A_254 {
        %add3A_265 = arith.constant 2 : i32
        %add3A_266 = arith.addi %mul3A_236, %add3A_265 : i32
        %dma_start3A_267 = arith.constant 0 : i32
        %dma_start3A_268 = tpu.memref_slice %arg8[%add3A_266, %dma_start3A_267] : memref<40x128xi32, #tpu.memory_space<vmem>> -> memref<1x128xi32, #tpu.memory_space<vmem>>
        %dma_start3A_269 = tpu.memref_squeeze %dma_start3A_268 : memref<1x128xi32, #tpu.memory_space<vmem>> -> memref<128xi32, #tpu.memory_space<vmem>>
        %dma_start3A_270 = arith.constant 0 : i32
        %dma_start3A_271 = arith.constant 0 : i32
        %dma_start3A_272 = tpu.memref_slice %arg3[%dma_start3A_270, %dma_start3A_271] : memref<10000x128xf32, #tpu.memory_space<hbm>> -> memref<10000x128xf32, #tpu.memory_space<hbm>>
        tpu.enqueue_indirect_dma source(%dma_start3A_272 : memref<10000x128xf32, #tpu.memory_space<hbm>>) target(%arg10 : memref<128x128xf32, #tpu.memory_space<vmem>>) offsets(%dma_start3A_269 : memref<128xi32, #tpu.memory_space<vmem>>) semaphore(%arg12 : memref<!tpu.dma_semaphore, #tpu.memory_space<semaphore_mem>>)
      } else {
      }
      %add3A_255 = arith.constant 1 : i32
      %add3A_256 = arith.addi %mul3A_236, %add3A_255 : i32
      %dma_wait3A_257 = arith.constant 0 : i32
      %dma_wait3A_258 = tpu.memref_slice %arg8[%add3A_256, %dma_wait3A_257] : memref<40x128xi32, #tpu.memory_space<vmem>> -> memref<1x128xi32, #tpu.memory_space<vmem>>
      %dma_wait3A_259 = tpu.memref_squeeze %dma_wait3A_258 : memref<1x128xi32, #tpu.memory_space<vmem>> -> memref<128xi32, #tpu.memory_space<vmem>>
      %dma_wait3A_260 = arith.constant 0 : i32
      %dma_wait3A_261 = arith.constant 0 : i32
      %dma_wait3A_262 = tpu.memref_slice %arg3[%dma_wait3A_260, %dma_wait3A_261] : memref<10000x128xf32, #tpu.memory_space<hbm>> -> memref<10000x128xf32, #tpu.memory_space<hbm>>
      tpu.wait_indirect_dma semaphore(%arg13 : memref<!tpu.dma_semaphore, #tpu.memory_space<semaphore_mem>>) src(%dma_wait3A_262 : memref<10000x128xf32, #tpu.memory_space<hbm>>) dst(%arg11 : memref<128x128xf32, #tpu.memory_space<vmem>>)
      %add3A_263 = arith.constant 1 : i32
      %add3A_264 = arith.addi %mul3A_236, %add3A_263 : i32
      "tpu.region"() ({
        %run_scoped3A = tpu.sem_alloc : memref<!tpu.dma_semaphore, #tpu.memory_space<semaphore_mem>>
        %dma_start3A_265 = arith.constant 0 : i32
        %dma_start3A_266 = tpu.memref_slice %arg9[%add3A_264, %dma_start3A_265] : memref<40x128xi32, #tpu.memory_space<vmem>> -> memref<1x128xi32, #tpu.memory_space<vmem>>
        %dma_start3A_267 = tpu.memref_squeeze %dma_start3A_266 : memref<1x128xi32, #tpu.memory_space<vmem>> -> memref<128xi32, #tpu.memory_space<vmem>>
        %dma_start3A_268 = arith.constant 0 : i32
        %dma_start3A_269 = arith.constant 0 : i32
        %dma_start3A_270 = tpu.memref_slice %arg7[%dma_start3A_268, %dma_start3A_269] : memref<10112x128xf32, #tpu.memory_space<vmem_shared>> -> memref<10112x128xf32, #tpu.memory_space<vmem_shared>>
        tpu.enqueue_indirect_dma source(%arg11 : memref<128x128xf32, #tpu.memory_space<vmem>>) target(%dma_start3A_270 : memref<10112x128xf32, #tpu.memory_space<vmem_shared>>) offsets(%dma_start3A_267 : memref<128xi32, #tpu.memory_space<vmem>>) semaphore(%run_scoped3A : memref<!tpu.dma_semaphore, #tpu.memory_space<semaphore_mem>>) {add = true}
        %dma_wait3A_271 = arith.constant 0 : i32
        %dma_wait3A_272 = tpu.memref_slice %arg9[%add3A_264, %dma_wait3A_271] : memref<40x128xi32, #tpu.memory_space<vmem>> -> memref<1x128xi32, #tpu.memory_space<vmem>>
        %dma_wait3A_273 = tpu.memref_squeeze %dma_wait3A_272 : memref<1x128xi32, #tpu.memory_space<vmem>> -> memref<128xi32, #tpu.memory_space<vmem>>
        %dma_wait3A_274 = arith.constant 0 : i32
        %dma_wait3A_275 = arith.constant 0 : i32
        %dma_wait3A_276 = tpu.memref_slice %arg7[%dma_wait3A_274, %dma_wait3A_275] : memref<10112x128xf32, #tpu.memory_space<vmem_shared>> -> memref<10112x128xf32, #tpu.memory_space<vmem_shared>>
        tpu.wait_indirect_dma semaphore(%run_scoped3A : memref<!tpu.dma_semaphore, #tpu.memory_space<semaphore_mem>>) src(%arg11 : memref<128x128xf32, #tpu.memory_space<vmem>>) dst(%dma_wait3A_276 : memref<10112x128xf32, #tpu.memory_space<vmem_shared>>)
        tpu.yield
      }) : () -> ()
    }
    %scan3A_207 = arith.constant 20 : i32
    %add3A_208 = arith.constant 0 : i32
    %add3A_209 = arith.addi %multiple_of3A, %add3A_208 : i32
    "tpu.region"() ({
      %run_scoped3A = tpu.sem_alloc : memref<!tpu.dma_semaphore, #tpu.memory_space<semaphore_mem>>
      %dma_start3A_234 = arith.constant 0 : i32
      %dma_start3A_235 = tpu.memref_slice %arg4[%add3A_209, %dma_start3A_234] : memref<2560x128xi32, #tpu.memory_space<hbm>> -> memref<40x128xi32, #tpu.memory_space<hbm>>
      %dma_start3A_236 = arith.constant 0 : i32
      %dma_start3A_237 = tpu.memref_slice %arg4[%add3A_209, %dma_start3A_236] : memref<2560x128xi32, #tpu.memory_space<hbm>> -> memref<40x128xi32, #tpu.memory_space<hbm>>
      tpu.enqueue_dma source(%dma_start3A_237 : memref<40x128xi32, #tpu.memory_space<hbm>>) target(%arg8 : memref<40x128xi32, #tpu.memory_space<vmem>>) target_semaphore(%run_scoped3A : memref<!tpu.dma_semaphore, #tpu.memory_space<semaphore_mem>>)
      %dma_wait3A_238 = arith.constant 0 : i32
      %dma_wait3A_239 = tpu.memref_slice %arg4[%add3A_209, %dma_wait3A_238] : memref<2560x128xi32, #tpu.memory_space<hbm>> -> memref<40x128xi32, #tpu.memory_space<hbm>>
      %dma_wait3A_240 = arith.constant 0 : i32
      %dma_wait3A_241 = tpu.memref_slice %arg4[%add3A_209, %dma_wait3A_240] : memref<2560x128xi32, #tpu.memory_space<hbm>> -> memref<40x128xi32, #tpu.memory_space<hbm>>
      tpu.wait_dma2 semaphore(%run_scoped3A : memref<!tpu.dma_semaphore, #tpu.memory_space<semaphore_mem>>) src(%dma_wait3A_241 : memref<40x128xi32, #tpu.memory_space<hbm>>) dst(%arg8 : memref<40x128xi32, #tpu.memory_space<vmem>>)
      tpu.yield
    }) : () -> ()
    %add3A_210 = arith.constant 0 : i32
    %add3A_211 = arith.addi %multiple_of3A, %add3A_210 : i32
    "tpu.region"() ({
      %run_scoped3A = tpu.sem_alloc : memref<!tpu.dma_semaphore, #tpu.memory_space<semaphore_mem>>
      %dma_start3A_234 = arith.constant 0 : i32
      %dma_start3A_235 = tpu.memref_slice %arg5[%add3A_211, %dma_start3A_234] : memref<2560x128xi32, #tpu.memory_space<hbm>> -> memref<40x128xi32, #tpu.memory_space<hbm>>
      %dma_start3A_236 = arith.constant 0 : i32
      %dma_start3A_237 = tpu.memref_slice %arg5[%add3A_211, %dma_start3A_236] : memref<2560x128xi32, #tpu.memory_space<hbm>> -> memref<40x128xi32, #tpu.memory_space<hbm>>
      tpu.enqueue_dma source(%dma_start3A_237 : memref<40x128xi32, #tpu.memory_space<hbm>>) target(%arg9 : memref<40x128xi32, #tpu.memory_space<vmem>>) target_semaphore(%run_scoped3A : memref<!tpu.dma_semaphore, #tpu.memory_space<semaphore_mem>>)
      %dma_wait3A_238 = arith.constant 0 : i32
      %dma_wait3A_239 = tpu.memref_slice %arg5[%add3A_211, %dma_wait3A_238] : memref<2560x128xi32, #tpu.memory_space<hbm>> -> memref<40x128xi32, #tpu.memory_space<hbm>>
      %dma_wait3A_240 = arith.constant 0 : i32
      %dma_wait3A_241 = tpu.memref_slice %arg5[%add3A_211, %dma_wait3A_240] : memref<2560x128xi32, #tpu.memory_space<hbm>> -> memref<40x128xi32, #tpu.memory_space<hbm>>
      tpu.wait_dma2 semaphore(%run_scoped3A : memref<!tpu.dma_semaphore, #tpu.memory_space<semaphore_mem>>) src(%dma_wait3A_241 : memref<40x128xi32, #tpu.memory_space<hbm>>) dst(%arg9 : memref<40x128xi32, #tpu.memory_space<vmem>>)
      tpu.yield
    }) : () -> ()
    %dma_start3A_212 = arith.constant 0 : i32
    %dma_start3A_213 = arith.constant 0 : i32
    %dma_start3A_214 = tpu.memref_slice %arg8[%dma_start3A_212, %dma_start3A_213] : memref<40x128xi32, #tpu.memory_space<vmem>> -> memref<1x128xi32, #tpu.memory_space<vmem>>
    %dma_start3A_215 = tpu.memref_squeeze %dma_start3A_214 : memref<1x128xi32, #tpu.memory_space<vmem>> -> memref<128xi32, #tpu.memory_space<vmem>>
    %dma_start3A_216 = arith.constant 0 : i32
    %dma_start3A_217 = arith.constant 0 : i32
    %dma_start3A_218 = tpu.memref_slice %arg3[%dma_start3A_216, %dma_start3A_217] : memref<10000x128xf32, #tpu.memory_space<hbm>> -> memref<10000x128xf32, #tpu.memory_space<hbm>>
    tpu.enqueue_indirect_dma source(%dma_start3A_218 : memref<10000x128xf32, #tpu.memory_space<hbm>>) target(%arg10 : memref<128x128xf32, #tpu.memory_space<vmem>>) offsets(%dma_start3A_215 : memref<128xi32, #tpu.memory_space<vmem>>) semaphore(%arg12 : memref<!tpu.dma_semaphore, #tpu.memory_space<semaphore_mem>>)
    %scan3A_219 = arith.constant 0 : i32
    %scan3A_220 = arith.constant 0 : i32
    %scan3A_221 = arith.constant 20 : i32
    %scan3A_222 = arith.addi %scan3A_220, %scan3A_221 : i32
    %scan3A_223 = arith.constant 1 : i32
    scf.for %scan3A_234 = %scan3A_220 to %scan3A_222 step %scan3A_223  : i32 {
      %mul3A_235 = arith.constant 2 : i32
      %mul3A_236 = arith.muli %mul3A_235, %scan3A_234 : i32
      %add3A_237 = arith.constant 1 : i32
      %add3A_238 = arith.addi %mul3A_236, %add3A_237 : i32
      %dma_start3A_239 = arith.constant 0 : i32
      %dma_start3A_240 = tpu.memref_slice %arg8[%add3A_238, %dma_start3A_239] : memref<40x128xi32, #tpu.memory_space<vmem>> -> memref<1x128xi32, #tpu.memory_space<vmem>>
      %dma_start3A_241 = tpu.memref_squeeze %dma_start3A_240 : memref<1x128xi32, #tpu.memory_space<vmem>> -> memref<128xi32, #tpu.memory_space<vmem>>
      %dma_start3A_242 = arith.constant 0 : i32
      %dma_start3A_243 = arith.constant 0 : i32
      %dma_start3A_244 = tpu.memref_slice %arg3[%dma_start3A_242, %dma_start3A_243] : memref<10000x128xf32, #tpu.memory_space<hbm>> -> memref<10000x128xf32, #tpu.memory_space<hbm>>
      tpu.enqueue_indirect_dma source(%dma_start3A_244 : memref<10000x128xf32, #tpu.memory_space<hbm>>) target(%arg11 : memref<128x128xf32, #tpu.memory_space<vmem>>) offsets(%dma_start3A_241 : memref<128xi32, #tpu.memory_space<vmem>>) semaphore(%arg13 : memref<!tpu.dma_semaphore, #tpu.memory_space<semaphore_mem>>)
      %dma_wait3A_245 = arith.constant 0 : i32
      %dma_wait3A_246 = tpu.memref_slice %arg8[%mul3A_236, %dma_wait3A_245] : memref<40x128xi32, #tpu.memory_space<vmem>> -> memref<1x128xi32, #tpu.memory_space<vmem>>
      %dma_wait3A_247 = tpu.memref_squeeze %dma_wait3A_246 : memref<1x128xi32, #tpu.memory_space<vmem>> -> memref<128xi32, #tpu.memory_space<vmem>>
      %dma_wait3A_248 = arith.constant 0 : i32
      %dma_wait3A_249 = arith.constant 0 : i32
      %dma_wait3A_250 = tpu.memref_slice %arg3[%dma_wait3A_248, %dma_wait3A_249] : memref<10000x128xf32, #tpu.memory_space<hbm>> -> memref<10000x128xf32, #tpu.memory_space<hbm>>
      tpu.wait_indirect_dma semaphore(%arg12 : memref<!tpu.dma_semaphore, #tpu.memory_space<semaphore_mem>>) src(%dma_wait3A_250 : memref<10000x128xf32, #tpu.memory_space<hbm>>) dst(%arg10 : memref<128x128xf32, #tpu.memory_space<vmem>>)
      "tpu.region"() ({
        %run_scoped3A = tpu.sem_alloc : memref<!tpu.dma_semaphore, #tpu.memory_space<semaphore_mem>>
        %dma_start3A_265 = arith.constant 0 : i32
        %dma_start3A_266 = tpu.memref_slice %arg9[%mul3A_236, %dma_start3A_265] : memref<40x128xi32, #tpu.memory_space<vmem>> -> memref<1x128xi32, #tpu.memory_space<vmem>>
        %dma_start3A_267 = tpu.memref_squeeze %dma_start3A_266 : memref<1x128xi32, #tpu.memory_space<vmem>> -> memref<128xi32, #tpu.memory_space<vmem>>
        %dma_start3A_268 = arith.constant 0 : i32
        %dma_start3A_269 = arith.constant 0 : i32
        %dma_start3A_270 = tpu.memref_slice %arg7[%dma_start3A_268, %dma_start3A_269] : memref<10112x128xf32, #tpu.memory_space<vmem_shared>> -> memref<10112x128xf32, #tpu.memory_space<vmem_shared>>
        tpu.enqueue_indirect_dma source(%arg10 : memref<128x128xf32, #tpu.memory_space<vmem>>) target(%dma_start3A_270 : memref<10112x128xf32, #tpu.memory_space<vmem_shared>>) offsets(%dma_start3A_267 : memref<128xi32, #tpu.memory_space<vmem>>) semaphore(%run_scoped3A : memref<!tpu.dma_semaphore, #tpu.memory_space<semaphore_mem>>) {add = true}
        %dma_wait3A_271 = arith.constant 0 : i32
        %dma_wait3A_272 = tpu.memref_slice %arg9[%mul3A_236, %dma_wait3A_271] : memref<40x128xi32, #tpu.memory_space<vmem>> -> memref<1x128xi32, #tpu.memory_space<vmem>>
        %dma_wait3A_273 = tpu.memref_squeeze %dma_wait3A_272 : memref<1x128xi32, #tpu.memory_space<vmem>> -> memref<128xi32, #tpu.memory_space<vmem>>
        %dma_wait3A_274 = arith.constant 0 : i32
        %dma_wait3A_275 = arith.constant 0 : i32
        %dma_wait3A_276 = tpu.memref_slice %arg7[%dma_wait3A_274, %dma_wait3A_275] : memref<10112x128xf32, #tpu.memory_space<vmem_shared>> -> memref<10112x128xf32, #tpu.memory_space<vmem_shared>>
        tpu.wait_indirect_dma semaphore(%run_scoped3A : memref<!tpu.dma_semaphore, #tpu.memory_space<semaphore_mem>>) src(%arg10 : memref<128x128xf32, #tpu.memory_space<vmem>>) dst(%dma_wait3A_276 : memref<10112x128xf32, #tpu.memory_space<vmem_shared>>)
        tpu.yield
      }) : () -> ()
      %add3A_251 = arith.constant 2 : i32
      %add3A_252 = arith.addi %mul3A_236, %add3A_251 : i32
      %lt3A = arith.constant 40 : i32
      %lt3A_253 = arith.cmpi slt, %add3A_252, %lt3A : i32
      %convert_element_type3A = arith.extui %lt3A_253 : i1 to i32
      %cond3A = arith.constant 0 : i32
      %cond3A_254 = arith.cmpi ne, %convert_element_type3A, %cond3A : i32
      scf.if %cond3A_254 {
        %add3A_265 = arith.constant 2 : i32
        %add3A_266 = arith.addi %mul3A_236, %add3A_265 : i32
        %dma_start3A_267 = arith.constant 0 : i32
        %dma_start3A_268 = tpu.memref_slice %arg8[%add3A_266, %dma_start3A_267] : memref<40x128xi32, #tpu.memory_space<vmem>> -> memref<1x128xi32, #tpu.memory_space<vmem>>
        %dma_start3A_269 = tpu.memref_squeeze %dma_start3A_268 : memref<1x128xi32, #tpu.memory_space<vmem>> -> memref<128xi32, #tpu.memory_space<vmem>>
        %dma_start3A_270 = arith.constant 0 : i32
        %dma_start3A_271 = arith.constant 0 : i32
        %dma_start3A_272 = tpu.memref_slice %arg3[%dma_start3A_270, %dma_start3A_271] : memref<10000x128xf32, #tpu.memory_space<hbm>> -> memref<10000x128xf32, #tpu.memory_space<hbm>>
        tpu.enqueue_indirect_dma source(%dma_start3A_272 : memref<10000x128xf32, #tpu.memory_space<hbm>>) target(%arg10 : memref<128x128xf32, #tpu.memory_space<vmem>>) offsets(%dma_start3A_269 : memref<128xi32, #tpu.memory_space<vmem>>) semaphore(%arg12 : memref<!tpu.dma_semaphore, #tpu.memory_space<semaphore_mem>>)
      } else {
      }
      %add3A_255 = arith.constant 1 : i32
      %add3A_256 = arith.addi %mul3A_236, %add3A_255 : i32
      %dma_wait3A_257 = arith.constant 0 : i32
      %dma_wait3A_258 = tpu.memref_slice %arg8[%add3A_256, %dma_wait3A_257] : memref<40x128xi32, #tpu.memory_space<vmem>> -> memref<1x128xi32, #tpu.memory_space<vmem>>
      %dma_wait3A_259 = tpu.memref_squeeze %dma_wait3A_258 : memref<1x128xi32, #tpu.memory_space<vmem>> -> memref<128xi32, #tpu.memory_space<vmem>>
      %dma_wait3A_260 = arith.constant 0 : i32
      %dma_wait3A_261 = arith.constant 0 : i32
      %dma_wait3A_262 = tpu.memref_slice %arg3[%dma_wait3A_260, %dma_wait3A_261] : memref<10000x128xf32, #tpu.memory_space<hbm>> -> memref<10000x128xf32, #tpu.memory_space<hbm>>
      tpu.wait_indirect_dma semaphore(%arg13 : memref<!tpu.dma_semaphore, #tpu.memory_space<semaphore_mem>>) src(%dma_wait3A_262 : memref<10000x128xf32, #tpu.memory_space<hbm>>) dst(%arg11 : memref<128x128xf32, #tpu.memory_space<vmem>>)
      %add3A_263 = arith.constant 1 : i32
      %add3A_264 = arith.addi %mul3A_236, %add3A_263 : i32
      "tpu.region"() ({
        %run_scoped3A = tpu.sem_alloc : memref<!tpu.dma_semaphore, #tpu.memory_space<semaphore_mem>>
        %dma_start3A_265 = arith.constant 0 : i32
        %dma_start3A_266 = tpu.memref_slice %arg9[%add3A_264, %dma_start3A_265] : memref<40x128xi32, #tpu.memory_space<vmem>> -> memref<1x128xi32, #tpu.memory_space<vmem>>
        %dma_start3A_267 = tpu.memref_squeeze %dma_start3A_266 : memref<1x128xi32, #tpu.memory_space<vmem>> -> memref<128xi32, #tpu.memory_space<vmem>>
        %dma_start3A_268 = arith.constant 0 : i32
        %dma_start3A_269 = arith.constant 0 : i32
        %dma_start3A_270 = tpu.memref_slice %arg7[%dma_start3A_268, %dma_start3A_269] : memref<10112x128xf32, #tpu.memory_space<vmem_shared>> -> memref<10112x128xf32, #tpu.memory_space<vmem_shared>>
        tpu.enqueue_indirect_dma source(%arg11 : memref<128x128xf32, #tpu.memory_space<vmem>>) target(%dma_start3A_270 : memref<10112x128xf32, #tpu.memory_space<vmem_shared>>) offsets(%dma_start3A_267 : memref<128xi32, #tpu.memory_space<vmem>>) semaphore(%run_scoped3A : memref<!tpu.dma_semaphore, #tpu.memory_space<semaphore_mem>>) {add = true}
        %dma_wait3A_271 = arith.constant 0 : i32
        %dma_wait3A_272 = tpu.memref_slice %arg9[%add3A_264, %dma_wait3A_271] : memref<40x128xi32, #tpu.memory_space<vmem>> -> memref<1x128xi32, #tpu.memory_space<vmem>>
        %dma_wait3A_273 = tpu.memref_squeeze %dma_wait3A_272 : memref<1x128xi32, #tpu.memory_space<vmem>> -> memref<128xi32, #tpu.memory_space<vmem>>
        %dma_wait3A_274 = arith.constant 0 : i32
        %dma_wait3A_275 = arith.constant 0 : i32
        %dma_wait3A_276 = tpu.memref_slice %arg7[%dma_wait3A_274, %dma_wait3A_275] : memref<10112x128xf32, #tpu.memory_space<vmem_shared>> -> memref<10112x128xf32, #tpu.memory_space<vmem_shared>>
        tpu.wait_indirect_dma semaphore(%run_scoped3A : memref<!tpu.dma_semaphore, #tpu.memory_space<semaphore_mem>>) src(%arg11 : memref<128x128xf32, #tpu.memory_space<vmem>>) dst(%dma_wait3A_276 : memref<10112x128xf32, #tpu.memory_space<vmem_shared>>)
        tpu.yield
      }) : () -> ()
    }
    %scan3A_224 = arith.constant 20 : i32
    %barrier3A_225 = arith.constant 0 : index
    tpu.barrier barrier_id(%barrier3A_225)
    %mul3A_226 = arith.constant 10112 : i32
    %mul3A_227 = arith.muli %arg0, %mul3A_226 : i32
    %add3A_228 = arith.constant 20224 : i32
    %add3A_229 = arith.addi %add3A_228, %mul3A_227 : i32
    %mul3A_230 = arith.constant 632 : i32
    %mul3A_231 = arith.muli %arg1, %mul3A_230 : i32
    %add3A_232 = arith.addi %add3A_229, %mul3A_231 : i32
    %multiple_of3A_233 = tpu.assume_multiple %add3A_232, 8 : i32
    "tpu.region"() ({
      %run_scoped3A = tpu.sem_alloc : memref<!tpu.dma_semaphore, #tpu.memory_space<semaphore_mem>>
      %dma_start3A_234 = arith.constant 0 : i32
      %dma_start3A_235 = tpu.memref_slice %arg6[%multiple_of3A_233, %dma_start3A_234] : memref<40448x128xf32, #tpu.memory_space<hbm>> -> memref<632x128xf32, #tpu.memory_space<hbm>>
      %dma_start3A_236 = arith.constant 0 : i32
      %dma_start3A_237 = tpu.memref_slice %arg7[%multiple_of3A_5, %dma_start3A_236] : memref<10112x128xf32, #tpu.memory_space<vmem_shared>> -> memref<632x128xf32, #tpu.memory_space<vmem_shared>>
      tpu.enqueue_dma source(%dma_start3A_237 : memref<632x128xf32, #tpu.memory_space<vmem_shared>>) target(%dma_start3A_235 : memref<632x128xf32, #tpu.memory_space<hbm>>) target_semaphore(%run_scoped3A : memref<!tpu.dma_semaphore, #tpu.memory_space<semaphore_mem>>)
      %dma_wait3A_238 = arith.constant 0 : i32
      %dma_wait3A_239 = tpu.memref_slice %arg6[%multiple_of3A_233, %dma_wait3A_238] : memref<40448x128xf32, #tpu.memory_space<hbm>> -> memref<632x128xf32, #tpu.memory_space<hbm>>
      %dma_wait3A_240 = arith.constant 0 : i32
      %dma_wait3A_241 = tpu.memref_slice %arg7[%multiple_of3A_5, %dma_wait3A_240] : memref<10112x128xf32, #tpu.memory_space<vmem_shared>> -> memref<632x128xf32, #tpu.memory_space<vmem_shared>>
      tpu.wait_dma2 semaphore(%run_scoped3A : memref<!tpu.dma_semaphore, #tpu.memory_space<semaphore_mem>>) src(%dma_wait3A_241 : memref<632x128xf32, #tpu.memory_space<vmem_shared>>) dst(%dma_wait3A_239 : memref<632x128xf32, #tpu.memory_space<hbm>>)
      tpu.yield
    }) : () -> ()
    return
  }
}

#map = affine_map<(d0, d1) -> (0, 0)>
module attributes {stable_mosaic.version = 14 : i64} {
  func.func @_seg_sum_body(%arg0: i32, %arg1: i32, %arg2: memref<10000x128xf32, #tpu.memory_space<hbm>>, %arg3: memref<2560x128xi32, #tpu.memory_space<hbm>>, %arg4: memref<2560x128xi32, #tpu.memory_space<hbm>>, %arg5: memref<20224x128xf32, #tpu.memory_space<hbm>>, %arg6: memref<10112x128xf32, #tpu.memory_space<vmem_shared>>, %arg7: memref<40x128xi32, #tpu.memory_space<vmem>>, %arg8: memref<40x128xi32, #tpu.memory_space<vmem>>, %arg9: memref<128x128xf32, #tpu.memory_space<vmem>>, %arg10: memref<128x128xf32, #tpu.memory_space<vmem>>, %arg11: memref<!tpu.dma_semaphore, #tpu.memory_space<semaphore_mem>>, %arg12: memref<!tpu.dma_semaphore, #tpu.memory_space<semaphore_mem>>, %arg13: memref<!tpu.dma_semaphore, #tpu.memory_space<semaphore_mem>>) attributes {dimension_semantics = [#tpu.dimension_semantics<core_parallel>, #tpu.dimension_semantics<subcore_parallel>], iteration_bounds = array<i64: 2, 16>, scalar_prefetch = 0 : i64, scratch_operands = 8 : i64, tpu.core_type = #tpu.core_type<sc_vector_subcore>, window_params = [{transform_indices = #map}, {transform_indices = #map}, {transform_indices = #map}, {transform_indices = #map}]} {
    %mul3A = arith.constant 16 : i32
    %mul3A_0 = arith.muli %arg0, %mul3A : i32
    %add3A = arith.addi %mul3A_0, %arg1 : i32
    %mul3A_1 = arith.constant 80 : i32
    %mul3A_2 = arith.muli %add3A, %mul3A_1 : i32
    %multiple_of3A = tpu.assume_multiple %mul3A_2, 8 : i32
    %mul3A_3 = arith.constant 632 : i32
    %mul3A_4 = arith.muli %arg1, %mul3A_3 : i32
    %multiple_of3A_5 = tpu.assume_multiple %mul3A_4, 8 : i32
    %mul3A_6 = arith.constant 10112 : i32
    %mul3A_7 = arith.muli %arg0, %mul3A_6 : i32
    %mul3A_8 = arith.constant 632 : i32
    %mul3A_9 = arith.muli %arg1, %mul3A_8 : i32
    %add3A_10 = arith.addi %mul3A_7, %mul3A_9 : i32
    %multiple_of3A_11 = tpu.assume_multiple %add3A_10, 8 : i32
    %dma_start3A = arith.constant 0 : i32
    %dma_start3A_12 = tpu.memref_slice %arg3[%multiple_of3A, %dma_start3A] : memref<2560x128xi32, #tpu.memory_space<hbm>> -> memref<40x128xi32, #tpu.memory_space<hbm>>
    %dma_start3A_13 = arith.constant 0 : i32
    %dma_start3A_14 = tpu.memref_slice %arg3[%multiple_of3A, %dma_start3A_13] : memref<2560x128xi32, #tpu.memory_space<hbm>> -> memref<40x128xi32, #tpu.memory_space<hbm>>
    tpu.enqueue_dma source(%dma_start3A_14 : memref<40x128xi32, #tpu.memory_space<hbm>>) target(%arg7 : memref<40x128xi32, #tpu.memory_space<vmem>>) target_semaphore(%arg13 : memref<!tpu.dma_semaphore, #tpu.memory_space<semaphore_mem>>)
    %dma_start3A_15 = arith.constant 0 : i32
    %dma_start3A_16 = tpu.memref_slice %arg4[%multiple_of3A, %dma_start3A_15] : memref<2560x128xi32, #tpu.memory_space<hbm>> -> memref<40x128xi32, #tpu.memory_space<hbm>>
    %dma_start3A_17 = arith.constant 0 : i32
    %dma_start3A_18 = tpu.memref_slice %arg4[%multiple_of3A, %dma_start3A_17] : memref<2560x128xi32, #tpu.memory_space<hbm>> -> memref<40x128xi32, #tpu.memory_space<hbm>>
    tpu.enqueue_dma source(%dma_start3A_18 : memref<40x128xi32, #tpu.memory_space<hbm>>) target(%arg8 : memref<40x128xi32, #tpu.memory_space<vmem>>) target_semaphore(%arg13 : memref<!tpu.dma_semaphore, #tpu.memory_space<semaphore_mem>>)
    %scan3A = arith.constant 0 : i32
    %scan3A_19 = arith.constant 0 : i32
    %scan3A_20 = arith.constant 1024 : i32
    %scan3A_21 = arith.addi %scan3A_19, %scan3A_20 : i32
    %scan3A_22 = arith.constant 1 : i32
    scf.for %scan3A_124 = %scan3A_19 to %scan3A_21 step %scan3A_22  : i32 {
      %broadcast_in_dim3A = arith.constant 0.000000e+00 : f32
      %broadcast_in_dim3A_125 = vector.broadcast %broadcast_in_dim3A : f32 to vector<16xf32>
      %jit3A = arith.constant 8 : i32
      %div3A = arith.divsi %scan3A_124, %jit3A : i32
      %sign3A = arith.constant 0 : i32
      %sign3A_126 = arith.cmpi sgt, %scan3A_124, %sign3A : i32
      %sign3A_127 = arith.extui %sign3A_126 : i1 to i32
      %sign3A_128 = arith.constant 0 : i32
      %sign3A_129 = arith.cmpi slt, %scan3A_124, %sign3A_128 : i32
      %sign3A_130 = arith.extui %sign3A_129 : i1 to i32
      %sign3A_131 = arith.subi %sign3A_127, %sign3A_130 : i32
      %sign3A_132 = arith.constant 0 : i32
      %sign3A_133 = arith.cmpi sgt, %jit3A, %sign3A_132 : i32
      %sign3A_134 = arith.extui %sign3A_133 : i1 to i32
      %sign3A_135 = arith.constant 0 : i32
      %sign3A_136 = arith.cmpi slt, %jit3A, %sign3A_135 : i32
      %sign3A_137 = arith.extui %sign3A_136 : i1 to i32
      %sign3A_138 = arith.subi %sign3A_134, %sign3A_137 : i32
      %ne3A = arith.cmpi ne, %sign3A_131, %sign3A_138 : i32
      %rem3A = arith.remsi %scan3A_124, %jit3A : i32
      %ne3A_139 = arith.constant 0 : i32
      %ne3A_140 = arith.cmpi ne, %rem3A, %ne3A_139 : i32
      %and3A = arith.andi %ne3A, %ne3A_140 : i1
      %sub3A = arith.constant 1 : i32
      %sub3A_141 = arith.subi %div3A, %sub3A : i32
      %select_n3A = arith.select %and3A, %sub3A_141, %div3A : i32
      %jit3A_142 = arith.constant 8 : i32
      %eq3A = arith.constant 0 : i32
      %eq3A_143 = arith.cmpi eq, %jit3A_142, %eq3A : i32
      %jit3A_144 = arith.constant 1 : i32
      %select_n3A_145 = arith.select %eq3A_143, %jit3A_144, %jit3A_142 : i32
      %rem3A_146 = arith.remsi %scan3A_124, %select_n3A_145 : i32
      %ne3A_147 = arith.constant 0 : i32
      %ne3A_148 = arith.cmpi ne, %rem3A_146, %ne3A_147 : i32
      %lt3A = arith.constant 0 : i32
      %lt3A_149 = arith.cmpi slt, %rem3A_146, %lt3A : i32
      %lt3A_150 = arith.constant 0 : i32
      %lt3A_151 = arith.cmpi slt, %select_n3A_145, %lt3A_150 : i32
      %ne3A_152 = arith.xori %lt3A_149, %lt3A_151 : i1
      %and3A_153 = arith.andi %ne3A_152, %ne3A_148 : i1
      %add3A_154 = arith.addi %rem3A_146, %select_n3A_145 : i32
      %select_n3A_155 = arith.select %and3A_153, %add3A_154, %rem3A_146 : i32
      %mul3A_156 = arith.constant 16 : i32
      %mul3A_157 = arith.muli %select_n3A_155, %mul3A_156 : i32
      %swap3A = arith.index_cast %select_n3A : i32 to index
      %swap3A_158 = arith.index_cast %mul3A_157 : i32 to index
      %swap3A_159 = tpu.vector_load %arg9[%swap3A, %swap3A_158] {strides = array<i32>} : memref<128x128xf32, #tpu.memory_space<vmem>>, vector<1x16xf32>,
      %swap3A_160 = vector.shape_cast %swap3A_159 : vector<1x16xf32> to vector<16xf32>
      %swap3A_161 = vector.shape_cast %broadcast_in_dim3A_125 : vector<16xf32> to vector<1x16xf32>
      tpu.vector_store %arg9[%swap3A, %swap3A_158], %swap3A_161 {strides = array<i32>} : memref<128x128xf32, #tpu.memory_space<vmem>>, vector<1x16xf32>,
    }
    %scan3A_23 = arith.constant 1024 : i32
    %add3A_24 = arith.constant 0 : i32
    %add3A_25 = arith.addi %multiple_of3A_5, %add3A_24 : i32
    %dma_start3A_26 = arith.constant 0 : i32
    %dma_start3A_27 = tpu.memref_slice %arg6[%add3A_25, %dma_start3A_26] : memref<10112x128xf32, #tpu.memory_space<vmem_shared>> -> memref<128x128xf32, #tpu.memory_space<vmem_shared>>
    %dma_start3A_28 = arith.constant 0 : i32
    %dma_start3A_29 = tpu.memref_slice %arg6[%add3A_25, %dma_start3A_28] : memref<10112x128xf32, #tpu.memory_space<vmem_shared>> -> memref<128x128xf32, #tpu.memory_space<vmem_shared>>
    tpu.enqueue_dma source(%arg9 : memref<128x128xf32, #tpu.memory_space<vmem>>) target(%dma_start3A_29 : memref<128x128xf32, #tpu.memory_space<vmem_shared>>) target_semaphore(%arg11 : memref<!tpu.dma_semaphore, #tpu.memory_space<semaphore_mem>>)
    %add3A_30 = arith.constant 128 : i32
    %add3A_31 = arith.addi %multiple_of3A_5, %add3A_30 : i32
    %dma_start3A_32 = arith.constant 0 : i32
    %dma_start3A_33 = tpu.memref_slice %arg6[%add3A_31, %dma_start3A_32] : memref<10112x128xf32, #tpu.memory_space<vmem_shared>> -> memref<128x128xf32, #tpu.memory_space<vmem_shared>>
    %dma_start3A_34 = arith.constant 0 : i32
    %dma_start3A_35 = tpu.memref_slice %arg6[%add3A_31, %dma_start3A_34] : memref<10112x128xf32, #tpu.memory_space<vmem_shared>> -> memref<128x128xf32, #tpu.memory_space<vmem_shared>>
    tpu.enqueue_dma source(%arg9 : memref<128x128xf32, #tpu.memory_space<vmem>>) target(%dma_start3A_35 : memref<128x128xf32, #tpu.memory_space<vmem_shared>>) target_semaphore(%arg11 : memref<!tpu.dma_semaphore, #tpu.memory_space<semaphore_mem>>)
    %add3A_36 = arith.constant 256 : i32
    %add3A_37 = arith.addi %multiple_of3A_5, %add3A_36 : i32
    %dma_start3A_38 = arith.constant 0 : i32
    %dma_start3A_39 = tpu.memref_slice %arg6[%add3A_37, %dma_start3A_38] : memref<10112x128xf32, #tpu.memory_space<vmem_shared>> -> memref<128x128xf32, #tpu.memory_space<vmem_shared>>
    %dma_start3A_40 = arith.constant 0 : i32
    %dma_start3A_41 = tpu.memref_slice %arg6[%add3A_37, %dma_start3A_40] : memref<10112x128xf32, #tpu.memory_space<vmem_shared>> -> memref<128x128xf32, #tpu.memory_space<vmem_shared>>
    tpu.enqueue_dma source(%arg9 : memref<128x128xf32, #tpu.memory_space<vmem>>) target(%dma_start3A_41 : memref<128x128xf32, #tpu.memory_space<vmem_shared>>) target_semaphore(%arg11 : memref<!tpu.dma_semaphore, #tpu.memory_space<semaphore_mem>>)
    %add3A_42 = arith.constant 384 : i32
    %add3A_43 = arith.addi %multiple_of3A_5, %add3A_42 : i32
    %dma_start3A_44 = arith.constant 0 : i32
    %dma_start3A_45 = tpu.memref_slice %arg6[%add3A_43, %dma_start3A_44] : memref<10112x128xf32, #tpu.memory_space<vmem_shared>> -> memref<128x128xf32, #tpu.memory_space<vmem_shared>>
    %dma_start3A_46 = arith.constant 0 : i32
    %dma_start3A_47 = tpu.memref_slice %arg6[%add3A_43, %dma_start3A_46] : memref<10112x128xf32, #tpu.memory_space<vmem_shared>> -> memref<128x128xf32, #tpu.memory_space<vmem_shared>>
    tpu.enqueue_dma source(%arg9 : memref<128x128xf32, #tpu.memory_space<vmem>>) target(%dma_start3A_47 : memref<128x128xf32, #tpu.memory_space<vmem_shared>>) target_semaphore(%arg11 : memref<!tpu.dma_semaphore, #tpu.memory_space<semaphore_mem>>)
    %add3A_48 = arith.constant 512 : i32
    %add3A_49 = arith.addi %multiple_of3A_5, %add3A_48 : i32
    %dma_start3A_50 = arith.constant 0 : i32
    %dma_start3A_51 = arith.constant 0 : i32
    %dma_start3A_52 = tpu.memref_slice %arg9[%dma_start3A_50, %dma_start3A_51] : memref<128x128xf32, #tpu.memory_space<vmem>> -> memref<120x128xf32, #tpu.memory_space<vmem>>
    %dma_start3A_53 = arith.constant 0 : i32
    %dma_start3A_54 = tpu.memref_slice %arg6[%add3A_49, %dma_start3A_53] : memref<10112x128xf32, #tpu.memory_space<vmem_shared>> -> memref<120x128xf32, #tpu.memory_space<vmem_shared>>
    %dma_start3A_55 = arith.constant 0 : i32
    %dma_start3A_56 = tpu.memref_slice %arg6[%add3A_49, %dma_start3A_55] : memref<10112x128xf32, #tpu.memory_space<vmem_shared>> -> memref<120x128xf32, #tpu.memory_space<vmem_shared>>
    %dma_start3A_57 = arith.constant 0 : i32
    %dma_start3A_58 = arith.constant 0 : i32
    %dma_start3A_59 = tpu.memref_slice %arg9[%dma_start3A_57, %dma_start3A_58] : memref<128x128xf32, #tpu.memory_space<vmem>> -> memref<120x128xf32, #tpu.memory_space<vmem>>
    tpu.enqueue_dma source(%dma_start3A_59 : memref<120x128xf32, #tpu.memory_space<vmem>>) target(%dma_start3A_56 : memref<120x128xf32, #tpu.memory_space<vmem_shared>>) target_semaphore(%arg11 : memref<!tpu.dma_semaphore, #tpu.memory_space<semaphore_mem>>)
    %dma_wait3A = arith.constant 0 : i32
    %dma_wait3A_60 = tpu.memref_slice %arg6[%add3A_25, %dma_wait3A] : memref<10112x128xf32, #tpu.memory_space<vmem_shared>> -> memref<128x128xf32, #tpu.memory_space<vmem_shared>>
    %dma_wait3A_61 = arith.constant 0 : i32
    %dma_wait3A_62 = tpu.memref_slice %arg6[%add3A_25, %dma_wait3A_61] : memref<10112x128xf32, #tpu.memory_space<vmem_shared>> -> memref<128x128xf32, #tpu.memory_space<vmem_shared>>
    tpu.wait_dma2 semaphore(%arg11 : memref<!tpu.dma_semaphore, #tpu.memory_space<semaphore_mem>>) src(%arg9 : memref<128x128xf32, #tpu.memory_space<vmem>>) dst(%dma_wait3A_62 : memref<128x128xf32, #tpu.memory_space<vmem_shared>>)
    %dma_wait3A_63 = arith.constant 0 : i32
    %dma_wait3A_64 = tpu.memref_slice %arg6[%add3A_31, %dma_wait3A_63] : memref<10112x128xf32, #tpu.memory_space<vmem_shared>> -> memref<128x128xf32, #tpu.memory_space<vmem_shared>>
    %dma_wait3A_65 = arith.constant 0 : i32
    %dma_wait3A_66 = tpu.memref_slice %arg6[%add3A_31, %dma_wait3A_65] : memref<10112x128xf32, #tpu.memory_space<vmem_shared>> -> memref<128x128xf32, #tpu.memory_space<vmem_shared>>
    tpu.wait_dma2 semaphore(%arg11 : memref<!tpu.dma_semaphore, #tpu.memory_space<semaphore_mem>>) src(%arg9 : memref<128x128xf32, #tpu.memory_space<vmem>>) dst(%dma_wait3A_66 : memref<128x128xf32, #tpu.memory_space<vmem_shared>>)
    %dma_wait3A_67 = arith.constant 0 : i32
    %dma_wait3A_68 = tpu.memref_slice %arg6[%add3A_37, %dma_wait3A_67] : memref<10112x128xf32, #tpu.memory_space<vmem_shared>> -> memref<128x128xf32, #tpu.memory_space<vmem_shared>>
    %dma_wait3A_69 = arith.constant 0 : i32
    %dma_wait3A_70 = tpu.memref_slice %arg6[%add3A_37, %dma_wait3A_69] : memref<10112x128xf32, #tpu.memory_space<vmem_shared>> -> memref<128x128xf32, #tpu.memory_space<vmem_shared>>
    tpu.wait_dma2 semaphore(%arg11 : memref<!tpu.dma_semaphore, #tpu.memory_space<semaphore_mem>>) src(%arg9 : memref<128x128xf32, #tpu.memory_space<vmem>>) dst(%dma_wait3A_70 : memref<128x128xf32, #tpu.memory_space<vmem_shared>>)
    %dma_wait3A_71 = arith.constant 0 : i32
    %dma_wait3A_72 = tpu.memref_slice %arg6[%add3A_43, %dma_wait3A_71] : memref<10112x128xf32, #tpu.memory_space<vmem_shared>> -> memref<128x128xf32, #tpu.memory_space<vmem_shared>>
    %dma_wait3A_73 = arith.constant 0 : i32
    %dma_wait3A_74 = tpu.memref_slice %arg6[%add3A_43, %dma_wait3A_73] : memref<10112x128xf32, #tpu.memory_space<vmem_shared>> -> memref<128x128xf32, #tpu.memory_space<vmem_shared>>
    tpu.wait_dma2 semaphore(%arg11 : memref<!tpu.dma_semaphore, #tpu.memory_space<semaphore_mem>>) src(%arg9 : memref<128x128xf32, #tpu.memory_space<vmem>>) dst(%dma_wait3A_74 : memref<128x128xf32, #tpu.memory_space<vmem_shared>>)
    %dma_wait3A_75 = arith.constant 0 : i32
    %dma_wait3A_76 = arith.constant 0 : i32
    %dma_wait3A_77 = tpu.memref_slice %arg9[%dma_wait3A_75, %dma_wait3A_76] : memref<128x128xf32, #tpu.memory_space<vmem>> -> memref<120x128xf32, #tpu.memory_space<vmem>>
    %dma_wait3A_78 = arith.constant 0 : i32
    %dma_wait3A_79 = tpu.memref_slice %arg6[%add3A_49, %dma_wait3A_78] : memref<10112x128xf32, #tpu.memory_space<vmem_shared>> -> memref<120x128xf32, #tpu.memory_space<vmem_shared>>
    %dma_wait3A_80 = arith.constant 0 : i32
    %dma_wait3A_81 = tpu.memref_slice %arg6[%add3A_49, %dma_wait3A_80] : memref<10112x128xf32, #tpu.memory_space<vmem_shared>> -> memref<120x128xf32, #tpu.memory_space<vmem_shared>>
    %dma_wait3A_82 = arith.constant 0 : i32
    %dma_wait3A_83 = arith.constant 0 : i32
    %dma_wait3A_84 = tpu.memref_slice %arg9[%dma_wait3A_82, %dma_wait3A_83] : memref<128x128xf32, #tpu.memory_space<vmem>> -> memref<120x128xf32, #tpu.memory_space<vmem>>
    tpu.wait_dma2 semaphore(%arg11 : memref<!tpu.dma_semaphore, #tpu.memory_space<semaphore_mem>>) src(%dma_wait3A_84 : memref<120x128xf32, #tpu.memory_space<vmem>>) dst(%dma_wait3A_81 : memref<120x128xf32, #tpu.memory_space<vmem_shared>>)
    %dma_wait3A_85 = arith.constant 0 : i32
    %dma_wait3A_86 = tpu.memref_slice %arg3[%multiple_of3A, %dma_wait3A_85] : memref<2560x128xi32, #tpu.memory_space<hbm>> -> memref<40x128xi32, #tpu.memory_space<hbm>>
    %dma_wait3A_87 = arith.constant 0 : i32
    %dma_wait3A_88 = tpu.memref_slice %arg3[%multiple_of3A, %dma_wait3A_87] : memref<2560x128xi32, #tpu.memory_space<hbm>> -> memref<40x128xi32, #tpu.memory_space<hbm>>
    tpu.wait_dma2 semaphore(%arg13 : memref<!tpu.dma_semaphore, #tpu.memory_space<semaphore_mem>>) src(%dma_wait3A_88 : memref<40x128xi32, #tpu.memory_space<hbm>>) dst(%arg7 : memref<40x128xi32, #tpu.memory_space<vmem>>)
    %dma_wait3A_89 = arith.constant 0 : i32
    %dma_wait3A_90 = tpu.memref_slice %arg4[%multiple_of3A, %dma_wait3A_89] : memref<2560x128xi32, #tpu.memory_space<hbm>> -> memref<40x128xi32, #tpu.memory_space<hbm>>
    %dma_wait3A_91 = arith.constant 0 : i32
    %dma_wait3A_92 = tpu.memref_slice %arg4[%multiple_of3A, %dma_wait3A_91] : memref<2560x128xi32, #tpu.memory_space<hbm>> -> memref<40x128xi32, #tpu.memory_space<hbm>>
    tpu.wait_dma2 semaphore(%arg13 : memref<!tpu.dma_semaphore, #tpu.memory_space<semaphore_mem>>) src(%dma_wait3A_92 : memref<40x128xi32, #tpu.memory_space<hbm>>) dst(%arg8 : memref<40x128xi32, #tpu.memory_space<vmem>>)
    %barrier3A = arith.constant 0 : index
    tpu.barrier barrier_id(%barrier3A)
    %dma_start3A_93 = arith.constant 0 : i32
    %dma_start3A_94 = arith.constant 0 : i32
    %dma_start3A_95 = tpu.memref_slice %arg7[%dma_start3A_93, %dma_start3A_94] : memref<40x128xi32, #tpu.memory_space<vmem>> -> memref<1x128xi32, #tpu.memory_space<vmem>>
    %dma_start3A_96 = tpu.memref_squeeze %dma_start3A_95 : memref<1x128xi32, #tpu.memory_space<vmem>> -> memref<128xi32, #tpu.memory_space<vmem>>
    %dma_start3A_97 = arith.constant 0 : i32
    %dma_start3A_98 = arith.constant 0 : i32
    %dma_start3A_99 = tpu.memref_slice %arg2[%dma_start3A_97, %dma_start3A_98] : memref<10000x128xf32, #tpu.memory_space<hbm>> -> memref<10000x128xf32, #tpu.memory_space<hbm>>
    tpu.enqueue_indirect_dma source(%dma_start3A_99 : memref<10000x128xf32, #tpu.memory_space<hbm>>) target(%arg9 : memref<128x128xf32, #tpu.memory_space<vmem>>) offsets(%dma_start3A_96 : memref<128xi32, #tpu.memory_space<vmem>>) semaphore(%arg11 : memref<!tpu.dma_semaphore, #tpu.memory_space<semaphore_mem>>)
    %scan3A_100 = arith.constant 0 : i32
    %scan3A_101 = arith.constant 0 : i32
    %scan3A_102 = arith.constant 20 : i32
    %scan3A_103 = arith.addi %scan3A_101, %scan3A_102 : i32
    %scan3A_104 = arith.constant 1 : i32
    scf.for %scan3A_124 = %scan3A_101 to %scan3A_103 step %scan3A_104  : i32 {
      %mul3A_125 = arith.constant 2 : i32
      %mul3A_126 = arith.muli %mul3A_125, %scan3A_124 : i32
      %add3A_127 = arith.constant 1 : i32
      %add3A_128 = arith.addi %mul3A_126, %add3A_127 : i32
      %dma_start3A_129 = arith.constant 0 : i32
      %dma_start3A_130 = tpu.memref_slice %arg7[%add3A_128, %dma_start3A_129] : memref<40x128xi32, #tpu.memory_space<vmem>> -> memref<1x128xi32, #tpu.memory_space<vmem>>
      %dma_start3A_131 = tpu.memref_squeeze %dma_start3A_130 : memref<1x128xi32, #tpu.memory_space<vmem>> -> memref<128xi32, #tpu.memory_space<vmem>>
      %dma_start3A_132 = arith.constant 0 : i32
      %dma_start3A_133 = arith.constant 0 : i32
      %dma_start3A_134 = tpu.memref_slice %arg2[%dma_start3A_132, %dma_start3A_133] : memref<10000x128xf32, #tpu.memory_space<hbm>> -> memref<10000x128xf32, #tpu.memory_space<hbm>>
      tpu.enqueue_indirect_dma source(%dma_start3A_134 : memref<10000x128xf32, #tpu.memory_space<hbm>>) target(%arg10 : memref<128x128xf32, #tpu.memory_space<vmem>>) offsets(%dma_start3A_131 : memref<128xi32, #tpu.memory_space<vmem>>) semaphore(%arg12 : memref<!tpu.dma_semaphore, #tpu.memory_space<semaphore_mem>>)
      %dma_wait3A_135 = arith.constant 0 : i32
      %dma_wait3A_136 = tpu.memref_slice %arg7[%mul3A_126, %dma_wait3A_135] : memref<40x128xi32, #tpu.memory_space<vmem>> -> memref<1x128xi32, #tpu.memory_space<vmem>>
      %dma_wait3A_137 = tpu.memref_squeeze %dma_wait3A_136 : memref<1x128xi32, #tpu.memory_space<vmem>> -> memref<128xi32, #tpu.memory_space<vmem>>
      %dma_wait3A_138 = arith.constant 0 : i32
      %dma_wait3A_139 = arith.constant 0 : i32
      %dma_wait3A_140 = tpu.memref_slice %arg2[%dma_wait3A_138, %dma_wait3A_139] : memref<10000x128xf32, #tpu.memory_space<hbm>> -> memref<10000x128xf32, #tpu.memory_space<hbm>>
      tpu.wait_indirect_dma semaphore(%arg11 : memref<!tpu.dma_semaphore, #tpu.memory_space<semaphore_mem>>) src(%dma_wait3A_140 : memref<10000x128xf32, #tpu.memory_space<hbm>>) dst(%arg9 : memref<128x128xf32, #tpu.memory_space<vmem>>)
      "tpu.region"() ({
        %run_scoped3A = tpu.sem_alloc : memref<!tpu.dma_semaphore, #tpu.memory_space<semaphore_mem>>
        %dma_start3A_155 = arith.constant 0 : i32
        %dma_start3A_156 = tpu.memref_slice %arg8[%mul3A_126, %dma_start3A_155] : memref<40x128xi32, #tpu.memory_space<vmem>> -> memref<1x128xi32, #tpu.memory_space<vmem>>
        %dma_start3A_157 = tpu.memref_squeeze %dma_start3A_156 : memref<1x128xi32, #tpu.memory_space<vmem>> -> memref<128xi32, #tpu.memory_space<vmem>>
        %dma_start3A_158 = arith.constant 0 : i32
        %dma_start3A_159 = arith.constant 0 : i32
        %dma_start3A_160 = tpu.memref_slice %arg6[%dma_start3A_158, %dma_start3A_159] : memref<10112x128xf32, #tpu.memory_space<vmem_shared>> -> memref<10112x128xf32, #tpu.memory_space<vmem_shared>>
        tpu.enqueue_indirect_dma source(%arg9 : memref<128x128xf32, #tpu.memory_space<vmem>>) target(%dma_start3A_160 : memref<10112x128xf32, #tpu.memory_space<vmem_shared>>) offsets(%dma_start3A_157 : memref<128xi32, #tpu.memory_space<vmem>>) semaphore(%run_scoped3A : memref<!tpu.dma_semaphore, #tpu.memory_space<semaphore_mem>>) {add = true}
        %dma_wait3A_161 = arith.constant 0 : i32
        %dma_wait3A_162 = tpu.memref_slice %arg8[%mul3A_126, %dma_wait3A_161] : memref<40x128xi32, #tpu.memory_space<vmem>> -> memref<1x128xi32, #tpu.memory_space<vmem>>
        %dma_wait3A_163 = tpu.memref_squeeze %dma_wait3A_162 : memref<1x128xi32, #tpu.memory_space<vmem>> -> memref<128xi32, #tpu.memory_space<vmem>>
        %dma_wait3A_164 = arith.constant 0 : i32
        %dma_wait3A_165 = arith.constant 0 : i32
        %dma_wait3A_166 = tpu.memref_slice %arg6[%dma_wait3A_164, %dma_wait3A_165] : memref<10112x128xf32, #tpu.memory_space<vmem_shared>> -> memref<10112x128xf32, #tpu.memory_space<vmem_shared>>
        tpu.wait_indirect_dma semaphore(%run_scoped3A : memref<!tpu.dma_semaphore, #tpu.memory_space<semaphore_mem>>) src(%arg9 : memref<128x128xf32, #tpu.memory_space<vmem>>) dst(%dma_wait3A_166 : memref<10112x128xf32, #tpu.memory_space<vmem_shared>>)
        tpu.yield
      }) : () -> ()
      %add3A_141 = arith.constant 2 : i32
      %add3A_142 = arith.addi %mul3A_126, %add3A_141 : i32
      %lt3A = arith.constant 40 : i32
      %lt3A_143 = arith.cmpi slt, %add3A_142, %lt3A : i32
      %convert_element_type3A = arith.extui %lt3A_143 : i1 to i32
      %cond3A = arith.constant 0 : i32
      %cond3A_144 = arith.cmpi ne, %convert_element_type3A, %cond3A : i32
      scf.if %cond3A_144 {
        %add3A_155 = arith.constant 2 : i32
        %add3A_156 = arith.addi %mul3A_126, %add3A_155 : i32
        %dma_start3A_157 = arith.constant 0 : i32
        %dma_start3A_158 = tpu.memref_slice %arg7[%add3A_156, %dma_start3A_157] : memref<40x128xi32, #tpu.memory_space<vmem>> -> memref<1x128xi32, #tpu.memory_space<vmem>>
        %dma_start3A_159 = tpu.memref_squeeze %dma_start3A_158 : memref<1x128xi32, #tpu.memory_space<vmem>> -> memref<128xi32, #tpu.memory_space<vmem>>
        %dma_start3A_160 = arith.constant 0 : i32
        %dma_start3A_161 = arith.constant 0 : i32
        %dma_start3A_162 = tpu.memref_slice %arg2[%dma_start3A_160, %dma_start3A_161] : memref<10000x128xf32, #tpu.memory_space<hbm>> -> memref<10000x128xf32, #tpu.memory_space<hbm>>
        tpu.enqueue_indirect_dma source(%dma_start3A_162 : memref<10000x128xf32, #tpu.memory_space<hbm>>) target(%arg9 : memref<128x128xf32, #tpu.memory_space<vmem>>) offsets(%dma_start3A_159 : memref<128xi32, #tpu.memory_space<vmem>>) semaphore(%arg11 : memref<!tpu.dma_semaphore, #tpu.memory_space<semaphore_mem>>)
      } else {
      }
      %add3A_145 = arith.constant 1 : i32
      %add3A_146 = arith.addi %mul3A_126, %add3A_145 : i32
      %dma_wait3A_147 = arith.constant 0 : i32
      %dma_wait3A_148 = tpu.memref_slice %arg7[%add3A_146, %dma_wait3A_147] : memref<40x128xi32, #tpu.memory_space<vmem>> -> memref<1x128xi32, #tpu.memory_space<vmem>>
      %dma_wait3A_149 = tpu.memref_squeeze %dma_wait3A_148 : memref<1x128xi32, #tpu.memory_space<vmem>> -> memref<128xi32, #tpu.memory_space<vmem>>
      %dma_wait3A_150 = arith.constant 0 : i32
      %dma_wait3A_151 = arith.constant 0 : i32
      %dma_wait3A_152 = tpu.memref_slice %arg2[%dma_wait3A_150, %dma_wait3A_151] : memref<10000x128xf32, #tpu.memory_space<hbm>> -> memref<10000x128xf32, #tpu.memory_space<hbm>>
      tpu.wait_indirect_dma semaphore(%arg12 : memref<!tpu.dma_semaphore, #tpu.memory_space<semaphore_mem>>) src(%dma_wait3A_152 : memref<10000x128xf32, #tpu.memory_space<hbm>>) dst(%arg10 : memref<128x128xf32, #tpu.memory_space<vmem>>)
      %add3A_153 = arith.constant 1 : i32
      %add3A_154 = arith.addi %mul3A_126, %add3A_153 : i32
      "tpu.region"() ({
        %run_scoped3A = tpu.sem_alloc : memref<!tpu.dma_semaphore, #tpu.memory_space<semaphore_mem>>
        %dma_start3A_155 = arith.constant 0 : i32
        %dma_start3A_156 = tpu.memref_slice %arg8[%add3A_154, %dma_start3A_155] : memref<40x128xi32, #tpu.memory_space<vmem>> -> memref<1x128xi32, #tpu.memory_space<vmem>>
        %dma_start3A_157 = tpu.memref_squeeze %dma_start3A_156 : memref<1x128xi32, #tpu.memory_space<vmem>> -> memref<128xi32, #tpu.memory_space<vmem>>
        %dma_start3A_158 = arith.constant 0 : i32
        %dma_start3A_159 = arith.constant 0 : i32
        %dma_start3A_160 = tpu.memref_slice %arg6[%dma_start3A_158, %dma_start3A_159] : memref<10112x128xf32, #tpu.memory_space<vmem_shared>> -> memref<10112x128xf32, #tpu.memory_space<vmem_shared>>
        tpu.enqueue_indirect_dma source(%arg10 : memref<128x128xf32, #tpu.memory_space<vmem>>) target(%dma_start3A_160 : memref<10112x128xf32, #tpu.memory_space<vmem_shared>>) offsets(%dma_start3A_157 : memref<128xi32, #tpu.memory_space<vmem>>) semaphore(%run_scoped3A : memref<!tpu.dma_semaphore, #tpu.memory_space<semaphore_mem>>) {add = true}
        %dma_wait3A_161 = arith.constant 0 : i32
        %dma_wait3A_162 = tpu.memref_slice %arg8[%add3A_154, %dma_wait3A_161] : memref<40x128xi32, #tpu.memory_space<vmem>> -> memref<1x128xi32, #tpu.memory_space<vmem>>
        %dma_wait3A_163 = tpu.memref_squeeze %dma_wait3A_162 : memref<1x128xi32, #tpu.memory_space<vmem>> -> memref<128xi32, #tpu.memory_space<vmem>>
        %dma_wait3A_164 = arith.constant 0 : i32
        %dma_wait3A_165 = arith.constant 0 : i32
        %dma_wait3A_166 = tpu.memref_slice %arg6[%dma_wait3A_164, %dma_wait3A_165] : memref<10112x128xf32, #tpu.memory_space<vmem_shared>> -> memref<10112x128xf32, #tpu.memory_space<vmem_shared>>
        tpu.wait_indirect_dma semaphore(%run_scoped3A : memref<!tpu.dma_semaphore, #tpu.memory_space<semaphore_mem>>) src(%arg10 : memref<128x128xf32, #tpu.memory_space<vmem>>) dst(%dma_wait3A_166 : memref<10112x128xf32, #tpu.memory_space<vmem_shared>>)
        tpu.yield
      }) : () -> ()
    }
    %scan3A_105 = arith.constant 20 : i32
    %add3A_106 = arith.constant 40 : i32
    %add3A_107 = arith.addi %multiple_of3A, %add3A_106 : i32
    "tpu.region"() ({
      %run_scoped3A = tpu.sem_alloc : memref<!tpu.dma_semaphore, #tpu.memory_space<semaphore_mem>>
      %dma_start3A_124 = arith.constant 0 : i32
      %dma_start3A_125 = tpu.memref_slice %arg3[%add3A_107, %dma_start3A_124] : memref<2560x128xi32, #tpu.memory_space<hbm>> -> memref<40x128xi32, #tpu.memory_space<hbm>>
      %dma_start3A_126 = arith.constant 0 : i32
      %dma_start3A_127 = tpu.memref_slice %arg3[%add3A_107, %dma_start3A_126] : memref<2560x128xi32, #tpu.memory_space<hbm>> -> memref<40x128xi32, #tpu.memory_space<hbm>>
      tpu.enqueue_dma source(%dma_start3A_127 : memref<40x128xi32, #tpu.memory_space<hbm>>) target(%arg7 : memref<40x128xi32, #tpu.memory_space<vmem>>) target_semaphore(%run_scoped3A : memref<!tpu.dma_semaphore, #tpu.memory_space<semaphore_mem>>)
      %dma_wait3A_128 = arith.constant 0 : i32
      %dma_wait3A_129 = tpu.memref_slice %arg3[%add3A_107, %dma_wait3A_128] : memref<2560x128xi32, #tpu.memory_space<hbm>> -> memref<40x128xi32, #tpu.memory_space<hbm>>
      %dma_wait3A_130 = arith.constant 0 : i32
      %dma_wait3A_131 = tpu.memref_slice %arg3[%add3A_107, %dma_wait3A_130] : memref<2560x128xi32, #tpu.memory_space<hbm>> -> memref<40x128xi32, #tpu.memory_space<hbm>>
      tpu.wait_dma2 semaphore(%run_scoped3A : memref<!tpu.dma_semaphore, #tpu.memory_space<semaphore_mem>>) src(%dma_wait3A_131 : memref<40x128xi32, #tpu.memory_space<hbm>>) dst(%arg7 : memref<40x128xi32, #tpu.memory_space<vmem>>)
      tpu.yield
    }) : () -> ()
    %add3A_108 = arith.constant 40 : i32
    %add3A_109 = arith.addi %multiple_of3A, %add3A_108 : i32
    "tpu.region"() ({
      %run_scoped3A = tpu.sem_alloc : memref<!tpu.dma_semaphore, #tpu.memory_space<semaphore_mem>>
      %dma_start3A_124 = arith.constant 0 : i32
      %dma_start3A_125 = tpu.memref_slice %arg4[%add3A_109, %dma_start3A_124] : memref<2560x128xi32, #tpu.memory_space<hbm>> -> memref<40x128xi32, #tpu.memory_space<hbm>>
      %dma_start3A_126 = arith.constant 0 : i32
      %dma_start3A_127 = tpu.memref_slice %arg4[%add3A_109, %dma_start3A_126] : memref<2560x128xi32, #tpu.memory_space<hbm>> -> memref<40x128xi32, #tpu.memory_space<hbm>>
      tpu.enqueue_dma source(%dma_start3A_127 : memref<40x128xi32, #tpu.memory_space<hbm>>) target(%arg8 : memref<40x128xi32, #tpu.memory_space<vmem>>) target_semaphore(%run_scoped3A : memref<!tpu.dma_semaphore, #tpu.memory_space<semaphore_mem>>)
      %dma_wait3A_128 = arith.constant 0 : i32
      %dma_wait3A_129 = tpu.memref_slice %arg4[%add3A_109, %dma_wait3A_128] : memref<2560x128xi32, #tpu.memory_space<hbm>> -> memref<40x128xi32, #tpu.memory_space<hbm>>
      %dma_wait3A_130 = arith.constant 0 : i32
      %dma_wait3A_131 = tpu.memref_slice %arg4[%add3A_109, %dma_wait3A_130] : memref<2560x128xi32, #tpu.memory_space<hbm>> -> memref<40x128xi32, #tpu.memory_space<hbm>>
      tpu.wait_dma2 semaphore(%run_scoped3A : memref<!tpu.dma_semaphore, #tpu.memory_space<semaphore_mem>>) src(%dma_wait3A_131 : memref<40x128xi32, #tpu.memory_space<hbm>>) dst(%arg8 : memref<40x128xi32, #tpu.memory_space<vmem>>)
      tpu.yield
    }) : () -> ()
    %dma_start3A_110 = arith.constant 0 : i32
    %dma_start3A_111 = arith.constant 0 : i32
    %dma_start3A_112 = tpu.memref_slice %arg7[%dma_start3A_110, %dma_start3A_111] : memref<40x128xi32, #tpu.memory_space<vmem>> -> memref<1x128xi32, #tpu.memory_space<vmem>>
    %dma_start3A_113 = tpu.memref_squeeze %dma_start3A_112 : memref<1x128xi32, #tpu.memory_space<vmem>> -> memref<128xi32, #tpu.memory_space<vmem>>
    %dma_start3A_114 = arith.constant 0 : i32
    %dma_start3A_115 = arith.constant 0 : i32
    %dma_start3A_116 = tpu.memref_slice %arg2[%dma_start3A_114, %dma_start3A_115] : memref<10000x128xf32, #tpu.memory_space<hbm>> -> memref<10000x128xf32, #tpu.memory_space<hbm>>
    tpu.enqueue_indirect_dma source(%dma_start3A_116 : memref<10000x128xf32, #tpu.memory_space<hbm>>) target(%arg9 : memref<128x128xf32, #tpu.memory_space<vmem>>) offsets(%dma_start3A_113 : memref<128xi32, #tpu.memory_space<vmem>>) semaphore(%arg11 : memref<!tpu.dma_semaphore, #tpu.memory_space<semaphore_mem>>)
    %scan3A_117 = arith.constant 0 : i32
    %scan3A_118 = arith.constant 0 : i32
    %scan3A_119 = arith.constant 20 : i32
    %scan3A_120 = arith.addi %scan3A_118, %scan3A_119 : i32
    %scan3A_121 = arith.constant 1 : i32
    scf.for %scan3A_124 = %scan3A_118 to %scan3A_120 step %scan3A_121  : i32 {
      %mul3A_125 = arith.constant 2 : i32
      %mul3A_126 = arith.muli %mul3A_125, %scan3A_124 : i32
      %add3A_127 = arith.constant 1 : i32
      %add3A_128 = arith.addi %mul3A_126, %add3A_127 : i32
      %dma_start3A_129 = arith.constant 0 : i32
      %dma_start3A_130 = tpu.memref_slice %arg7[%add3A_128, %dma_start3A_129] : memref<40x128xi32, #tpu.memory_space<vmem>> -> memref<1x128xi32, #tpu.memory_space<vmem>>
      %dma_start3A_131 = tpu.memref_squeeze %dma_start3A_130 : memref<1x128xi32, #tpu.memory_space<vmem>> -> memref<128xi32, #tpu.memory_space<vmem>>
      %dma_start3A_132 = arith.constant 0 : i32
      %dma_start3A_133 = arith.constant 0 : i32
      %dma_start3A_134 = tpu.memref_slice %arg2[%dma_start3A_132, %dma_start3A_133] : memref<10000x128xf32, #tpu.memory_space<hbm>> -> memref<10000x128xf32, #tpu.memory_space<hbm>>
      tpu.enqueue_indirect_dma source(%dma_start3A_134 : memref<10000x128xf32, #tpu.memory_space<hbm>>) target(%arg10 : memref<128x128xf32, #tpu.memory_space<vmem>>) offsets(%dma_start3A_131 : memref<128xi32, #tpu.memory_space<vmem>>) semaphore(%arg12 : memref<!tpu.dma_semaphore, #tpu.memory_space<semaphore_mem>>)
      %dma_wait3A_135 = arith.constant 0 : i32
      %dma_wait3A_136 = tpu.memref_slice %arg7[%mul3A_126, %dma_wait3A_135] : memref<40x128xi32, #tpu.memory_space<vmem>> -> memref<1x128xi32, #tpu.memory_space<vmem>>
      %dma_wait3A_137 = tpu.memref_squeeze %dma_wait3A_136 : memref<1x128xi32, #tpu.memory_space<vmem>> -> memref<128xi32, #tpu.memory_space<vmem>>
      %dma_wait3A_138 = arith.constant 0 : i32
      %dma_wait3A_139 = arith.constant 0 : i32
      %dma_wait3A_140 = tpu.memref_slice %arg2[%dma_wait3A_138, %dma_wait3A_139] : memref<10000x128xf32, #tpu.memory_space<hbm>> -> memref<10000x128xf32, #tpu.memory_space<hbm>>
      tpu.wait_indirect_dma semaphore(%arg11 : memref<!tpu.dma_semaphore, #tpu.memory_space<semaphore_mem>>) src(%dma_wait3A_140 : memref<10000x128xf32, #tpu.memory_space<hbm>>) dst(%arg9 : memref<128x128xf32, #tpu.memory_space<vmem>>)
      "tpu.region"() ({
        %run_scoped3A = tpu.sem_alloc : memref<!tpu.dma_semaphore, #tpu.memory_space<semaphore_mem>>
        %dma_start3A_155 = arith.constant 0 : i32
        %dma_start3A_156 = tpu.memref_slice %arg8[%mul3A_126, %dma_start3A_155] : memref<40x128xi32, #tpu.memory_space<vmem>> -> memref<1x128xi32, #tpu.memory_space<vmem>>
        %dma_start3A_157 = tpu.memref_squeeze %dma_start3A_156 : memref<1x128xi32, #tpu.memory_space<vmem>> -> memref<128xi32, #tpu.memory_space<vmem>>
        %dma_start3A_158 = arith.constant 0 : i32
        %dma_start3A_159 = arith.constant 0 : i32
        %dma_start3A_160 = tpu.memref_slice %arg6[%dma_start3A_158, %dma_start3A_159] : memref<10112x128xf32, #tpu.memory_space<vmem_shared>> -> memref<10112x128xf32, #tpu.memory_space<vmem_shared>>
        tpu.enqueue_indirect_dma source(%arg9 : memref<128x128xf32, #tpu.memory_space<vmem>>) target(%dma_start3A_160 : memref<10112x128xf32, #tpu.memory_space<vmem_shared>>) offsets(%dma_start3A_157 : memref<128xi32, #tpu.memory_space<vmem>>) semaphore(%run_scoped3A : memref<!tpu.dma_semaphore, #tpu.memory_space<semaphore_mem>>) {add = true}
        %dma_wait3A_161 = arith.constant 0 : i32
        %dma_wait3A_162 = tpu.memref_slice %arg8[%mul3A_126, %dma_wait3A_161] : memref<40x128xi32, #tpu.memory_space<vmem>> -> memref<1x128xi32, #tpu.memory_space<vmem>>
        %dma_wait3A_163 = tpu.memref_squeeze %dma_wait3A_162 : memref<1x128xi32, #tpu.memory_space<vmem>> -> memref<128xi32, #tpu.memory_space<vmem>>
        %dma_wait3A_164 = arith.constant 0 : i32
        %dma_wait3A_165 = arith.constant 0 : i32
        %dma_wait3A_166 = tpu.memref_slice %arg6[%dma_wait3A_164, %dma_wait3A_165] : memref<10112x128xf32, #tpu.memory_space<vmem_shared>> -> memref<10112x128xf32, #tpu.memory_space<vmem_shared>>
        tpu.wait_indirect_dma semaphore(%run_scoped3A : memref<!tpu.dma_semaphore, #tpu.memory_space<semaphore_mem>>) src(%arg9 : memref<128x128xf32, #tpu.memory_space<vmem>>) dst(%dma_wait3A_166 : memref<10112x128xf32, #tpu.memory_space<vmem_shared>>)
        tpu.yield
      }) : () -> ()
      %add3A_141 = arith.constant 2 : i32
      %add3A_142 = arith.addi %mul3A_126, %add3A_141 : i32
      %lt3A = arith.constant 40 : i32
      %lt3A_143 = arith.cmpi slt, %add3A_142, %lt3A : i32
      %convert_element_type3A = arith.extui %lt3A_143 : i1 to i32
      %cond3A = arith.constant 0 : i32
      %cond3A_144 = arith.cmpi ne, %convert_element_type3A, %cond3A : i32
      scf.if %cond3A_144 {
        %add3A_155 = arith.constant 2 : i32
        %add3A_156 = arith.addi %mul3A_126, %add3A_155 : i32
        %dma_start3A_157 = arith.constant 0 : i32
        %dma_start3A_158 = tpu.memref_slice %arg7[%add3A_156, %dma_start3A_157] : memref<40x128xi32, #tpu.memory_space<vmem>> -> memref<1x128xi32, #tpu.memory_space<vmem>>
        %dma_start3A_159 = tpu.memref_squeeze %dma_start3A_158 : memref<1x128xi32, #tpu.memory_space<vmem>> -> memref<128xi32, #tpu.memory_space<vmem>>
        %dma_start3A_160 = arith.constant 0 : i32
        %dma_start3A_161 = arith.constant 0 : i32
        %dma_start3A_162 = tpu.memref_slice %arg2[%dma_start3A_160, %dma_start3A_161] : memref<10000x128xf32, #tpu.memory_space<hbm>> -> memref<10000x128xf32, #tpu.memory_space<hbm>>
        tpu.enqueue_indirect_dma source(%dma_start3A_162 : memref<10000x128xf32, #tpu.memory_space<hbm>>) target(%arg9 : memref<128x128xf32, #tpu.memory_space<vmem>>) offsets(%dma_start3A_159 : memref<128xi32, #tpu.memory_space<vmem>>) semaphore(%arg11 : memref<!tpu.dma_semaphore, #tpu.memory_space<semaphore_mem>>)
      } else {
      }
      %add3A_145 = arith.constant 1 : i32
      %add3A_146 = arith.addi %mul3A_126, %add3A_145 : i32
      %dma_wait3A_147 = arith.constant 0 : i32
      %dma_wait3A_148 = tpu.memref_slice %arg7[%add3A_146, %dma_wait3A_147] : memref<40x128xi32, #tpu.memory_space<vmem>> -> memref<1x128xi32, #tpu.memory_space<vmem>>
      %dma_wait3A_149 = tpu.memref_squeeze %dma_wait3A_148 : memref<1x128xi32, #tpu.memory_space<vmem>> -> memref<128xi32, #tpu.memory_space<vmem>>
      %dma_wait3A_150 = arith.constant 0 : i32
      %dma_wait3A_151 = arith.constant 0 : i32
      %dma_wait3A_152 = tpu.memref_slice %arg2[%dma_wait3A_150, %dma_wait3A_151] : memref<10000x128xf32, #tpu.memory_space<hbm>> -> memref<10000x128xf32, #tpu.memory_space<hbm>>
      tpu.wait_indirect_dma semaphore(%arg12 : memref<!tpu.dma_semaphore, #tpu.memory_space<semaphore_mem>>) src(%dma_wait3A_152 : memref<10000x128xf32, #tpu.memory_space<hbm>>) dst(%arg10 : memref<128x128xf32, #tpu.memory_space<vmem>>)
      %add3A_153 = arith.constant 1 : i32
      %add3A_154 = arith.addi %mul3A_126, %add3A_153 : i32
      "tpu.region"() ({
        %run_scoped3A = tpu.sem_alloc : memref<!tpu.dma_semaphore, #tpu.memory_space<semaphore_mem>>
        %dma_start3A_155 = arith.constant 0 : i32
        %dma_start3A_156 = tpu.memref_slice %arg8[%add3A_154, %dma_start3A_155] : memref<40x128xi32, #tpu.memory_space<vmem>> -> memref<1x128xi32, #tpu.memory_space<vmem>>
        %dma_start3A_157 = tpu.memref_squeeze %dma_start3A_156 : memref<1x128xi32, #tpu.memory_space<vmem>> -> memref<128xi32, #tpu.memory_space<vmem>>
        %dma_start3A_158 = arith.constant 0 : i32
        %dma_start3A_159 = arith.constant 0 : i32
        %dma_start3A_160 = tpu.memref_slice %arg6[%dma_start3A_158, %dma_start3A_159] : memref<10112x128xf32, #tpu.memory_space<vmem_shared>> -> memref<10112x128xf32, #tpu.memory_space<vmem_shared>>
        tpu.enqueue_indirect_dma source(%arg10 : memref<128x128xf32, #tpu.memory_space<vmem>>) target(%dma_start3A_160 : memref<10112x128xf32, #tpu.memory_space<vmem_shared>>) offsets(%dma_start3A_157 : memref<128xi32, #tpu.memory_space<vmem>>) semaphore(%run_scoped3A : memref<!tpu.dma_semaphore, #tpu.memory_space<semaphore_mem>>) {add = true}
        %dma_wait3A_161 = arith.constant 0 : i32
        %dma_wait3A_162 = tpu.memref_slice %arg8[%add3A_154, %dma_wait3A_161] : memref<40x128xi32, #tpu.memory_space<vmem>> -> memref<1x128xi32, #tpu.memory_space<vmem>>
        %dma_wait3A_163 = tpu.memref_squeeze %dma_wait3A_162 : memref<1x128xi32, #tpu.memory_space<vmem>> -> memref<128xi32, #tpu.memory_space<vmem>>
        %dma_wait3A_164 = arith.constant 0 : i32
        %dma_wait3A_165 = arith.constant 0 : i32
        %dma_wait3A_166 = tpu.memref_slice %arg6[%dma_wait3A_164, %dma_wait3A_165] : memref<10112x128xf32, #tpu.memory_space<vmem_shared>> -> memref<10112x128xf32, #tpu.memory_space<vmem_shared>>
        tpu.wait_indirect_dma semaphore(%run_scoped3A : memref<!tpu.dma_semaphore, #tpu.memory_space<semaphore_mem>>) src(%arg10 : memref<128x128xf32, #tpu.memory_space<vmem>>) dst(%dma_wait3A_166 : memref<10112x128xf32, #tpu.memory_space<vmem_shared>>)
        tpu.yield
      }) : () -> ()
    }
    %scan3A_122 = arith.constant 20 : i32
    %barrier3A_123 = arith.constant 0 : index
    tpu.barrier barrier_id(%barrier3A_123)
    "tpu.region"() ({
      %run_scoped3A = tpu.sem_alloc : memref<!tpu.dma_semaphore, #tpu.memory_space<semaphore_mem>>
      %dma_start3A_124 = arith.constant 0 : i32
      %dma_start3A_125 = tpu.memref_slice %arg5[%multiple_of3A_11, %dma_start3A_124] : memref<20224x128xf32, #tpu.memory_space<hbm>> -> memref<632x128xf32, #tpu.memory_space<hbm>>
      %dma_start3A_126 = arith.constant 0 : i32
      %dma_start3A_127 = tpu.memref_slice %arg6[%multiple_of3A_5, %dma_start3A_126] : memref<10112x128xf32, #tpu.memory_space<vmem_shared>> -> memref<632x128xf32, #tpu.memory_space<vmem_shared>>
      tpu.enqueue_dma source(%dma_start3A_127 : memref<632x128xf32, #tpu.memory_space<vmem_shared>>) target(%dma_start3A_125 : memref<632x128xf32, #tpu.memory_space<hbm>>) target_semaphore(%run_scoped3A : memref<!tpu.dma_semaphore, #tpu.memory_space<semaphore_mem>>)
      %dma_wait3A_128 = arith.constant 0 : i32
      %dma_wait3A_129 = tpu.memref_slice %arg5[%multiple_of3A_11, %dma_wait3A_128] : memref<20224x128xf32, #tpu.memory_space<hbm>> -> memref<632x128xf32, #tpu.memory_space<hbm>>
      %dma_wait3A_130 = arith.constant 0 : i32
      %dma_wait3A_131 = tpu.memref_slice %arg6[%multiple_of3A_5, %dma_wait3A_130] : memref<10112x128xf32, #tpu.memory_space<vmem_shared>> -> memref<632x128xf32, #tpu.memory_space<vmem_shared>>
      tpu.wait_dma2 semaphore(%run_scoped3A : memref<!tpu.dma_semaphore, #tpu.memory_space<semaphore_mem>>) src(%dma_wait3A_131 : memref<632x128xf32, #tpu.memory_space<vmem_shared>>) dst(%dma_wait3A_129 : memref<632x128xf32, #tpu.memory_space<hbm>>)
      tpu.yield
    }) : () -> ()
    return
  }
}

module attributes {stable_mosaic.version = 14 : i64} {
  func.func @_lin_in_body(%arg0: i32, %arg1: memref<2000x128xf32, #tpu.memory_space<vmem>>, %arg2: memref<128x128xf32, #tpu.memory_space<vmem>>, %arg3: memref<1x128xf32, #tpu.memory_space<vmem>>, %arg4: memref<2000x128xf32, #tpu.memory_space<vmem>>) attributes {dimension_semantics = [#tpu.dimension_semantics<arbitrary>], iteration_bounds = array<i64: 5>, scalar_prefetch = 0 : i64, scratch_operands = 0 : i64, tpu.core_type = #tpu.core_type<tc>, window_params = [{transform_indices = @transform_0, window_bounds = array<i64: 2000, 128>}, {pipeline_mode = #tpu.pipeline_mode<synchronous>, transform_indices = @transform_1, window_bounds = array<i64: 128, 128>}, {pipeline_mode = #tpu.pipeline_mode<synchronous>, transform_indices = @transform_2, window_bounds = array<i64: 1, 128>}, {transform_indices = @transform_3, window_bounds = array<i64: 2000, 128>}]} {
    %get3A = arith.constant 0 : index
    %get3A_0 = arith.constant 0 : index
    %get3A_1 = vector.load %arg1[%get3A, %get3A_0] : memref<2000x128xf32, #tpu.memory_space<vmem>>, vector<2000x128xf32>
    %get3A_2 = arith.constant 0 : index
    %get3A_3 = arith.constant 0 : index
    %get3A_4 = vector.load %arg2[%get3A_2, %get3A_3] : memref<128x128xf32, #tpu.memory_space<vmem>>, vector<128x128xf32>
    %dot_general3A = arith.constant dense<0.000000e+00> : vector<2000x128xf32>
    %dot_general3A_5 = tpu.matmul %get3A_1, %get3A_4, %dot_general3A {dimension_numbers = #tpu.dot_dimension_numbers<[1], [1], [0], [0], [0, 0, 1, 0], [], []>, transpose_lhs_hint = false} : vector<2000x128xf32>, vector<128x128xf32>, vector<2000x128xf32> -> vector<2000x128xf32>
    %get3A_6 = arith.constant 0 : index
    %get3A_7 = arith.constant 0 : index
    %get3A_8 = vector.load %arg3[%get3A_6, %get3A_7] : memref<1x128xf32, #tpu.memory_space<vmem>>, vector<1x128xf32>
    %add3A = vector.broadcast %get3A_8 : vector<1x128xf32> to vector<2000x128xf32>
    %add3A_9 = arith.addf %dot_general3A_5, %add3A : vector<2000x128xf32>
    %swap3A = arith.constant 0 : index
    %swap3A_10 = arith.constant 0 : index
    %swap3A_11 = vector.load %arg4[%swap3A, %swap3A_10] : memref<2000x128xf32, #tpu.memory_space<vmem>>, vector<2000x128xf32>
    tpu.vector_store %arg4[%swap3A, %swap3A_10], %add3A_9 {strides = array<i32>} : memref<2000x128xf32, #tpu.memory_space<vmem>>, vector<2000x128xf32>,
    return
  }
  func.func @transform_0(%arg0: i32) -> (i32, i32) {
    %c0_i32 = arith.constant 0 : i32
    %c0_i32_0 = arith.constant 0 : i32
    return %arg0, %c0_i32 : i32, i32
  }
  func.func @transform_1(%arg0: i32) -> (i32, i32) {
    %c0_i32 = arith.constant 0 : i32
    %c0_i32_0 = arith.constant 0 : i32
    %c0_i32_1 = arith.constant 0 : i32
    return %c0_i32, %c0_i32_0 : i32, i32
  }
  func.func @transform_2(%arg0: i32) -> (i32, i32) {
    %c0_i32 = arith.constant 0 : i32
    %c0_i32_0 = arith.constant 0 : i32
    %c0_i32_1 = arith.constant 0 : i32
    return %c0_i32, %c0_i32_0 : i32, i32
  }
  func.func @transform_3(%arg0: i32) -> (i32, i32) {
    %c0_i32 = arith.constant 0 : i32
    %c0_i32_0 = arith.constant 0 : i32
    return %arg0, %c0_i32 : i32, i32
  }
}

module attributes {stable_mosaic.version = 14 : i64} {
  func.func @_mlp_body(%arg0: i32, %arg1: memref<2000x128xf32, #tpu.memory_space<vmem>>, %arg2: memref<2000x128xf32, #tpu.memory_space<vmem>>, %arg3: memref<2000x128xf32, #tpu.memory_space<vmem>>, %arg4: memref<2000x128xf32, #tpu.memory_space<vmem>>, %arg5: memref<2000x128xf32, #tpu.memory_space<vmem>>, %arg6: memref<2000x128xf32, #tpu.memory_space<vmem>>, %arg7: memref<256x128xf32, #tpu.memory_space<vmem>>, %arg8: memref<256x128xf32, #tpu.memory_space<vmem>>, %arg9: memref<1x256xf32, #tpu.memory_space<vmem>>, %arg10: memref<1x256xf32, #tpu.memory_space<vmem>>, %arg11: memref<1x256xf32, #tpu.memory_space<vmem>>, %arg12: memref<256x256xf32, #tpu.memory_space<vmem>>, %arg13: memref<1x256xf32, #tpu.memory_space<vmem>>, %arg14: memref<128x256xf32, #tpu.memory_space<vmem>>, %arg15: memref<1x128xf32, #tpu.memory_space<vmem>>, %arg16: memref<2000x128xf32, #tpu.memory_space<vmem>>) attributes {dimension_semantics = [#tpu.dimension_semantics<arbitrary>], iteration_bounds = array<i64: 5>, scalar_prefetch = 0 : i64, scratch_operands = 0 : i64, tpu.core_type = #tpu.core_type<tc>, window_params = [{transform_indices = @transform_0, window_bounds = array<i64: 2000, 128>}, {transform_indices = @transform_1, window_bounds = array<i64: 2000, 128>}, {transform_indices = @transform_2, window_bounds = array<i64: 2000, 128>}, {transform_indices = @transform_3, window_bounds = array<i64: 2000, 128>}, {transform_indices = @transform_4, window_bounds = array<i64: 2000, 128>}, {transform_indices = @transform_5, window_bounds = array<i64: 2000, 128>}, {pipeline_mode = #tpu.pipeline_mode<synchronous>, transform_indices = @transform_6, window_bounds = array<i64: 256, 128>}, {pipeline_mode = #tpu.pipeline_mode<synchronous>, transform_indices = @transform_7, window_bounds = array<i64: 256, 128>}, {pipeline_mode = #tpu.pipeline_mode<synchronous>, transform_indices = @transform_8, window_bounds = array<i64: 1, 256>}, {pipeline_mode = #tpu.pipeline_mode<synchronous>, transform_indices = @transform_9, window_bounds = array<i64: 1, 256>}, {pipeline_mode = #tpu.pipeline_mode<synchronous>, transform_indices = @transform_10, window_bounds = array<i64: 1, 256>}, {pipeline_mode = #tpu.pipeline_mode<synchronous>, transform_indices = @transform_11, window_bounds = array<i64: 256, 256>}, {pipeline_mode = #tpu.pipeline_mode<synchronous>, transform_indices = @transform_12, window_bounds = array<i64: 1, 256>}, {pipeline_mode = #tpu.pipeline_mode<synchronous>, transform_indices = @transform_13, window_bounds = array<i64: 128, 256>}, {pipeline_mode = #tpu.pipeline_mode<synchronous>, transform_indices = @transform_14, window_bounds = array<i64: 1, 128>}, {transform_indices = @transform_15, window_bounds = array<i64: 2000, 128>}]} {
    %get3A = arith.constant 0 : index
    %get3A_0 = arith.constant 0 : index
    %get3A_1 = vector.load %arg1[%get3A, %get3A_0] : memref<2000x128xf32, #tpu.memory_space<vmem>>, vector<2000x128xf32>
    %get3A_2 = arith.constant 0 : index
    %get3A_3 = arith.constant 0 : index
    %get3A_4 = vector.load %arg2[%get3A_2, %get3A_3] : memref<2000x128xf32, #tpu.memory_space<vmem>>, vector<2000x128xf32>
    %add3A = arith.addf %get3A_1, %get3A_4 : vector<2000x128xf32>
    %get3A_5 = arith.constant 0 : index
    %get3A_6 = arith.constant 0 : index
    %get3A_7 = vector.load %arg3[%get3A_5, %get3A_6] : memref<2000x128xf32, #tpu.memory_space<vmem>>, vector<2000x128xf32>
    %add3A_8 = arith.addf %add3A, %get3A_7 : vector<2000x128xf32>
    %get3A_9 = arith.constant 0 : index
    %get3A_10 = arith.constant 0 : index
    %get3A_11 = vector.load %arg4[%get3A_9, %get3A_10] : memref<2000x128xf32, #tpu.memory_space<vmem>>, vector<2000x128xf32>
    %get3A_12 = arith.constant 0 : index
    %get3A_13 = arith.constant 0 : index
    %get3A_14 = vector.load %arg5[%get3A_12, %get3A_13] : memref<2000x128xf32, #tpu.memory_space<vmem>>, vector<2000x128xf32>
    %add3A_15 = arith.addf %get3A_11, %get3A_14 : vector<2000x128xf32>
    %get3A_16 = arith.constant 0 : index
    %get3A_17 = arith.constant 0 : index
    %get3A_18 = vector.load %arg6[%get3A_16, %get3A_17] : memref<2000x128xf32, #tpu.memory_space<vmem>>, vector<2000x128xf32>
    %add3A_19 = arith.addf %add3A_15, %get3A_18 : vector<2000x128xf32>
    %get3A_20 = arith.constant 0 : index
    %get3A_21 = arith.constant 0 : index
    %get3A_22 = vector.load %arg7[%get3A_20, %get3A_21] : memref<256x128xf32, #tpu.memory_space<vmem>>, vector<256x128xf32>
    %dot_general3A = arith.constant dense<0.000000e+00> : vector<2000x256xf32>
    %dot_general3A_23 = tpu.matmul %add3A_8, %get3A_22, %dot_general3A {dimension_numbers = #tpu.dot_dimension_numbers<[1], [1], [0], [0], [0, 0, 1, 0], [], []>, transpose_lhs_hint = false} : vector<2000x128xf32>, vector<256x128xf32>, vector<2000x256xf32> -> vector<2000x256xf32>
    %get3A_24 = arith.constant 0 : index
    %get3A_25 = arith.constant 0 : index
    %get3A_26 = vector.load %arg8[%get3A_24, %get3A_25] : memref<256x128xf32, #tpu.memory_space<vmem>>, vector<256x128xf32>
    %dot_general3A_27 = arith.constant dense<0.000000e+00> : vector<2000x256xf32>
    %dot_general3A_28 = tpu.matmul %add3A_19, %get3A_26, %dot_general3A_27 {dimension_numbers = #tpu.dot_dimension_numbers<[1], [1], [0], [0], [0, 0, 1, 0], [], []>, transpose_lhs_hint = false} : vector<2000x128xf32>, vector<256x128xf32>, vector<2000x256xf32> -> vector<2000x256xf32>
    %add3A_29 = arith.addf %dot_general3A_23, %dot_general3A_28 : vector<2000x256xf32>
    %get3A_30 = arith.constant 0 : index
    %get3A_31 = arith.constant 0 : index
    %get3A_32 = vector.load %arg9[%get3A_30, %get3A_31] : memref<1x256xf32, #tpu.memory_space<vmem>>, vector<1x256xf32>
    %add3A_33 = vector.broadcast %get3A_32 : vector<1x256xf32> to vector<2000x256xf32>
    %add3A_34 = arith.addf %add3A_29, %add3A_33 : vector<2000x256xf32>
    %reduce_sum3A = arith.constant dense<0.000000e+00> : vector<2000xf32>
    %reduce_sum3A_35 = vector.multi_reduction <add>, %add3A_34, %reduce_sum3A [1] : vector<2000x256xf32> to vector<2000xf32>
    %broadcast_in_dim3A = vector.shape_cast %reduce_sum3A_35 : vector<2000xf32> to vector<2000x1xf32>
    %div3A = arith.constant 2.560000e+02 : f32
    %div3A_36 = vector.broadcast %div3A : f32 to vector<2000x1xf32>
    %div3A_37 = arith.divf %broadcast_in_dim3A, %div3A_36 : vector<2000x1xf32>
    %sub3A = vector.broadcast %div3A_37 : vector<2000x1xf32> to vector<2000x256xf32>
    %sub3A_38 = arith.subf %add3A_34, %sub3A : vector<2000x256xf32>
    %integer_pow3A = arith.mulf %sub3A_38, %sub3A_38 : vector<2000x256xf32>
    %reduce_sum3A_39 = arith.constant dense<0.000000e+00> : vector<2000xf32>
    %reduce_sum3A_40 = vector.multi_reduction <add>, %integer_pow3A, %reduce_sum3A_39 [1] : vector<2000x256xf32> to vector<2000xf32>
    %broadcast_in_dim3A_41 = vector.shape_cast %reduce_sum3A_40 : vector<2000xf32> to vector<2000x1xf32>
    %div3A_42 = arith.constant 2.560000e+02 : f32
    %div3A_43 = vector.broadcast %div3A_42 : f32 to vector<2000x1xf32>
    %div3A_44 = arith.divf %broadcast_in_dim3A_41, %div3A_43 : vector<2000x1xf32>
    %sub3A_45 = vector.broadcast %div3A_37 : vector<2000x1xf32> to vector<2000x256xf32>
    %sub3A_46 = arith.subf %add3A_34, %sub3A_45 : vector<2000x256xf32>
    %add3A_47 = arith.constant 9.99999974E-6 : f32
    %add3A_48 = vector.broadcast %add3A_47 : f32 to vector<2000x1xf32>
    %add3A_49 = arith.addf %div3A_44, %add3A_48 : vector<2000x1xf32>
    %sqrt3A = math.sqrt %add3A_49 : vector<2000x1xf32>
    %div3A_50 = vector.broadcast %sqrt3A : vector<2000x1xf32> to vector<2000x256xf32>
    %div3A_51 = arith.divf %sub3A_46, %div3A_50 : vector<2000x256xf32>
    %get3A_52 = arith.constant 0 : index
    %get3A_53 = arith.constant 0 : index
    %get3A_54 = vector.load %arg10[%get3A_52, %get3A_53] : memref<1x256xf32, #tpu.memory_space<vmem>>, vector<1x256xf32>
    %mul3A = vector.broadcast %get3A_54 : vector<1x256xf32> to vector<2000x256xf32>
    %mul3A_55 = arith.mulf %div3A_51, %mul3A : vector<2000x256xf32>
    %get3A_56 = arith.constant 0 : index
    %get3A_57 = arith.constant 0 : index
    %get3A_58 = vector.load %arg11[%get3A_56, %get3A_57] : memref<1x256xf32, #tpu.memory_space<vmem>>, vector<1x256xf32>
    %add3A_59 = vector.broadcast %get3A_58 : vector<1x256xf32> to vector<2000x256xf32>
    %add3A_60 = arith.addf %mul3A_55, %add3A_59 : vector<2000x256xf32>
    %gt3A = arith.constant 0.000000e+00 : f32
    %gt3A_61 = vector.broadcast %gt3A : f32 to vector<2000x256xf32>
    %gt3A_62 = arith.cmpf ogt, %add3A_60, %gt3A_61 : vector<2000x256xf32>
    %mul3A_63 = arith.constant 1.000000e-01 : f32
    %mul3A_64 = vector.broadcast %mul3A_63 : f32 to vector<2000x256xf32>
    %mul3A_65 = arith.mulf %mul3A_64, %add3A_60 : vector<2000x256xf32>
    %select_n3A = arith.select %gt3A_62, %add3A_60, %mul3A_65 : vector<2000x256xi1>, vector<2000x256xf32>
    %get3A_66 = arith.constant 0 : index
    %get3A_67 = arith.constant 0 : index
    %get3A_68 = vector.load %arg12[%get3A_66, %get3A_67] : memref<256x256xf32, #tpu.memory_space<vmem>>, vector<256x256xf32>
    %dot_general3A_69 = arith.constant dense<0.000000e+00> : vector<2000x256xf32>
    %dot_general3A_70 = tpu.matmul %select_n3A, %get3A_68, %dot_general3A_69 {dimension_numbers = #tpu.dot_dimension_numbers<[1], [1], [0], [0], [0, 0, 1, 0], [], []>, transpose_lhs_hint = false} : vector<2000x256xf32>, vector<256x256xf32>, vector<2000x256xf32> -> vector<2000x256xf32>
    %get3A_71 = arith.constant 0 : index
    %get3A_72 = arith.constant 0 : index
    %get3A_73 = vector.load %arg13[%get3A_71, %get3A_72] : memref<1x256xf32, #tpu.memory_space<vmem>>, vector<1x256xf32>
    %add3A_74 = vector.broadcast %get3A_73 : vector<1x256xf32> to vector<2000x256xf32>
    %add3A_75 = arith.addf %dot_general3A_70, %add3A_74 : vector<2000x256xf32>
    %gt3A_76 = arith.constant 0.000000e+00 : f32
    %gt3A_77 = vector.broadcast %gt3A_76 : f32 to vector<2000x256xf32>
    %gt3A_78 = arith.cmpf ogt, %add3A_75, %gt3A_77 : vector<2000x256xf32>
    %mul3A_79 = arith.constant 1.000000e-01 : f32
    %mul3A_80 = vector.broadcast %mul3A_79 : f32 to vector<2000x256xf32>
    %mul3A_81 = arith.mulf %mul3A_80, %add3A_75 : vector<2000x256xf32>
    %select_n3A_82 = arith.select %gt3A_78, %add3A_75, %mul3A_81 : vector<2000x256xi1>, vector<2000x256xf32>
    %get3A_83 = arith.constant 0 : index
    %get3A_84 = arith.constant 0 : index
    %get3A_85 = vector.load %arg14[%get3A_83, %get3A_84] : memref<128x256xf32, #tpu.memory_space<vmem>>, vector<128x256xf32>
    %dot_general3A_86 = arith.constant dense<0.000000e+00> : vector<2000x128xf32>
    %dot_general3A_87 = tpu.matmul %select_n3A_82, %get3A_85, %dot_general3A_86 {dimension_numbers = #tpu.dot_dimension_numbers<[1], [1], [0], [0], [0, 0, 1, 0], [], []>, transpose_lhs_hint = false} : vector<2000x256xf32>, vector<128x256xf32>, vector<2000x128xf32> -> vector<2000x128xf32>
    %get3A_88 = arith.constant 0 : index
    %get3A_89 = arith.constant 0 : index
    %get3A_90 = vector.load %arg15[%get3A_88, %get3A_89] : memref<1x128xf32, #tpu.memory_space<vmem>>, vector<1x128xf32>
    %add3A_91 = vector.broadcast %get3A_90 : vector<1x128xf32> to vector<2000x128xf32>
    %add3A_92 = arith.addf %dot_general3A_87, %add3A_91 : vector<2000x128xf32>
    %swap3A = arith.constant 0 : index
    %swap3A_93 = arith.constant 0 : index
    %swap3A_94 = vector.load %arg16[%swap3A, %swap3A_93] : memref<2000x128xf32, #tpu.memory_space<vmem>>, vector<2000x128xf32>
    tpu.vector_store %arg16[%swap3A, %swap3A_93], %add3A_92 {strides = array<i32>} : memref<2000x128xf32, #tpu.memory_space<vmem>>, vector<2000x128xf32>,
    return
  }
  func.func @transform_0(%arg0: i32) -> (i32, i32) {
    %c0_i32 = arith.constant 0 : i32
    %c0_i32_0 = arith.constant 0 : i32
    return %arg0, %c0_i32 : i32, i32
  }
  func.func @transform_1(%arg0: i32) -> (i32, i32) {
    %c0_i32 = arith.constant 0 : i32
    %c0_i32_0 = arith.constant 0 : i32
    return %arg0, %c0_i32 : i32, i32
  }
  func.func @transform_2(%arg0: i32) -> (i32, i32) {
    %c0_i32 = arith.constant 0 : i32
    %c0_i32_0 = arith.constant 0 : i32
    return %arg0, %c0_i32 : i32, i32
  }
  func.func @transform_3(%arg0: i32) -> (i32, i32) {
    %c0_i32 = arith.constant 0 : i32
    %c0_i32_0 = arith.constant 0 : i32
    return %arg0, %c0_i32 : i32, i32
  }
  func.func @transform_4(%arg0: i32) -> (i32, i32) {
    %c0_i32 = arith.constant 0 : i32
    %c0_i32_0 = arith.constant 0 : i32
    return %arg0, %c0_i32 : i32, i32
  }
  func.func @transform_5(%arg0: i32) -> (i32, i32) {
    %c0_i32 = arith.constant 0 : i32
    %c0_i32_0 = arith.constant 0 : i32
    return %arg0, %c0_i32 : i32, i32
  }
  func.func @transform_6(%arg0: i32) -> (i32, i32) {
    %c0_i32 = arith.constant 0 : i32
    %c0_i32_0 = arith.constant 0 : i32
    %c0_i32_1 = arith.constant 0 : i32
    return %c0_i32, %c0_i32_0 : i32, i32
  }
  func.func @transform_7(%arg0: i32) -> (i32, i32) {
    %c0_i32 = arith.constant 0 : i32
    %c0_i32_0 = arith.constant 0 : i32
    %c0_i32_1 = arith.constant 0 : i32
    return %c0_i32, %c0_i32_0 : i32, i32
  }
  func.func @transform_8(%arg0: i32) -> (i32, i32) {
    %c0_i32 = arith.constant 0 : i32
    %c0_i32_0 = arith.constant 0 : i32
    %c0_i32_1 = arith.constant 0 : i32
    return %c0_i32, %c0_i32_0 : i32, i32
  }
  func.func @transform_9(%arg0: i32) -> (i32, i32) {
    %c0_i32 = arith.constant 0 : i32
    %c0_i32_0 = arith.constant 0 : i32
    %c0_i32_1 = arith.constant 0 : i32
    return %c0_i32, %c0_i32_0 : i32, i32
  }
  func.func @transform_10(%arg0: i32) -> (i32, i32) {
    %c0_i32 = arith.constant 0 : i32
    %c0_i32_0 = arith.constant 0 : i32
    %c0_i32_1 = arith.constant 0 : i32
    return %c0_i32, %c0_i32_0 : i32, i32
  }
  func.func @transform_11(%arg0: i32) -> (i32, i32) {
    %c0_i32 = arith.constant 0 : i32
    %c0_i32_0 = arith.constant 0 : i32
    %c0_i32_1 = arith.constant 0 : i32
    return %c0_i32, %c0_i32_0 : i32, i32
  }
  func.func @transform_12(%arg0: i32) -> (i32, i32) {
    %c0_i32 = arith.constant 0 : i32
    %c0_i32_0 = arith.constant 0 : i32
    %c0_i32_1 = arith.constant 0 : i32
    return %c0_i32, %c0_i32_0 : i32, i32
  }
  func.func @transform_13(%arg0: i32) -> (i32, i32) {
    %c0_i32 = arith.constant 0 : i32
    %c0_i32_0 = arith.constant 0 : i32
    %c0_i32_1 = arith.constant 0 : i32
    return %c0_i32, %c0_i32_0 : i32, i32
  }
  func.func @transform_14(%arg0: i32) -> (i32, i32) {
    %c0_i32 = arith.constant 0 : i32
    %c0_i32_0 = arith.constant 0 : i32
    %c0_i32_1 = arith.constant 0 : i32
    return %c0_i32, %c0_i32_0 : i32, i32
  }
  func.func @transform_15(%arg0: i32) -> (i32, i32) {
    %c0_i32 = arith.constant 0 : i32
    %c0_i32_0 = arith.constant 0 : i32
    return %arg0, %c0_i32 : i32, i32
  }
}

module attributes {stable_mosaic.version = 14 : i64} {
  func.func @_mlp_out_body(%arg0: i32, %arg1: memref<2000x128xf32, #tpu.memory_space<vmem>>, %arg2: memref<2000x128xf32, #tpu.memory_space<vmem>>, %arg3: memref<2000x128xf32, #tpu.memory_space<vmem>>, %arg4: memref<2000x128xf32, #tpu.memory_space<vmem>>, %arg5: memref<2000x128xf32, #tpu.memory_space<vmem>>, %arg6: memref<2000x128xf32, #tpu.memory_space<vmem>>, %arg7: memref<2000x128xf32, #tpu.memory_space<vmem>>, %arg8: memref<256x128xf32, #tpu.memory_space<vmem>>, %arg9: memref<256x128xf32, #tpu.memory_space<vmem>>, %arg10: memref<1x256xf32, #tpu.memory_space<vmem>>, %arg11: memref<1x256xf32, #tpu.memory_space<vmem>>, %arg12: memref<1x256xf32, #tpu.memory_space<vmem>>, %arg13: memref<256x256xf32, #tpu.memory_space<vmem>>, %arg14: memref<1x256xf32, #tpu.memory_space<vmem>>, %arg15: memref<128x256xf32, #tpu.memory_space<vmem>>, %arg16: memref<1x128xf32, #tpu.memory_space<vmem>>, %arg17: memref<128x128xf32, #tpu.memory_space<vmem>>, %arg18: memref<128x128xf32, #tpu.memory_space<vmem>>, %arg19: memref<128x128xf32, #tpu.memory_space<vmem>>, %arg20: memref<1x128xf32, #tpu.memory_space<vmem>>, %arg21: memref<2000x128xf32, #tpu.memory_space<vmem>>) attributes {dimension_semantics = [#tpu.dimension_semantics<arbitrary>], iteration_bounds = array<i64: 5>, scalar_prefetch = 0 : i64, scratch_operands = 0 : i64, tpu.core_type = #tpu.core_type<tc>, window_params = [{transform_indices = @transform_0, window_bounds = array<i64: 2000, 128>}, {transform_indices = @transform_1, window_bounds = array<i64: 2000, 128>}, {transform_indices = @transform_2, window_bounds = array<i64: 2000, 128>}, {transform_indices = @transform_3, window_bounds = array<i64: 2000, 128>}, {transform_indices = @transform_4, window_bounds = array<i64: 2000, 128>}, {transform_indices = @transform_5, window_bounds = array<i64: 2000, 128>}, {transform_indices = @transform_6, window_bounds = array<i64: 2000, 128>}, {pipeline_mode = #tpu.pipeline_mode<synchronous>, transform_indices = @transform_7, window_bounds = array<i64: 256, 128>}, {pipeline_mode = #tpu.pipeline_mode<synchronous>, transform_indices = @transform_8, window_bounds = array<i64: 256, 128>}, {pipeline_mode = #tpu.pipeline_mode<synchronous>, transform_indices = @transform_9, window_bounds = array<i64: 1, 256>}, {pipeline_mode = #tpu.pipeline_mode<synchronous>, transform_indices = @transform_10, window_bounds = array<i64: 1, 256>}, {pipeline_mode = #tpu.pipeline_mode<synchronous>, transform_indices = @transform_11, window_bounds = array<i64: 1, 256>}, {pipeline_mode = #tpu.pipeline_mode<synchronous>, transform_indices = @transform_12, window_bounds = array<i64: 256, 256>}, {pipeline_mode = #tpu.pipeline_mode<synchronous>, transform_indices = @transform_13, window_bounds = array<i64: 1, 256>}, {pipeline_mode = #tpu.pipeline_mode<synchronous>, transform_indices = @transform_14, window_bounds = array<i64: 128, 256>}, {pipeline_mode = #tpu.pipeline_mode<synchronous>, transform_indices = @transform_15, window_bounds = array<i64: 1, 128>}, {pipeline_mode = #tpu.pipeline_mode<synchronous>, transform_indices = @transform_16, window_bounds = array<i64: 128, 128>}, {pipeline_mode = #tpu.pipeline_mode<synchronous>, transform_indices = @transform_17, window_bounds = array<i64: 128, 128>}, {pipeline_mode = #tpu.pipeline_mode<synchronous>, transform_indices = @transform_18, window_bounds = array<i64: 128, 128>}, {pipeline_mode = #tpu.pipeline_mode<synchronous>, transform_indices = @transform_19, window_bounds = array<i64: 1, 128>}, {transform_indices = @transform_20, window_bounds = array<i64: 2000, 128>}]} {
    %get3A = arith.constant 0 : index
    %get3A_0 = arith.constant 0 : index
    %get3A_1 = vector.load %arg1[%get3A, %get3A_0] : memref<2000x128xf32, #tpu.memory_space<vmem>>, vector<2000x128xf32>
    %get3A_2 = arith.constant 0 : index
    %get3A_3 = arith.constant 0 : index
    %get3A_4 = vector.load %arg2[%get3A_2, %get3A_3] : memref<2000x128xf32, #tpu.memory_space<vmem>>, vector<2000x128xf32>
    %add3A = arith.addf %get3A_1, %get3A_4 : vector<2000x128xf32>
    %get3A_5 = arith.constant 0 : index
    %get3A_6 = arith.constant 0 : index
    %get3A_7 = vector.load %arg3[%get3A_5, %get3A_6] : memref<2000x128xf32, #tpu.memory_space<vmem>>, vector<2000x128xf32>
    %add3A_8 = arith.addf %add3A, %get3A_7 : vector<2000x128xf32>
    %get3A_9 = arith.constant 0 : index
    %get3A_10 = arith.constant 0 : index
    %get3A_11 = vector.load %arg4[%get3A_9, %get3A_10] : memref<2000x128xf32, #tpu.memory_space<vmem>>, vector<2000x128xf32>
    %get3A_12 = arith.constant 0 : index
    %get3A_13 = arith.constant 0 : index
    %get3A_14 = vector.load %arg5[%get3A_12, %get3A_13] : memref<2000x128xf32, #tpu.memory_space<vmem>>, vector<2000x128xf32>
    %add3A_15 = arith.addf %get3A_11, %get3A_14 : vector<2000x128xf32>
    %get3A_16 = arith.constant 0 : index
    %get3A_17 = arith.constant 0 : index
    %get3A_18 = vector.load %arg6[%get3A_16, %get3A_17] : memref<2000x128xf32, #tpu.memory_space<vmem>>, vector<2000x128xf32>
    %add3A_19 = arith.addf %add3A_15, %get3A_18 : vector<2000x128xf32>
    %get3A_20 = arith.constant 0 : index
    %get3A_21 = arith.constant 0 : index
    %get3A_22 = vector.load %arg8[%get3A_20, %get3A_21] : memref<256x128xf32, #tpu.memory_space<vmem>>, vector<256x128xf32>
    %dot_general3A = arith.constant dense<0.000000e+00> : vector<2000x256xf32>
    %dot_general3A_23 = tpu.matmul %add3A_8, %get3A_22, %dot_general3A {dimension_numbers = #tpu.dot_dimension_numbers<[1], [1], [0], [0], [0, 0, 1, 0], [], []>, transpose_lhs_hint = false} : vector<2000x128xf32>, vector<256x128xf32>, vector<2000x256xf32> -> vector<2000x256xf32>
    %get3A_24 = arith.constant 0 : index
    %get3A_25 = arith.constant 0 : index
    %get3A_26 = vector.load %arg9[%get3A_24, %get3A_25] : memref<256x128xf32, #tpu.memory_space<vmem>>, vector<256x128xf32>
    %dot_general3A_27 = arith.constant dense<0.000000e+00> : vector<2000x256xf32>
    %dot_general3A_28 = tpu.matmul %add3A_19, %get3A_26, %dot_general3A_27 {dimension_numbers = #tpu.dot_dimension_numbers<[1], [1], [0], [0], [0, 0, 1, 0], [], []>, transpose_lhs_hint = false} : vector<2000x128xf32>, vector<256x128xf32>, vector<2000x256xf32> -> vector<2000x256xf32>
    %add3A_29 = arith.addf %dot_general3A_23, %dot_general3A_28 : vector<2000x256xf32>
    %get3A_30 = arith.constant 0 : index
    %get3A_31 = arith.constant 0 : index
    %get3A_32 = vector.load %arg10[%get3A_30, %get3A_31] : memref<1x256xf32, #tpu.memory_space<vmem>>, vector<1x256xf32>
    %add3A_33 = vector.broadcast %get3A_32 : vector<1x256xf32> to vector<2000x256xf32>
    %add3A_34 = arith.addf %add3A_29, %add3A_33 : vector<2000x256xf32>
    %reduce_sum3A = arith.constant dense<0.000000e+00> : vector<2000xf32>
    %reduce_sum3A_35 = vector.multi_reduction <add>, %add3A_34, %reduce_sum3A [1] : vector<2000x256xf32> to vector<2000xf32>
    %broadcast_in_dim3A = vector.shape_cast %reduce_sum3A_35 : vector<2000xf32> to vector<2000x1xf32>
    %div3A = arith.constant 2.560000e+02 : f32
    %div3A_36 = vector.broadcast %div3A : f32 to vector<2000x1xf32>
    %div3A_37 = arith.divf %broadcast_in_dim3A, %div3A_36 : vector<2000x1xf32>
    %sub3A = vector.broadcast %div3A_37 : vector<2000x1xf32> to vector<2000x256xf32>
    %sub3A_38 = arith.subf %add3A_34, %sub3A : vector<2000x256xf32>
    %integer_pow3A = arith.mulf %sub3A_38, %sub3A_38 : vector<2000x256xf32>
    %reduce_sum3A_39 = arith.constant dense<0.000000e+00> : vector<2000xf32>
    %reduce_sum3A_40 = vector.multi_reduction <add>, %integer_pow3A, %reduce_sum3A_39 [1] : vector<2000x256xf32> to vector<2000xf32>
    %broadcast_in_dim3A_41 = vector.shape_cast %reduce_sum3A_40 : vector<2000xf32> to vector<2000x1xf32>
    %div3A_42 = arith.constant 2.560000e+02 : f32
    %div3A_43 = vector.broadcast %div3A_42 : f32 to vector<2000x1xf32>
    %div3A_44 = arith.divf %broadcast_in_dim3A_41, %div3A_43 : vector<2000x1xf32>
    %sub3A_45 = vector.broadcast %div3A_37 : vector<2000x1xf32> to vector<2000x256xf32>
    %sub3A_46 = arith.subf %add3A_34, %sub3A_45 : vector<2000x256xf32>
    %add3A_47 = arith.constant 9.99999974E-6 : f32
    %add3A_48 = vector.broadcast %add3A_47 : f32 to vector<2000x1xf32>
    %add3A_49 = arith.addf %div3A_44, %add3A_48 : vector<2000x1xf32>
    %sqrt3A = math.sqrt %add3A_49 : vector<2000x1xf32>
    %div3A_50 = vector.broadcast %sqrt3A : vector<2000x1xf32> to vector<2000x256xf32>
    %div3A_51 = arith.divf %sub3A_46, %div3A_50 : vector<2000x256xf32>
    %get3A_52 = arith.constant 0 : index
    %get3A_53 = arith.constant 0 : index
    %get3A_54 = vector.load %arg11[%get3A_52, %get3A_53] : memref<1x256xf32, #tpu.memory_space<vmem>>, vector<1x256xf32>
    %mul3A = vector.broadcast %get3A_54 : vector<1x256xf32> to vector<2000x256xf32>
    %mul3A_55 = arith.mulf %div3A_51, %mul3A : vector<2000x256xf32>
    %get3A_56 = arith.constant 0 : index
    %get3A_57 = arith.constant 0 : index
    %get3A_58 = vector.load %arg12[%get3A_56, %get3A_57] : memref<1x256xf32, #tpu.memory_space<vmem>>, vector<1x256xf32>
    %add3A_59 = vector.broadcast %get3A_58 : vector<1x256xf32> to vector<2000x256xf32>
    %add3A_60 = arith.addf %mul3A_55, %add3A_59 : vector<2000x256xf32>
    %gt3A = arith.constant 0.000000e+00 : f32
    %gt3A_61 = vector.broadcast %gt3A : f32 to vector<2000x256xf32>
    %gt3A_62 = arith.cmpf ogt, %add3A_60, %gt3A_61 : vector<2000x256xf32>
    %mul3A_63 = arith.constant 1.000000e-01 : f32
    %mul3A_64 = vector.broadcast %mul3A_63 : f32 to vector<2000x256xf32>
    %mul3A_65 = arith.mulf %mul3A_64, %add3A_60 : vector<2000x256xf32>
    %select_n3A = arith.select %gt3A_62, %add3A_60, %mul3A_65 : vector<2000x256xi1>, vector<2000x256xf32>
    %get3A_66 = arith.constant 0 : index
    %get3A_67 = arith.constant 0 : index
    %get3A_68 = vector.load %arg13[%get3A_66, %get3A_67] : memref<256x256xf32, #tpu.memory_space<vmem>>, vector<256x256xf32>
    %dot_general3A_69 = arith.constant dense<0.000000e+00> : vector<2000x256xf32>
    %dot_general3A_70 = tpu.matmul %select_n3A, %get3A_68, %dot_general3A_69 {dimension_numbers = #tpu.dot_dimension_numbers<[1], [1], [0], [0], [0, 0, 1, 0], [], []>, transpose_lhs_hint = false} : vector<2000x256xf32>, vector<256x256xf32>, vector<2000x256xf32> -> vector<2000x256xf32>
    %get3A_71 = arith.constant 0 : index
    %get3A_72 = arith.constant 0 : index
    %get3A_73 = vector.load %arg14[%get3A_71, %get3A_72] : memref<1x256xf32, #tpu.memory_space<vmem>>, vector<1x256xf32>
    %add3A_74 = vector.broadcast %get3A_73 : vector<1x256xf32> to vector<2000x256xf32>
    %add3A_75 = arith.addf %dot_general3A_70, %add3A_74 : vector<2000x256xf32>
    %gt3A_76 = arith.constant 0.000000e+00 : f32
    %gt3A_77 = vector.broadcast %gt3A_76 : f32 to vector<2000x256xf32>
    %gt3A_78 = arith.cmpf ogt, %add3A_75, %gt3A_77 : vector<2000x256xf32>
    %mul3A_79 = arith.constant 1.000000e-01 : f32
    %mul3A_80 = vector.broadcast %mul3A_79 : f32 to vector<2000x256xf32>
    %mul3A_81 = arith.mulf %mul3A_80, %add3A_75 : vector<2000x256xf32>
    %select_n3A_82 = arith.select %gt3A_78, %add3A_75, %mul3A_81 : vector<2000x256xi1>, vector<2000x256xf32>
    %get3A_83 = arith.constant 0 : index
    %get3A_84 = arith.constant 0 : index
    %get3A_85 = vector.load %arg15[%get3A_83, %get3A_84] : memref<128x256xf32, #tpu.memory_space<vmem>>, vector<128x256xf32>
    %dot_general3A_86 = arith.constant dense<0.000000e+00> : vector<2000x128xf32>
    %dot_general3A_87 = tpu.matmul %select_n3A_82, %get3A_85, %dot_general3A_86 {dimension_numbers = #tpu.dot_dimension_numbers<[1], [1], [0], [0], [0, 0, 1, 0], [], []>, transpose_lhs_hint = false} : vector<2000x256xf32>, vector<128x256xf32>, vector<2000x128xf32> -> vector<2000x128xf32>
    %get3A_88 = arith.constant 0 : index
    %get3A_89 = arith.constant 0 : index
    %get3A_90 = vector.load %arg16[%get3A_88, %get3A_89] : memref<1x128xf32, #tpu.memory_space<vmem>>, vector<1x128xf32>
    %add3A_91 = vector.broadcast %get3A_90 : vector<1x128xf32> to vector<2000x128xf32>
    %add3A_92 = arith.addf %dot_general3A_87, %add3A_91 : vector<2000x128xf32>
    %get3A_93 = arith.constant 0 : index
    %get3A_94 = arith.constant 0 : index
    %get3A_95 = vector.load %arg7[%get3A_93, %get3A_94] : memref<2000x128xf32, #tpu.memory_space<vmem>>, vector<2000x128xf32>
    %get3A_96 = arith.constant 0 : index
    %get3A_97 = arith.constant 0 : index
    %get3A_98 = vector.load %arg17[%get3A_96, %get3A_97] : memref<128x128xf32, #tpu.memory_space<vmem>>, vector<128x128xf32>
    %dot_general3A_99 = arith.constant dense<0.000000e+00> : vector<2000x128xf32>
    %dot_general3A_100 = tpu.matmul %get3A_95, %get3A_98, %dot_general3A_99 {dimension_numbers = #tpu.dot_dimension_numbers<[1], [1], [0], [0], [0, 0, 1, 0], [], []>, transpose_lhs_hint = false} : vector<2000x128xf32>, vector<128x128xf32>, vector<2000x128xf32> -> vector<2000x128xf32>
    %get3A_101 = arith.constant 0 : index
    %get3A_102 = arith.constant 0 : index
    %get3A_103 = vector.load %arg4[%get3A_101, %get3A_102] : memref<2000x128xf32, #tpu.memory_space<vmem>>, vector<2000x128xf32>
    %get3A_104 = arith.constant 0 : index
    %get3A_105 = arith.constant 0 : index
    %get3A_106 = vector.load %arg18[%get3A_104, %get3A_105] : memref<128x128xf32, #tpu.memory_space<vmem>>, vector<128x128xf32>
    %dot_general3A_107 = arith.constant dense<0.000000e+00> : vector<2000x128xf32>
    %dot_general3A_108 = tpu.matmul %get3A_103, %get3A_106, %dot_general3A_107 {dimension_numbers = #tpu.dot_dimension_numbers<[1], [1], [0], [0], [0, 0, 1, 0], [], []>, transpose_lhs_hint = false} : vector<2000x128xf32>, vector<128x128xf32>, vector<2000x128xf32> -> vector<2000x128xf32>
    %add3A_109 = arith.addf %dot_general3A_100, %dot_general3A_108 : vector<2000x128xf32>
    %get3A_110 = arith.constant 0 : index
    %get3A_111 = arith.constant 0 : index
    %get3A_112 = vector.load %arg19[%get3A_110, %get3A_111] : memref<128x128xf32, #tpu.memory_space<vmem>>, vector<128x128xf32>
    %dot_general3A_113 = arith.constant dense<0.000000e+00> : vector<2000x128xf32>
    %dot_general3A_114 = tpu.matmul %add3A_92, %get3A_112, %dot_general3A_113 {dimension_numbers = #tpu.dot_dimension_numbers<[1], [1], [0], [0], [0, 0, 1, 0], [], []>, transpose_lhs_hint = false} : vector<2000x128xf32>, vector<128x128xf32>, vector<2000x128xf32> -> vector<2000x128xf32>
    %add3A_115 = arith.addf %add3A_109, %dot_general3A_114 : vector<2000x128xf32>
    %get3A_116 = arith.constant 0 : index
    %get3A_117 = arith.constant 0 : index
    %get3A_118 = vector.load %arg20[%get3A_116, %get3A_117] : memref<1x128xf32, #tpu.memory_space<vmem>>, vector<1x128xf32>
    %add3A_119 = vector.broadcast %get3A_118 : vector<1x128xf32> to vector<2000x128xf32>
    %add3A_120 = arith.addf %add3A_115, %add3A_119 : vector<2000x128xf32>
    %swap3A = arith.constant 0 : index
    %swap3A_121 = arith.constant 0 : index
    %swap3A_122 = vector.load %arg21[%swap3A, %swap3A_121] : memref<2000x128xf32, #tpu.memory_space<vmem>>, vector<2000x128xf32>
    tpu.vector_store %arg21[%swap3A, %swap3A_121], %add3A_120 {strides = array<i32>} : memref<2000x128xf32, #tpu.memory_space<vmem>>, vector<2000x128xf32>,
    return
  }
  func.func @transform_0(%arg0: i32) -> (i32, i32) {
    %c0_i32 = arith.constant 0 : i32
    %c0_i32_0 = arith.constant 0 : i32
    return %arg0, %c0_i32 : i32, i32
  }
  func.func @transform_1(%arg0: i32) -> (i32, i32) {
    %c0_i32 = arith.constant 0 : i32
    %c0_i32_0 = arith.constant 0 : i32
    return %arg0, %c0_i32 : i32, i32
  }
  func.func @transform_2(%arg0: i32) -> (i32, i32) {
    %c0_i32 = arith.constant 0 : i32
    %c0_i32_0 = arith.constant 0 : i32
    return %arg0, %c0_i32 : i32, i32
  }
  func.func @transform_3(%arg0: i32) -> (i32, i32) {
    %c0_i32 = arith.constant 0 : i32
    %c0_i32_0 = arith.constant 0 : i32
    return %arg0, %c0_i32 : i32, i32
  }
  func.func @transform_4(%arg0: i32) -> (i32, i32) {
    %c0_i32 = arith.constant 0 : i32
    %c0_i32_0 = arith.constant 0 : i32
    return %arg0, %c0_i32 : i32, i32
  }
  func.func @transform_5(%arg0: i32) -> (i32, i32) {
    %c0_i32 = arith.constant 0 : i32
    %c0_i32_0 = arith.constant 0 : i32
    return %arg0, %c0_i32 : i32, i32
  }
  func.func @transform_6(%arg0: i32) -> (i32, i32) {
    %c0_i32 = arith.constant 0 : i32
    %c0_i32_0 = arith.constant 0 : i32
    return %arg0, %c0_i32 : i32, i32
  }
  func.func @transform_7(%arg0: i32) -> (i32, i32) {
    %c0_i32 = arith.constant 0 : i32
    %c0_i32_0 = arith.constant 0 : i32
    %c0_i32_1 = arith.constant 0 : i32
    return %c0_i32, %c0_i32_0 : i32, i32
  }
  func.func @transform_8(%arg0: i32) -> (i32, i32) {
    %c0_i32 = arith.constant 0 : i32
    %c0_i32_0 = arith.constant 0 : i32
    %c0_i32_1 = arith.constant 0 : i32
    return %c0_i32, %c0_i32_0 : i32, i32
  }
  func.func @transform_9(%arg0: i32) -> (i32, i32) {
    %c0_i32 = arith.constant 0 : i32
    %c0_i32_0 = arith.constant 0 : i32
    %c0_i32_1 = arith.constant 0 : i32
    return %c0_i32, %c0_i32_0 : i32, i32
  }
  func.func @transform_10(%arg0: i32) -> (i32, i32) {
    %c0_i32 = arith.constant 0 : i32
    %c0_i32_0 = arith.constant 0 : i32
    %c0_i32_1 = arith.constant 0 : i32
    return %c0_i32, %c0_i32_0 : i32, i32
  }
  func.func @transform_11(%arg0: i32) -> (i32, i32) {
    %c0_i32 = arith.constant 0 : i32
    %c0_i32_0 = arith.constant 0 : i32
    %c0_i32_1 = arith.constant 0 : i32
    return %c0_i32, %c0_i32_0 : i32, i32
  }
  func.func @transform_12(%arg0: i32) -> (i32, i32) {
    %c0_i32 = arith.constant 0 : i32
    %c0_i32_0 = arith.constant 0 : i32
    %c0_i32_1 = arith.constant 0 : i32
    return %c0_i32, %c0_i32_0 : i32, i32
  }
  func.func @transform_13(%arg0: i32) -> (i32, i32) {
    %c0_i32 = arith.constant 0 : i32
    %c0_i32_0 = arith.constant 0 : i32
    %c0_i32_1 = arith.constant 0 : i32
    return %c0_i32, %c0_i32_0 : i32, i32
  }
  func.func @transform_14(%arg0: i32) -> (i32, i32) {
    %c0_i32 = arith.constant 0 : i32
    %c0_i32_0 = arith.constant 0 : i32
    %c0_i32_1 = arith.constant 0 : i32
    return %c0_i32, %c0_i32_0 : i32, i32
  }
  func.func @transform_15(%arg0: i32) -> (i32, i32) {
    %c0_i32 = arith.constant 0 : i32
    %c0_i32_0 = arith.constant 0 : i32
    %c0_i32_1 = arith.constant 0 : i32
    return %c0_i32, %c0_i32_0 : i32, i32
  }
  func.func @transform_16(%arg0: i32) -> (i32, i32) {
    %c0_i32 = arith.constant 0 : i32
    %c0_i32_0 = arith.constant 0 : i32
    %c0_i32_1 = arith.constant 0 : i32
    return %c0_i32, %c0_i32_0 : i32, i32
  }
  func.func @transform_17(%arg0: i32) -> (i32, i32) {
    %c0_i32 = arith.constant 0 : i32
    %c0_i32_0 = arith.constant 0 : i32
    %c0_i32_1 = arith.constant 0 : i32
    return %c0_i32, %c0_i32_0 : i32, i32
  }
  func.func @transform_18(%arg0: i32) -> (i32, i32) {
    %c0_i32 = arith.constant 0 : i32
    %c0_i32_0 = arith.constant 0 : i32
    %c0_i32_1 = arith.constant 0 : i32
    return %c0_i32, %c0_i32_0 : i32, i32
  }
  func.func @transform_19(%arg0: i32) -> (i32, i32) {
    %c0_i32 = arith.constant 0 : i32
    %c0_i32_0 = arith.constant 0 : i32
    %c0_i32_1 = arith.constant 0 : i32
    return %c0_i32, %c0_i32_0 : i32, i32
  }
  func.func @transform_20(%arg0: i32) -> (i32, i32) {
    %c0_i32 = arith.constant 0 : i32
    %c0_i32_0 = arith.constant 0 : i32
    return %arg0, %c0_i32 : i32, i32
  }
}

</mosaic_0001>

<sc_bundles>
// kernel: kernel.10.cloned.1.call-start
scs
__scs_entry_jumppad:
0x0: {  	(pc) =	sbr.rel $0x88, $3  }
0x1: {  	(tag) =	ssettag $0x0;
	lr =	simm.s32 $0x1  }
0x2: {  	[smem:$0x3F8B] =	sst lr;
	_ =	strace $0xD0000000  }
0x3: {  	_ = 	snop  }
0x4: {  	_ = 	snop  }
0x5: {  	_ = 	snop  }
0x6: {  	_ = 	snop  }
0x7: {  	_ = 	snop  }
__scs_overlays_trampoline_lowered:
0x8: {  	[smem:$0x3F9A] =	sst s0  }
0x9: {  	[smem:$0x3F9B] =	sst s1  }
0xa: {  	[smem:$0x3F9C] =	sst s2  }
0xb: {  	[smem:$0x3F9D] =	sst s3  }
0xc: {  	[smem:$0x3F9E] =	sst s4  }
0xd: {  	[smem:$0x3F9F] =	sst s5  }
0xe: {  	[smem:$0x3FA0] =	sst s6  }
0xf: {  	[smem:$0x3FA1] =	sst s7  }
0x10: {  	[smem:$0x3FA2] =	sst s8  }
0x11: {  	[smem:$0x3FA3] =	sst s9;
	s0 =	simm.s32 @!p0 $0x0  }
0x12: {  	s1 =	sld [smem:$0x3F89];
	s0 =	simm.s32 @p0 $0x1  }
0x13: {  	[smem:$0x3FA4] =	sst s0;
	s0 =	simm.s32 @!p1 $0x0  }
0x14: {  	s2 =	sld [smem:$0x3F88];
	s0 =	simm.s32 @p1 $0x1  }
0x15: {  	[smem:$0x3FA5] =	sst s0;
	s0 =	simm.s32 @!p2 $0x0  }
0x16: {  	s3 =	sld [smem:$0x3FDB];
	s0 =	simm.s32 @p2 $0x1  }
0x17: {  	s4 =	simm.s32 $0x1BF5;
	[smem:$0x3FA7] =	sst s0  }
0x18: {  	s0 =	sld [smem:$0x3F8A];
	_ =	swait.ge [sflag:s4], $0x0  }
0x19: {  	s7 =	sld [smem:$0x3F8B]  }
0x1a: {  	s8 =	sadd.s32 $0xFFFFE003, lr  }
0x1b: {  	s9 =	sadd.s32 $0xFFFFFEF7, lr;
	s5 =	simm.s32 $0xFFFFFFFF;
	p2 =	slt.u32 s8, $0xFFFFF086  }
0x1c: {  	p1 =	slt.u32 s9, $0xF7A;
	s5 =	simm.s32 @!p2 $0x0  }
0x1d: {  	s5 =	simm.s32 @p1 $0x1;
	p0 =	seq.s32 s7, s2  }
0x1e: {  	s7 =	smul.u32 @!p0 $0xF7A, s2;
	p2 =	seq.s32 @!p0 s5, $0x0  }
0x1f: {  	s9 =	smul.u32 $0xF7A, s1;
	s8 =	simm.s32 @!p0 $0x1BF5;
	p2 =	por !p2, p0  }
0x20: {  	[sflag:s8] =	ssyncset.s32 @!p0 $0xFFFFF086;
	s6 =	sadd.s32 @!p0 s3, s7;
	s7 =	simm.s32 @!p0 $0x108  }
0x21: {  	s3 =	sadd.s32 s3, s9;
	s6 =	sadd.s32 @!p0 $0x88, s6;
	s7 =	simm.s32 @p2 $0x1082  }
0x22: {  	[simem:s7], [sflag:s8] =	dma.local @!p0 [hbm:s6], $0xF7A  }
0x23: {  	s9 =	sor.u32 $0xD0000000, s2;
	s6 =	simm.s32 $0x108;
	_ =	swait.ge @!p0 [sflag:s8], $0x0  }
0x24: {  	s3 =	sadd.s32 $0x88, s3;
	s6 =	simm.s32 @!p1 $0x1082;
	[sflag:s4] =	ssyncset.s32 $0xFFFFF086  }
0x25: {  	[simem:s6], [sflag:s4] =	dma.local [hbm:s3], $0xF7A  }
0x26: {  	[smem:$0x3F8B] =	sst s1;
	(tag) =	ssettag s2;
	_ =	strace s9  }
0x27: {  	s1 =	sld [smem:$0x3F9B]  }
0x28: {  	s2 =	sld [smem:$0x3F9C]  }
0x29: {  	s4 =	sld [smem:$0x3F9E]  }
0x2a: {  	p0 =	seq.s32 s5, $0x0;
	s5 =	sld [smem:$0x3F9F]  }
0x2b: {  	s6 =	sld [smem:$0x3FA0]  }
0x2c: {  	s7 =	sld [smem:$0x3FA1]  }
0x2d: {  	s3 =	simm.s32 $0x108;
	s8 =	sld [smem:$0x3FA2]  }
0x2e: {  	s3 =	simm.s32 @!p0 $0x1082;
	s9 =	sld [smem:$0x3FA3]  }
0x2f: {  	lr =	sadd.s32 s0, s3;
	s0 =	sld [smem:$0x3F9A]  }
0x30: {  	s3 =	sld [smem:$0x3F9D]  }
0x31: {  	[smem:$0x3FA6] =	sst s10  }
0x32: {  	s10 =	sld [smem:$0x3FA4];
	_ =	sdelay $0x3  }
0x33: {  	p0 =	seq.s32 s10, $0x1;
	s10 =	sld [smem:$0x3FA6];
	_ =	sdelay $0x3  }
0x34: {  	[smem:$0x3FA6] =	sst s10  }
0x35: {  	s10 =	sld [smem:$0x3FA5];
	_ =	sdelay $0x3  }
0x36: {  	p1 =	seq.s32 s10, $0x1;
	s10 =	sld [smem:$0x3FA6];
	_ =	sdelay $0x3  }
0x37: {  	[smem:$0x3FA6] =	sst s10  }
0x38: {  	s10 =	sld [smem:$0x3FA7]  }
0x39: {  	_ = 	snop;
	(pc) =	sbr.ind lr, $3  }
0x3a: {  	_ = 	snop  }
0x3b: {  	_ = 	snop  }
0x3c: {  	p2 =	seq.s32 s10, $0x1;
	s10 =	sld [smem:$0x3FA6]  }
0x3d: {  	_ =	shalt  }
0x3e: {  	_ =	shalt  }
0x3f: {  	_ =	shalt  }
0x40: {  	_ =	shalt  }
0x41: {  	_ =	shalt  }
0x42: {  	_ =	shalt  }
0x43: {  	_ =	shalt  }
0x44: {  	_ =	shalt  }
0x45: {  	_ =	shalt  }
0x46: {  	_ =	shalt  }
0x47: {  	_ =	shalt  }
0x48: {  	_ =	shalt  }
0x49: {  	_ =	shalt  }
0x4a: {  	_ =	shalt  }
0x4b: {  	_ =	shalt  }
0x4c: {  	_ =	shalt  }
0x4d: {  	_ =	shalt  }
0x4e: {  	_ =	shalt  }
0x4f: {  	_ =	shalt  }
0x50: {  	_ =	shalt  }
0x51: {  	_ =	shalt  }
0x52: {  	_ =	shalt  }
0x53: {  	_ =	shalt  }
0x54: {  	_ =	shalt  }
0x55: {  	_ =	shalt  }
0x56: {  	_ =	shalt  }
0x57: {  	_ =	shalt  }
0x58: {  	_ =	shalt  }
0x59: {  	_ =	shalt  }
0x5a: {  	_ =	shalt  }
0x5b: {  	_ =	shalt  }
0x5c: {  	_ =	shalt  }
0x5d: {  	_ =	shalt  }
0x5e: {  	_ =	shalt  }
0x5f: {  	_ =	shalt  }
0x60: {  	_ =	shalt  }
0x61: {  	_ =	shalt  }
0x62: {  	_ =	shalt  }
0x63: {  	_ =	shalt  }
0x64: {  	_ =	shalt  }
0x65: {  	_ =	shalt  }
0x66: {  	_ =	shalt  }
0x67: {  	_ =	shalt  }
0x68: {  	_ =	shalt  }
0x69: {  	_ =	shalt  }
0x6a: {  	_ =	shalt  }
0x6b: {  	_ =	shalt  }
0x6c: {  	_ =	shalt  }
0x6d: {  	_ =	shalt  }
0x6e: {  	_ =	shalt  }
0x6f: {  	_ =	shalt  }
0x70: {  	_ =	shalt  }
0x71: {  	_ =	shalt  }
0x72: {  	_ =	shalt  }
0x73: {  	_ =	shalt  }
0x74: {  	_ =	shalt  }
0x75: {  	_ =	shalt  }
0x76: {  	_ =	shalt  }
0x77: {  	_ =	shalt  }
0x78: {  	_ =	shalt  }
0x79: {  	_ =	shalt  }
0x7a: {  	_ =	shalt  }
0x7b: {  	_ =	shalt  }
0x7c: {  	_ =	shalt  }
0x7d: {  	_ =	shalt  }
0x7e: {  	_ =	shalt  }
0x7f: {  	_ =	shalt  }
0x80: {  	_ =	shalt  }
0x81: {  	_ =	shalt  }
0x82: {  	_ =	shalt  }
0x83: {  	_ =	shalt  }
0x84: {  	_ =	shalt  }
0x85: {  	_ =	shalt  }
0x86: {  	_ =	shalt  }
0x87: {  	_ =	shalt  }
.Lfunc_end0:
.L_simem_size_0:
called_computation.1_lowered:
.L_overlay_start_0:
0x88: {  	s2 =	sld [smem:$0x3FD9]  }
0x89: {  	s3 =	sld [smem:$0x3FFE];
	_ =	sdelay $0x1  }
0x8a: {  	s1 =	srdreg.scid  }
0x8b: {  	s0 =	sand.u32 $0x1, s1  }
0x8c: {  	s17 =	sshll.u32 s0, $0xA;
	s2 =	sadd.s32 s3, s2  }
0x8d: {  	s2 =	sadd.s32 s2, s17  }
0x8e: {  	[smem:$0x3FB2] =	sst s2  }
0x8f: {  	_ = 	snop  }
0x90: {  	s2 =	sld [smem:$0x3FD0];
	(tm) =	ssettm $0x1  }
0x91: {  	s18 =	sld [smem:$0x3FFB];
	_ =	sdelay $0x3  }
0x92: {  	_ =	strace s18  }
0x93: {  	s3 =	sld [smem:$0x3FFC];
	_ =	sdelay $0x3  }
0x94: {  	_ =	strace s3  }
0x95: {  	s3 =	sld [smem:$0x3FFD];
	_ =	sdelay $0x3  }
0x96: {  	_ =	strace s3  }
0x97: {  	_ =	strace $0x8FFFFFFF  }
0x98: {  	s19 =	sld [smem:$0x3FDB];
	_ =	sdelay $0x1  }
0x99: {  	s4 =	simm.s32 $_scs_section_size  }
0x9a: {  	s5 =	simm.s32 $_size__tile_overlayer_lowered;
	s6 =	simm.s32 $_tile_overlayer_lowered  }
0x9b: {  	s22 =	simm.s32 $0x1BFF;
	s21 =	sshll.u32 s6, $0x1;
	s3 =	sadd.s32 s4, s19  }
0x9c: {  	s7 =	simm.s32 $0x0;
	s20 =	sshll.u32 s5, $0x1;
	s5 =	sadd.s32 s21, s3  }
0x9d: {  	[timem:s7], [sflag:s22] =	dma.local [hbm:s5], s20  }
0x9e: {  	_ =	swait.ge [sflag:s22], s20  }
0x9f: {  	s4 =	ssub.s32 $0x0, s20;
	[sflag:s22] =	ssyncset.done $0x0  }
0xa0: {  	[sflag:s22] =	ssyncadd.s32 s4;
	_ =	sdelay $0x1  }
0xa1: {  	s23 =	simm.s32 $0x1B8B  }
0xa2: {  	_ =	swait.ge [sflag:s23], $0x1  }
0xa3: {  	[sflag:s23] =	ssyncset.done $0x0  }
0xa4: {  	s25 =	simm.s32 $0x1B8E;
	s24 =	sld [smem:$0x3FFE];
	[sflag:s23] =	ssyncadd.s32 $0xFFFFFFFF  }
0xa5: {  	s26 =	simm.s32 $execute0_lowered;
	[smem:$0x3FD2] =	sst s25  }
0xa6: {  	s5 =	sshll.u32 s26, $0x1;
	_ =	strace $0x80000049;
	[dreg:$0x1] =	wrdreg $0xFFFFFFFF  }
0xa7: {  	s28 =	simm.s32 $_size_execute0_lowered;
	s3 =	sadd.s32 s3, s5;
	[dreg:$0x0] =	wrdreg $0x0  }
0xa8: {  	s5 =	sshll.u32 s28, $0x1;
	[dreg:$0x2] =	wrdreg s3  }
0xa9: {  	[dreg:$0x3] =	wrdreg s5  }
0xaa: {  	[dreg:$0x4] =	wrdreg $0xC0  }
0xab: {  	_ =	task [dreg:s7], $0x5FFFF  }
0xac: {  	[dreg:$0x1] =	wrdreg $0xFFFFFFFF  }
0xad: {  	[dreg:$0x0] =	wrdreg $0x60  }
0xae: {  	[dreg:$0x2] =	wrdreg s2  }
0xaf: {  	[dreg:$0x3] =	wrdreg s24  }
0xb0: {  	[dreg:$0x4] =	wrdreg $0x0  }
0xb1: {  	[dreg:$0x5] =	wrdreg $0x9  }
0xb2: {  	_ =	task.clear_ibuf [dreg:s7], $0x6FFFF;
	_ =	strace $0x90000049  }
0xb3: {  	s29 =	simm.s32 $0x9;
	_ =	strace $0x8000004B  }
0xb4: {  	_ =	swait.ge [sflag:s29], $0x1  }
0xb5: {  	[sflag:s29] =	ssyncadd.s32 $0xFFFFFFFF  }
0xb6: {  	_ =	strace $0x9000004B  }
0xb7: {  	_ =	sfence  }
0xb8: {  	s30 =	sld [smem:$0x0];
	_ =	sdelay $0x2  }
0xb9: {  	s31 =	sshll.u32 s1, $0xD;
	s1 =	sshrl.u32 s1, $0x2  }
0xba: {  	s3 =	sand.u32 $0x4000, s31;
	s1 =	sadd.s32 s1, s30  }
0xbb: {  	s0 =	sor.u32 s3, s0;
	s1 =	sshll.u32 s1, $0x11  }
0xbc: {  	s0 =	sor.u32 s1, s0  }
0xbd: {  	s0 =	sadd.s32 $0x8F2B, s0  }
0xbe: {  	[sflag:s0] =	ssyncadd.remote.s32 $0x1  }
0xbf: {  	_ =	sfence.sel $0xFFFF  }
0xc0: {  	[dreg:$0x0] =	wrdreg $0xFFFFFFFF;
	(pc) =	sbr.abs _section_cstart, $3  }
0xc1: {  	[dreg:$0x1] =	wrdreg $0xFFFFFFFF  }
0xc2: {  	_ =	task.clear_ibuf [dreg:s7], $0x2FFFF;
	_ =	strace $0x9FFFFFFF  }
0xc3: {  	(tm) =	ssettm $0x7FFFFFFF  }
tec
execute0_lowered:
.L_overlay_start_1:
0x0: {  	(tag) =	ssettag $0x1  }
0x1: {  	s1 =	rddreg [dreg:$0x0]  }
0x2: {  	s0 =	rddreg [dreg:$0x1]  }
0x3: {  	s3 =	rddreg [dreg:$0x2]  }
0x4: {  	s4 =	simm.s32 $0x0;
	s5 =	srdreg.scid;
	s2 =	stileid.u32  }
0x5: {  	s16 =	simm.s32 $0x13C00;
	s17 =	simm.s32 $0x15000;
	s18 =	simm.s32 $0x16400  }
0x6: {  	s19 =	simm.s32 $0x1;
	s20 =	simm.s32 $0x3;
	s21 =	simm.s32 $0x80  }
0x7: {  	s22 =	simm.s32 $0x1A400;
	s23 =	simm.s32 $0x4;
	s24 =	simm.s32 $0x2  }
0x8: {  	s28 =	simm.s32 $0x16380;
	s29 =	simm.s32 $0x0;
	[smem:$0x7FF] =	sst s4  }
0x9: {  	s5 =	sand.u32 $0x1, s5;
	s6 =	smul.u32 $0x2780, s2;
	s12 =	sadd.s32 $0x2BC00, s0  }
0xa: {  	s13 =	sadd.s32 $0x35C00, s0;
	s26 =	smul.u32 $0x4F000, s2;
	_ =	strace $0x8000004A  }
0xb: {  	s7 =	smul.u32 $0x27800, s5;
	s8 =	sshll.u32 s5, $0x4;
	s5 =	ssub.s32 $0x2, s5  }
0xc: {  	s25 =	sor.u32 s2, s8;
	s30 =	sshrl.u32 s5, $0x1;
	s8 =	sshrl.u32 s26, $0x2  }
0xd: {  	s26 =	simm.s32 $0x16300;
	s6 =	sadd.s32 s6, s7;
	s9 =	smul.u32 $0x500, s25  }
0xe: {  	s10 =	smul.u32 $0x2800, s25;
	s15 =	ssub.s32 s5, s30;
	s25 =	simm.s32 $0x14F80  }
0xf: {  	s0 =	sadd.s32 s6, s0;
	s6 =	sadd.s32 s8, s3;
	s15 =	smax.u32 s15, $0x1  }
0x10: {  	s31 =	sadd.s32 s12, s9;
	s7 =	sadd.s32 s13, s9;
	s8 =	sadd.s32 $0x4000, s6  }
0x11: {  	s11 =	sshrl.u32 s10, $0x3;
	s9 =	sadd.s32 $0x8000, s6;
	s10 =	sadd.s32 $0xC000, s6  }
0x12: {  	[dreg:$0x4] =	wrdreg s31;
	s14 =	sadd.s32 $0x280, s11;
	s11 =	sadd.s32 $0x10000, s6  }
0x13: {  	v0 =	vimm.f32 $0.0e+00;
	s12 =	sadd.s32 s12, s14;
	s13 =	sadd.s32 s13, s14;
	s14 =	sadd.s32 $0x3FC00, s0  }
.LBB2_1:
0x14: {  	s0 =	rddreg [dreg:$0x4];
	s5 =	sand.u32 $0xFE00, s4  }
0x15: {  	[tilespmem:s16], [sflag:$0x3] =	stream.linear.gather [hbm4b:s0+s4], $0x1400, $0x38;
	[tilespmem:$0x1E400] =	vst v63  }
0x16: {  	s31 =	sand.u32 $0x70, s4;
	s0 =	sshrl.u32 s5, $0x2  }
0x17: {  	s30 =	simm.s32 $0x40;
	s0 =	sor.u32 s31, s0;
	s31 =	simm.s32 $0x0  }
0x18: {  	[tilespmem:s17], [sflag:$0x3] =	stream.linear.gather [hbm4b:s7+s4], $0x1400, $0x38;
	[tilespmem:$0x1E400] =	vst v63  }
.LBB2_2:
0x19: {  	p0 =	sne.s32 s30, $0xFFC0  }
0x1a: {  	[tilespmem:s0+$0x16400] =	vst v0;
	s31 =	sadd.s32 $0x10, s31;
	s0 =	smov.u32 s30;
	s30 =	sadd.s32 $0x40, s30  }
.Ltmp0:
0x1b: {  	(pc) =	sbr.rel @p0 .LBB2_2-.Ltmp0, $4  }
0x1c: {  	_ = 	snop  }
0x1d: {  	s0 =	sand.u32 $0xFE00, s0  }
0x1e: {  	s2 =	sand.u32 $0x70, s31;
	s0 =	sshrl.u32 s0, $0x2  }
0x1f: {  	s0 =	sor.u32 s2, s0  }
0x20: {  	[tilespmem:s0+$0x16400] =	vst v0  }
0x21: {  	[spmem:s6] =	stream.linear.scatter [tilespmem:s18], [sflag:$0x1], $0x4000, $0x38;
	[tilespmem:$0x1E400] =	vst v63  }
0x22: {  	_ = 	snop  }
0x23: {  	[spmem:s8] =	stream.linear.scatter [tilespmem:s18], [sflag:$0x1], $0x4000, $0x38;
	[tilespmem:$0x1E400] =	vst v63  }
0x24: {  	_ = 	snop  }
0x25: {  	[spmem:s9] =	stream.linear.scatter [tilespmem:s18], [sflag:$0x1], $0x4000, $0x38;
	[tilespmem:$0x1E400] =	vst v63  }
0x26: {  	_ = 	snop  }
0x27: {  	[spmem:s10] =	stream.linear.scatter [tilespmem:s18], [sflag:$0x1], $0x4000, $0x38;
	[tilespmem:$0x1E400] =	vst v63  }
0x28: {  	_ = 	snop  }
0x29: {  	[spmem:s11] =	stream.linear.scatter [tilespmem:s18], [sflag:$0x1], $0x3C00, $0x38;
	[tilespmem:$0x1E400] =	vst v63  }
0x2a: {  	_ =	swait.ge [sflag:s19], $0x4000  }
0x2b: {  	[sflag:s19] =	ssyncset.done $0x0  }
0x2c: {  	[sflag:s19] =	ssyncadd.s32 $0xFFFFC000  }
0x2d: {  	_ =	swait.ge [sflag:s19], $0x4000  }
0x2e: {  	[sflag:s19] =	ssyncset.done $0x0  }
0x2f: {  	[sflag:s19] =	ssyncadd.s32 $0xFFFFC000  }
0x30: {  	_ =	swait.ge [sflag:s19], $0x4000  }
0x31: {  	[sflag:s19] =	ssyncset.done $0x0  }
0x32: {  	[sflag:s19] =	ssyncadd.s32 $0xFFFFC000  }
0x33: {  	_ =	swait.ge [sflag:s19], $0x4000  }
0x34: {  	[sflag:s19] =	ssyncset.done $0x0  }
0x35: {  	[sflag:s19] =	ssyncadd.s32 $0xFFFFC000  }
0x36: {  	_ =	swait.ge [sflag:s19], $0x3C00  }
0x37: {  	[sflag:s19] =	ssyncset.done $0x0  }
0x38: {  	[sflag:s19] =	ssyncadd.s32 $0xFFFFC400  }
0x39: {  	_ =	swait.ge [sflag:s20], $0x1400  }
0x3a: {  	[sflag:s20] =	ssyncset.done $0x0  }
0x3b: {  	[sflag:s20] =	ssyncadd.s32 $0xFFFFEC00  }
0x3c: {  	_ =	swait.ge [sflag:s20], $0x1400  }
0x3d: {  	[sflag:s20] =	ssyncset.done $0x0  }
0x3e: {  	[sflag:s20] =	ssyncadd.s32 $0xFFFFEC00  }
0x3f: {  	[bflag:$0x0] =	sbarrier.arrive $0xFFFF  }
0x40: {  	[tilespmem:s18], [sflag:$0x1] =	stream.indirect.gather [hbm4b:s1+s21], $0x80, s16, s21, $0xb8;
	[tilespmem:$0x1E400] =	vst v63  }
0x41: {  	s2 =	simm.s32 $0x13C80  }
0x42: {  	[tilespmem:s22], [sflag:$0x2] =	stream.indirect.gather [hbm4b:s1+s21], $0x80, s2, s21, $0xb8;
	[tilespmem:$0x1E400] =	vst v63  }
0x43: {  	_ =	swait.ge [sflag:s19], $0x4000  }
0x44: {  	[sflag:s19] =	ssyncset.done $0x0  }
0x45: {  	s5 =	simm.s32 $0x15000;
	[sflag:s19] =	ssyncadd.s32 $0xFFFFC000  }
0x46: {  	[spmem:s3] =	stream.indirect.scatter.add.f32 [tilespmem:s18], [sflag:$0x4], $0x80, s5, s21, $0xb8;
	[tilespmem:$0x1E400] =	vst v63  }
0x47: {  	_ =	swait.ge [sflag:s23], $0x4000  }
0x48: {  	[sflag:s23] =	ssyncset.done $0x0  }
0x49: {  	s2 =	simm.s32 $0x13D00;
	[sflag:s23] =	ssyncadd.s32 $0xFFFFC000  }
0x4a: {  	[tilespmem:s18], [sflag:$0x1] =	stream.indirect.gather [hbm4b:s1+s21], $0x80, s2, s21, $0xb8;
	[tilespmem:$0x1E400] =	vst v63  }
0x4b: {  	_ =	swait.ge [sflag:s24], $0x4000  }
0x4c: {  	[sflag:s24] =	ssyncset.done $0x0  }
0x4d: {  	s5 =	simm.s32 $0x15080;
	[sflag:s24] =	ssyncadd.s32 $0xFFFFC000  }
0x4e: {  	[spmem:s3] =	stream.indirect.scatter.add.f32 [tilespmem:s22], [sflag:$0x4], $0x80, s5, s21, $0xb8;
	[tilespmem:$0x1E400] =	vst v63  }
0x4f: {  	_ =	swait.ge [sflag:s23], $0x4000  }
0x50: {  	s31 =	simm.s32 $0x800;
	s30 =	simm.s32 $0x100;
	[sflag:s23] =	ssyncset.done $0x0  }
.LBB2_4:
0x51: {  	s0 =	sadd.s32 $0x13C80, s30  }
0x52: {  	[sflag:s23] =	ssyncadd.s32 $0xFFFFC000;
	s2 =	smov.u32 s31;
	s5 =	sadd.s32 $0x400, s31  }
0x53: {  	[tilespmem:s22], [sflag:$0x2] =	stream.indirect.gather [hbm4b:s1+s21], $0x80, s0, s21, $0xb8;
	[tilespmem:$0x1E400] =	vst v63  }
0x54: {  	p0 =	sne.s32 s31, $0x4800;
	_ =	swait.ge [sflag:s19], $0x4000  }
0x55: {  	[sflag:s19] =	ssyncset.done $0x0  }
0x56: {  	s0 =	sadd.s32 $0x15000, s30;
	[sflag:s19] =	ssyncadd.s32 $0xFFFFC000  }
0x57: {  	[spmem:s3] =	stream.indirect.scatter.add.f32 [tilespmem:s18], [sflag:$0x4], $0x80, s0, s21, $0xb8;
	[tilespmem:$0x1E400] =	vst v63  }
0x58: {  	_ =	swait.ge [sflag:s23], $0x4000  }
0x59: {  	[sflag:s23] =	ssyncset.done $0x0  }
0x5a: {  	s0 =	sadd.s32 $0x13D00, s30;
	[sflag:s23] =	ssyncadd.s32 $0xFFFFC000  }
0x5b: {  	[tilespmem:s18], [sflag:$0x1] =	stream.indirect.gather [hbm4b:s1+s21], $0x80, s0, s21, $0xb8;
	[tilespmem:$0x1E400] =	vst v63  }
0x5c: {  	_ =	swait.ge [sflag:s24], $0x4000  }
.Ltmp1:
0x5d: {  	[sflag:s24] =	ssyncset.done $0x0;
	(pc) =	sbr.rel @p0 .LBB2_4-.Ltmp1, $4  }
0x5e: {  	s0 =	sadd.s32 $0x15080, s30;
	[sflag:s24] =	ssyncadd.s32 $0xFFFFC000  }
0x5f: {  	[spmem:s3] =	stream.indirect.scatter.add.f32 [tilespmem:s22], [sflag:$0x4], $0x80, s0, s21, $0xb8;
	[tilespmem:$0x1E400] =	vst v63  }
0x60: {  	_ =	swait.ge [sflag:s23], $0x4000  }
0x61: {  	s31 =	smov.u32 s5;
	s30 =	sshra.s32 s2, $0x2;
	[sflag:s23] =	ssyncset.done $0x0  }
0x62: {  	s0 =	sadd.s32 $0x13C80, s30;
	[sflag:s23] =	ssyncadd.s32 $0xFFFFC000  }
0x63: {  	[tilespmem:s22], [sflag:$0x2] =	stream.indirect.gather [hbm4b:s1+s21], $0x80, s0, s21, $0xb8;
	[tilespmem:$0x1E400] =	vst v63  }
0x64: {  	_ =	swait.ge [sflag:s19], $0x4000  }
0x65: {  	[sflag:s19] =	ssyncset.done $0x0  }
0x66: {  	s2 =	sadd.s32 $0x15000, s30;
	[sflag:s19] =	ssyncadd.s32 $0xFFFFC000  }
0x67: {  	[spmem:s3] =	stream.indirect.scatter.add.f32 [tilespmem:s18], [sflag:$0x4], $0x80, s2, s21, $0xb8;
	[tilespmem:$0x1E400] =	vst v63  }
0x68: {  	_ =	swait.ge [sflag:s23], $0x4000  }
0x69: {  	[sflag:s23] =	ssyncset.done $0x0  }
0x6a: {  	s5 =	sadd.s32 $0x13D00, s30;
	[sflag:s23] =	ssyncadd.s32 $0xFFFFC000  }
0x6b: {  	[tilespmem:s18], [sflag:$0x1] =	stream.indirect.gather [hbm4b:s1+s21], $0x80, s5, s21, $0xb8;
	[tilespmem:$0x1E400] =	vst v63  }
0x6c: {  	_ =	swait.ge [sflag:s24], $0x4000  }
0x6d: {  	[sflag:s24] =	ssyncset.done $0x0  }
0x6e: {  	s2 =	sadd.s32 $0x15080, s30;
	[sflag:s24] =	ssyncadd.s32 $0xFFFFC000  }
0x6f: {  	[spmem:s3] =	stream.indirect.scatter.add.f32 [tilespmem:s22], [sflag:$0x4], $0x80, s2, s21, $0xb8;
	[tilespmem:$0x1E400] =	vst v63  }
0x70: {  	_ =	swait.ge [sflag:s23], $0x4000  }
0x71: {  	[sflag:s23] =	ssyncset.done $0x0  }
0x72: {  	[sflag:s23] =	ssyncadd.s32 $0xFFFFC000  }
0x73: {  	[tilespmem:s22], [sflag:$0x2] =	stream.indirect.gather [hbm4b:s1+s21], $0x80, s25, s21, $0xb8;
	[tilespmem:$0x1E400] =	vst v63  }
0x74: {  	_ =	swait.ge [sflag:s19], $0x4000  }
0x75: {  	[sflag:s19] =	ssyncset.done $0x0  }
0x76: {  	[sflag:s19] =	ssyncadd.s32 $0xFFFFC000  }
0x77: {  	[spmem:s3] =	stream.indirect.scatter.add.f32 [tilespmem:s18], [sflag:$0x4], $0x80, s26, s21, $0xb8;
	[tilespmem:$0x1E400] =	vst v63  }
0x78: {  	_ =	swait.ge [sflag:s23], $0x4000  }
0x79: {  	[sflag:s23] =	ssyncset.done $0x0  }
0x7a: {  	[sflag:s23] =	ssyncadd.s32 $0xFFFFC000  }
0x7b: {  	_ =	swait.ge [sflag:s24], $0x4000  }
0x7c: {  	[sflag:s24] =	ssyncset.done $0x0  }
0x7d: {  	[sflag:s24] =	ssyncadd.s32 $0xFFFFC000  }
0x7e: {  	[spmem:s3] =	stream.indirect.scatter.add.f32 [tilespmem:s22], [sflag:$0x4], $0x80, s28, s21, $0xb8;
	[tilespmem:$0x1E400] =	vst v63  }
0x7f: {  	_ =	swait.ge [sflag:s23], $0x4000  }
0x80: {  	[sflag:s23] =	ssyncset.done $0x0  }
0x81: {  	s5 =	simm.s32 $0x0;
	[sflag:s23] =	ssyncadd.s32 $0xFFFFC000  }
0x82: {  	[tilespmem:s16], [sflag:$0x4] =	stream.linear.gather [hbm4b:s12+s5], $0x1400, $0x38;
	[tilespmem:$0x1E400] =	vst v63  }
0x83: {  	_ =	swait.ge [sflag:s23], $0x1400  }
0x84: {  	[sflag:s23] =	ssyncset.done $0x0  }
0x85: {  	[sflag:s23] =	ssyncadd.s32 $0xFFFFEC00  }
0x86: {  	[tilespmem:s17], [sflag:$0x4] =	stream.linear.gather [hbm4b:s13+s5], $0x1400, $0x38;
	[tilespmem:$0x1E400] =	vst v63  }
0x87: {  	_ =	swait.ge [sflag:s23], $0x1400  }
0x88: {  	[sflag:s23] =	ssyncset.done $0x0  }
0x89: {  	[sflag:s23] =	ssyncadd.s32 $0xFFFFEC00  }
0x8a: {  	[tilespmem:s18], [sflag:$0x1] =	stream.indirect.gather [hbm4b:s1+s21], $0x80, s16, s21, $0xb8;
	[tilespmem:$0x1E400] =	vst v63  }
0x8b: {  	s2 =	simm.s32 $0x13C80  }
0x8c: {  	[tilespmem:s22], [sflag:$0x2] =	stream.indirect.gather [hbm4b:s1+s21], $0x80, s2, s21, $0xb8;
	[tilespmem:$0x1E400] =	vst v63  }
0x8d: {  	_ =	swait.ge [sflag:s19], $0x4000  }
0x8e: {  	[sflag:s19] =	ssyncset.done $0x0  }
0x8f: {  	s5 =	simm.s32 $0x15000;
	[sflag:s19] =	ssyncadd.s32 $0xFFFFC000  }
0x90: {  	[spmem:s3] =	stream.indirect.scatter.add.f32 [tilespmem:s18], [sflag:$0x4], $0x80, s5, s21, $0xb8;
	[tilespmem:$0x1E400] =	vst v63  }
0x91: {  	_ =	swait.ge [sflag:s23], $0x4000  }
0x92: {  	[sflag:s23] =	ssyncset.done $0x0  }
0x93: {  	s2 =	simm.s32 $0x13D00;
	[sflag:s23] =	ssyncadd.s32 $0xFFFFC000  }
0x94: {  	[tilespmem:s18], [sflag:$0x1] =	stream.indirect.gather [hbm4b:s1+s21], $0x80, s2, s21, $0xb8;
	[tilespmem:$0x1E400] =	vst v63  }
0x95: {  	_ =	swait.ge [sflag:s24], $0x4000  }
0x96: {  	[sflag:s24] =	ssyncset.done $0x0  }
0x97: {  	s5 =	simm.s32 $0x15080;
	[sflag:s24] =	ssyncadd.s32 $0xFFFFC000  }
0x98: {  	[spmem:s3] =	stream.indirect.scatter.add.f32 [tilespmem:s22], [sflag:$0x4], $0x80, s5, s21, $0xb8;
	[tilespmem:$0x1E400] =	vst v63  }
0x99: {  	_ =	swait.ge [sflag:s23], $0x4000  }
0x9a: {  	s31 =	simm.s32 $0x800;
	s30 =	simm.s32 $0x100;
	[sflag:s23] =	ssyncset.done $0x0  }
.LBB2_6:
0x9b: {  	s0 =	sadd.s32 $0x13C80, s30  }
0x9c: {  	[sflag:s23] =	ssyncadd.s32 $0xFFFFC000;
	s2 =	smov.u32 s31;
	s5 =	sadd.s32 $0x400, s31  }
0x9d: {  	[tilespmem:s22], [sflag:$0x2] =	stream.indirect.gather [hbm4b:s1+s21], $0x80, s0, s21, $0xb8;
	[tilespmem:$0x1E400] =	vst v63  }
0x9e: {  	p0 =	sne.s32 s31, $0x4800;
	_ =	swait.ge [sflag:s19], $0x4000  }
0x9f: {  	[sflag:s19] =	ssyncset.done $0x0  }
0xa0: {  	s0 =	sadd.s32 $0x15000, s30;
	[sflag:s19] =	ssyncadd.s32 $0xFFFFC000  }
0xa1: {  	[spmem:s3] =	stream.indirect.scatter.add.f32 [tilespmem:s18], [sflag:$0x4], $0x80, s0, s21, $0xb8;
	[tilespmem:$0x1E400] =	vst v63  }
0xa2: {  	_ =	swait.ge [sflag:s23], $0x4000  }
0xa3: {  	[sflag:s23] =	ssyncset.done $0x0  }
0xa4: {  	s0 =	sadd.s32 $0x13D00, s30;
	[sflag:s23] =	ssyncadd.s32 $0xFFFFC000  }
0xa5: {  	[tilespmem:s18], [sflag:$0x1] =	stream.indirect.gather [hbm4b:s1+s21], $0x80, s0, s21, $0xb8;
	[tilespmem:$0x1E400] =	vst v63  }
0xa6: {  	_ =	swait.ge [sflag:s24], $0x4000  }
.Ltmp2:
0xa7: {  	[sflag:s24] =	ssyncset.done $0x0;
	(pc) =	sbr.rel @p0 .LBB2_6-.Ltmp2, $4  }
0xa8: {  	s0 =	sadd.s32 $0x15080, s30;
	[sflag:s24] =	ssyncadd.s32 $0xFFFFC000  }
0xa9: {  	[spmem:s3] =	stream.indirect.scatter.add.f32 [tilespmem:s22], [sflag:$0x4], $0x80, s0, s21, $0xb8;
	[tilespmem:$0x1E400] =	vst v63  }
0xaa: {  	_ =	swait.ge [sflag:s23], $0x4000  }
0xab: {  	s31 =	smov.u32 s5;
	s30 =	sshra.s32 s2, $0x2;
	[sflag:s23] =	ssyncset.done $0x0  }
0xac: {  	s0 =	sadd.s32 $0x13C80, s30;
	[sflag:s23] =	ssyncadd.s32 $0xFFFFC000  }
0xad: {  	[tilespmem:s22], [sflag:$0x2] =	stream.indirect.gather [hbm4b:s1+s21], $0x80, s0, s21, $0xb8;
	[tilespmem:$0x1E400] =	vst v63  }
0xae: {  	_ =	swait.ge [sflag:s19], $0x4000  }
0xaf: {  	[sflag:s19] =	ssyncset.done $0x0  }
0xb0: {  	s2 =	sadd.s32 $0x15000, s30;
	[sflag:s19] =	ssyncadd.s32 $0xFFFFC000  }
0xb1: {  	[spmem:s3] =	stream.indirect.scatter.add.f32 [tilespmem:s18], [sflag:$0x4], $0x80, s2, s21, $0xb8;
	[tilespmem:$0x1E400] =	vst v63  }
0xb2: {  	_ =	swait.ge [sflag:s23], $0x4000  }
0xb3: {  	[sflag:s23] =	ssyncset.done $0x0  }
0xb4: {  	s5 =	sadd.s32 $0x13D00, s30;
	[sflag:s23] =	ssyncadd.s32 $0xFFFFC000  }
0xb5: {  	[tilespmem:s18], [sflag:$0x1] =	stream.indirect.gather [hbm4b:s1+s21], $0x80, s5, s21, $0xb8;
	[tilespmem:$0x1E400] =	vst v63  }
0xb6: {  	_ =	swait.ge [sflag:s24], $0x4000  }
0xb7: {  	[sflag:s24] =	ssyncset.done $0x0  }
0xb8: {  	s30 =	sadd.s32 $0x15080, s30;
	[sflag:s24] =	ssyncadd.s32 $0xFFFFC000  }
0xb9: {  	[spmem:s3] =	stream.indirect.scatter.add.f32 [tilespmem:s22], [sflag:$0x4], $0x80, s30, s21, $0xb8;
	[tilespmem:$0x1E400] =	vst v63  }
0xba: {  	_ =	swait.ge [sflag:s23], $0x4000  }
0xbb: {  	[sflag:s23] =	ssyncset.done $0x0  }
0xbc: {  	[sflag:s23] =	ssyncadd.s32 $0xFFFFC000  }
0xbd: {  	[tilespmem:s22], [sflag:$0x2] =	stream.indirect.gather [hbm4b:s1+s21], $0x80, s25, s21, $0xb8;
	[tilespmem:$0x1E400] =	vst v63  }
0xbe: {  	_ =	swait.ge [sflag:s19], $0x4000  }
0xbf: {  	[sflag:s19] =	ssyncset.done $0x0  }
0xc0: {  	[sflag:s19] =	ssyncadd.s32 $0xFFFFC000  }
0xc1: {  	[spmem:s3] =	stream.indirect.scatter.add.f32 [tilespmem:s18], [sflag:$0x4], $0x80, s26, s21, $0xb8;
	[tilespmem:$0x1E400] =	vst v63  }
0xc2: {  	_ =	swait.ge [sflag:s23], $0x4000  }
0xc3: {  	[sflag:s23] =	ssyncset.done $0x0  }
0xc4: {  	[sflag:s23] =	ssyncadd.s32 $0xFFFFC000  }
0xc5: {  	_ =	swait.ge [sflag:s24], $0x4000  }
0xc6: {  	[sflag:s24] =	ssyncset.done $0x0  }
0xc7: {  	[sflag:s24] =	ssyncadd.s32 $0xFFFFC000  }
0xc8: {  	[spmem:s3] =	stream.indirect.scatter.add.f32 [tilespmem:s22], [sflag:$0x4], $0x80, s28, s21, $0xb8;
	[tilespmem:$0x1E400] =	vst v63  }
0xc9: {  	s31 =	stileid.u32;
	_ =	swait.ge [sflag:s23], $0x4000  }
0xca: {  	s29 =	sadd.s32 $0x1, s29;
	s0 =	sshll.u32 s31, $0x6;
	[sflag:s23] =	ssyncset.done $0x0  }
0xcb: {  	p0 =	sne.s32 s29, s15;
	s0 =	sor.u32 $0x1C04, s0;
	[sflag:s23] =	ssyncadd.s32 $0xFFFFC000  }
.Ltmp3:
0xcc: {  	s2 =	sshrl.u32 s6, $0x3;
	[bflag:$0x0] =	sbarrier.arrive $0xFFFF;
	(pc) =	sbr.rel @p0 .LBB2_1-.Ltmp3, $4  }
0xcd: {  	[hbm:s14], [sflag:s0] =	dma.local [spmem:s2], $0x2780  }
0xce: {  	_ =	swait.ge [sflag:s23], $0x2780  }
0xcf: {  	[sflag:s23] =	ssyncset.done $0x0  }
0xd0: {  	[sflag:s23] =	ssyncadd.s32 $0xFFFFD880  }
0xd1: {  	_ =	sfence.sel $0x180000  }
0xd2: {  	[bflag:$0x0] =	sbarrier.arrive $0xFFFF  }
0xd3: {  	_ =	strace $0x9000004A  }
0xd4: {  	s0 =	stileid.u32;
	[bflag:$0x2] =	sbarrier.arrive $0xFFFF  }
0xd5: {  	p0 =	sne.s32 s0, $0x0;
	s0 =	rddreg [dreg:$0x3]  }
0xd6: {  	s0 =	sadd.s32 @!p0 $0x100000, s0  }
0xd7: {  	[sflag:s0] =	ssyncadd.tile.s32 @!p0 $0x1;
	_ =	shalt  }
.Lfunc_end2:
_tile_overlayer_lowered:
.L_overlay_start_2:
0xd8: {  	(tag) =	ssettag $0x2  }
0xd9: {  	s0 =	rddreg [dreg:$0x0];
	s2 =	stileid.u32  }
0xda: {  	s1 =	rddreg [dreg:$0x1];
	p0 =	sne.s32 s2, $0x0  }
0xdb: {  	s3 =	rddreg [dreg:$0x2];
	[bflag:$0x3] =	sbarrier.arrive $0xFFFF;
	s2 =	simm.s32 @!p0 $0x1C04  }
0xdc: {  	[timem:s3], [sflag:s2] =	dma.local @!p0 [hbm:s0], s1  }
0xdd: {  	s0 =	simm.s32 @!p0 $0x4  }
0xde: {  	_ =	swait.ge @!p0 [sflag:s0], s1  }
0xdf: {  	s1 =	ssub.s32 @!p0 $0x0, s1;
	[sflag:s0] =	ssyncset.done @!p0 $0x0  }
0xe0: {  	[sflag:s0] =	ssyncadd.s32 @!p0 s1  }
0xe1: {  	[bflag:$0x3] =	sbarrier.arrive $0xFFFF  }
0xe2: {  	_ =	shalt  }

// kernel: kernel.7.cloned.1.call-start
scs
__scs_entry_jumppad:
0x0: {  	(pc) =	sbr.rel $0x88, $3  }
0x1: {  	(tag) =	ssettag $0x0;
	lr =	simm.s32 $0x1  }
0x2: {  	[smem:$0x3F8B] =	sst lr;
	_ =	strace $0xD0000000  }
0x3: {  	_ = 	snop  }
0x4: {  	_ = 	snop  }
0x5: {  	_ = 	snop  }
0x6: {  	_ = 	snop  }
0x7: {  	_ = 	snop  }
__scs_overlays_trampoline_lowered:
0x8: {  	[smem:$0x3F9A] =	sst s0  }
0x9: {  	[smem:$0x3F9B] =	sst s1  }
0xa: {  	[smem:$0x3F9C] =	sst s2  }
0xb: {  	[smem:$0x3F9D] =	sst s3  }
0xc: {  	[smem:$0x3F9E] =	sst s4  }
0xd: {  	[smem:$0x3F9F] =	sst s5  }
0xe: {  	[smem:$0x3FA0] =	sst s6  }
0xf: {  	[smem:$0x3FA1] =	sst s7  }
0x10: {  	[smem:$0x3FA2] =	sst s8  }
0x11: {  	[smem:$0x3FA3] =	sst s9;
	s0 =	simm.s32 @!p0 $0x0  }
0x12: {  	s1 =	sld [smem:$0x3F89];
	s0 =	simm.s32 @p0 $0x1  }
0x13: {  	[smem:$0x3FA4] =	sst s0;
	s0 =	simm.s32 @!p1 $0x0  }
0x14: {  	s2 =	sld [smem:$0x3F88];
	s0 =	simm.s32 @p1 $0x1  }
0x15: {  	[smem:$0x3FA5] =	sst s0;
	s0 =	simm.s32 @!p2 $0x0  }
0x16: {  	s3 =	sld [smem:$0x3FDB];
	s0 =	simm.s32 @p2 $0x1  }
0x17: {  	s4 =	simm.s32 $0x1BF5;
	[smem:$0x3FA7] =	sst s0  }
0x18: {  	s0 =	sld [smem:$0x3F8A];
	_ =	swait.ge [sflag:s4], $0x0  }
0x19: {  	s7 =	sld [smem:$0x3F8B]  }
0x1a: {  	s8 =	sadd.s32 $0xFFFFE003, lr  }
0x1b: {  	s9 =	sadd.s32 $0xFFFFFEF7, lr;
	s5 =	simm.s32 $0xFFFFFFFF;
	p2 =	slt.u32 s8, $0xFFFFF086  }
0x1c: {  	p1 =	slt.u32 s9, $0xF7A;
	s5 =	simm.s32 @!p2 $0x0  }
0x1d: {  	s5 =	simm.s32 @p1 $0x1;
	p0 =	seq.s32 s7, s2  }
0x1e: {  	s7 =	smul.u32 @!p0 $0xF7A, s2;
	p2 =	seq.s32 @!p0 s5, $0x0  }
0x1f: {  	s9 =	smul.u32 $0xF7A, s1;
	s8 =	simm.s32 @!p0 $0x1BF5;
	p2 =	por !p2, p0  }
0x20: {  	[sflag:s8] =	ssyncset.s32 @!p0 $0xFFFFF086;
	s6 =	sadd.s32 @!p0 s3, s7;
	s7 =	simm.s32 @!p0 $0x108  }
0x21: {  	s3 =	sadd.s32 s3, s9;
	s6 =	sadd.s32 @!p0 $0x88, s6;
	s7 =	simm.s32 @p2 $0x1082  }
0x22: {  	[simem:s7], [sflag:s8] =	dma.local @!p0 [hbm:s6], $0xF7A  }
0x23: {  	s9 =	sor.u32 $0xD0000000, s2;
	s6 =	simm.s32 $0x108;
	_ =	swait.ge @!p0 [sflag:s8], $0x0  }
0x24: {  	s3 =	sadd.s32 $0x88, s3;
	s6 =	simm.s32 @!p1 $0x1082;
	[sflag:s4] =	ssyncset.s32 $0xFFFFF086  }
0x25: {  	[simem:s6], [sflag:s4] =	dma.local [hbm:s3], $0xF7A  }
0x26: {  	[smem:$0x3F8B] =	sst s1;
	(tag) =	ssettag s2;
	_ =	strace s9  }
0x27: {  	s1 =	sld [smem:$0x3F9B]  }
0x28: {  	s2 =	sld [smem:$0x3F9C]  }
0x29: {  	s4 =	sld [smem:$0x3F9E]  }
0x2a: {  	p0 =	seq.s32 s5, $0x0;
	s5 =	sld [smem:$0x3F9F]  }
0x2b: {  	s6 =	sld [smem:$0x3FA0]  }
0x2c: {  	s7 =	sld [smem:$0x3FA1]  }
0x2d: {  	s3 =	simm.s32 $0x108;
	s8 =	sld [smem:$0x3FA2]  }
0x2e: {  	s3 =	simm.s32 @!p0 $0x1082;
	s9 =	sld [smem:$0x3FA3]  }
0x2f: {  	lr =	sadd.s32 s0, s3;
	s0 =	sld [smem:$0x3F9A]  }
0x30: {  	s3 =	sld [smem:$0x3F9D]  }
0x31: {  	[smem:$0x3FA6] =	sst s10  }
0x32: {  	s10 =	sld [smem:$0x3FA4];
	_ =	sdelay $0x3  }
0x33: {  	p0 =	seq.s32 s10, $0x1;
	s10 =	sld [smem:$0x3FA6];
	_ =	sdelay $0x3  }
0x34: {  	[smem:$0x3FA6] =	sst s10  }
0x35: {  	s10 =	sld [smem:$0x3FA5];
	_ =	sdelay $0x3  }
0x36: {  	p1 =	seq.s32 s10, $0x1;
	s10 =	sld [smem:$0x3FA6];
	_ =	sdelay $0x3  }
0x37: {  	[smem:$0x3FA6] =	sst s10  }
0x38: {  	s10 =	sld [smem:$0x3FA7]  }
0x39: {  	_ = 	snop;
	(pc) =	sbr.ind lr, $3  }
0x3a: {  	_ = 	snop  }
0x3b: {  	_ = 	snop  }
0x3c: {  	p2 =	seq.s32 s10, $0x1;
	s10 =	sld [smem:$0x3FA6]  }
0x3d: {  	_ =	shalt  }
0x3e: {  	_ =	shalt  }
0x3f: {  	_ =	shalt  }
0x40: {  	_ =	shalt  }
0x41: {  	_ =	shalt  }
0x42: {  	_ =	shalt  }
0x43: {  	_ =	shalt  }
0x44: {  	_ =	shalt  }
0x45: {  	_ =	shalt  }
0x46: {  	_ =	shalt  }
0x47: {  	_ =	shalt  }
0x48: {  	_ =	shalt  }
0x49: {  	_ =	shalt  }
0x4a: {  	_ =	shalt  }
0x4b: {  	_ =	shalt  }
0x4c: {  	_ =	shalt  }
0x4d: {  	_ =	shalt  }
0x4e: {  	_ =	shalt  }
0x4f: {  	_ =	shalt  }
0x50: {  	_ =	shalt  }
0x51: {  	_ =	shalt  }
0x52: {  	_ =	shalt  }
0x53: {  	_ =	shalt  }
0x54: {  	_ =	shalt  }
0x55: {  	_ =	shalt  }
0x56: {  	_ =	shalt  }
0x57: {  	_ =	shalt  }
0x58: {  	_ =	shalt  }
0x59: {  	_ =	shalt  }
0x5a: {  	_ =	shalt  }
0x5b: {  	_ =	shalt  }
0x5c: {  	_ =	shalt  }
0x5d: {  	_ =	shalt  }
0x5e: {  	_ =	shalt  }
0x5f: {  	_ =	shalt  }
0x60: {  	_ =	shalt  }
0x61: {  	_ =	shalt  }
0x62: {  	_ =	shalt  }
0x63: {  	_ =	shalt  }
0x64: {  	_ =	shalt  }
0x65: {  	_ =	shalt  }
0x66: {  	_ =	shalt  }
0x67: {  	_ =	shalt  }
0x68: {  	_ =	shalt  }
0x69: {  	_ =	shalt  }
0x6a: {  	_ =	shalt  }
0x6b: {  	_ =	shalt  }
0x6c: {  	_ =	shalt  }
0x6d: {  	_ =	shalt  }
0x6e: {  	_ =	shalt  }
0x6f: {  	_ =	shalt  }
0x70: {  	_ =	shalt  }
0x71: {  	_ =	shalt  }
0x72: {  	_ =	shalt  }
0x73: {  	_ =	shalt  }
0x74: {  	_ =	shalt  }
0x75: {  	_ =	shalt  }
0x76: {  	_ =	shalt  }
0x77: {  	_ =	shalt  }
0x78: {  	_ =	shalt  }
0x79: {  	_ =	shalt  }
0x7a: {  	_ =	shalt  }
0x7b: {  	_ =	shalt  }
0x7c: {  	_ =	shalt  }
0x7d: {  	_ =	shalt  }
0x7e: {  	_ =	shalt  }
0x7f: {  	_ =	shalt  }
0x80: {  	_ =	shalt  }
0x81: {  	_ =	shalt  }
0x82: {  	_ =	shalt  }
0x83: {  	_ =	shalt  }
0x84: {  	_ =	shalt  }
0x85: {  	_ =	shalt  }
0x86: {  	_ =	shalt  }
0x87: {  	_ =	shalt  }
.Lfunc_end0:
.L_simem_size_0:
called_computation_lowered:
.L_overlay_start_0:
0x88: {  	s2 =	sld [smem:$0x3FD9]  }
0x89: {  	s3 =	sld [smem:$0x3FFE];
	_ =	sdelay $0x1  }
0x8a: {  	s1 =	srdreg.scid  }
0x8b: {  	s0 =	sand.u32 $0x1, s1  }
0x8c: {  	s17 =	sshll.u32 s0, $0xA;
	s2 =	sadd.s32 s3, s2  }
0x8d: {  	s2 =	sadd.s32 s2, s17  }
0x8e: {  	[smem:$0x3FB2] =	sst s2  }
0x8f: {  	_ = 	snop  }
0x90: {  	s2 =	sld [smem:$0x3FC9];
	(tm) =	ssettm $0x1  }
0x91: {  	s18 =	sld [smem:$0x3FFB];
	_ =	sdelay $0x3  }
0x92: {  	_ =	strace s18  }
0x93: {  	s3 =	sld [smem:$0x3FFC];
	_ =	sdelay $0x3  }
0x94: {  	_ =	strace s3  }
0x95: {  	s3 =	sld [smem:$0x3FFD];
	_ =	sdelay $0x3  }
0x96: {  	_ =	strace s3  }
0x97: {  	_ =	strace $0x8FFFFFFF  }
0x98: {  	s19 =	sld [smem:$0x3FDB];
	_ =	sdelay $0x1  }
0x99: {  	s4 =	simm.s32 $_scs_section_size  }
0x9a: {  	s5 =	simm.s32 $_size__tile_overlayer_lowered;
	s6 =	simm.s32 $_tile_overlayer_lowered  }
0x9b: {  	s22 =	simm.s32 $0x1BFF;
	s21 =	sshll.u32 s6, $0x1;
	s3 =	sadd.s32 s4, s19  }
0x9c: {  	s7 =	simm.s32 $0x0;
	s20 =	sshll.u32 s5, $0x1;
	s5 =	sadd.s32 s21, s3  }
0x9d: {  	[timem:s7], [sflag:s22] =	dma.local [hbm:s5], s20  }
0x9e: {  	_ =	swait.ge [sflag:s22], s20  }
0x9f: {  	s4 =	ssub.s32 $0x0, s20;
	[sflag:s22] =	ssyncset.done $0x0  }
0xa0: {  	[sflag:s22] =	ssyncadd.s32 s4;
	_ =	sdelay $0x1  }
0xa1: {  	s23 =	simm.s32 $0x1B8B  }
0xa2: {  	_ =	swait.ge [sflag:s23], $0x1  }
0xa3: {  	[sflag:s23] =	ssyncset.done $0x0  }
0xa4: {  	s25 =	simm.s32 $0x1B8E;
	s24 =	sld [smem:$0x3FFE];
	[sflag:s23] =	ssyncadd.s32 $0xFFFFFFFF  }
0xa5: {  	s26 =	simm.s32 $execute0_lowered;
	[smem:$0x3FD2] =	sst s25  }
0xa6: {  	s5 =	sshll.u32 s26, $0x1;
	_ =	strace $0x80000046;
	[dreg:$0x1] =	wrdreg $0xFFFFFFFF  }
0xa7: {  	s28 =	simm.s32 $_size_execute0_lowered;
	s3 =	sadd.s32 s3, s5;
	[dreg:$0x0] =	wrdreg $0x0  }
0xa8: {  	s5 =	sshll.u32 s28, $0x1;
	[dreg:$0x2] =	wrdreg s3  }
0xa9: {  	[dreg:$0x3] =	wrdreg s5  }
0xaa: {  	[dreg:$0x4] =	wrdreg $0xC0  }
0xab: {  	_ =	task [dreg:s7], $0x5FFFF  }
0xac: {  	[dreg:$0x1] =	wrdreg $0xFFFFFFFF  }
0xad: {  	[dreg:$0x0] =	wrdreg $0x60  }
0xae: {  	[dreg:$0x2] =	wrdreg s2  }
0xaf: {  	[dreg:$0x3] =	wrdreg s24  }
0xb0: {  	[dreg:$0x4] =	wrdreg $0x0  }
0xb1: {  	[dreg:$0x5] =	wrdreg $0x9  }
0xb2: {  	_ =	task.clear_ibuf [dreg:s7], $0x6FFFF;
	_ =	strace $0x90000046  }
0xb3: {  	s29 =	simm.s32 $0x9;
	_ =	strace $0x80000048  }
0xb4: {  	_ =	swait.ge [sflag:s29], $0x1  }
0xb5: {  	[sflag:s29] =	ssyncadd.s32 $0xFFFFFFFF  }
0xb6: {  	_ =	strace $0x90000048  }
0xb7: {  	_ =	sfence  }
0xb8: {  	s30 =	sld [smem:$0x0];
	_ =	sdelay $0x2  }
0xb9: {  	s31 =	sshll.u32 s1, $0xD;
	s1 =	sshrl.u32 s1, $0x2  }
0xba: {  	s3 =	sand.u32 $0x4000, s31;
	s1 =	sadd.s32 s1, s30  }
0xbb: {  	s0 =	sor.u32 s3, s0;
	s1 =	sshll.u32 s1, $0x11  }
0xbc: {  	s0 =	sor.u32 s1, s0  }
0xbd: {  	s0 =	sadd.s32 $0x8F2B, s0  }
0xbe: {  	[sflag:s0] =	ssyncadd.remote.s32 $0x1  }
0xbf: {  	_ =	sfence.sel $0xFFFF  }
0xc0: {  	[dreg:$0x0] =	wrdreg $0xFFFFFFFF;
	(pc) =	sbr.abs _section_cstart, $3  }
0xc1: {  	[dreg:$0x1] =	wrdreg $0xFFFFFFFF  }
0xc2: {  	_ =	task.clear_ibuf [dreg:s7], $0x2FFFF;
	_ =	strace $0x9FFFFFFF  }
0xc3: {  	(tm) =	ssettm $0x7FFFFFFF  }
tec
execute0_lowered:
.L_overlay_start_1:
0x0: {  	(tag) =	ssettag $0x1  }
0x1: {  	s1 =	rddreg [dreg:$0x0]  }
0x2: {  	s0 =	rddreg [dreg:$0x1]  }
0x3: {  	s3 =	rddreg [dreg:$0x2];
	s2 =	srdreg.scid  }
0x4: {  	s8 =	stileid.u32;
	s4 =	simm.s32 $0x0;
	s18 =	simm.s32 $0x13C00  }
0x5: {  	s19 =	simm.s32 $0x15000;
	s20 =	simm.s32 $0x16400;
	s21 =	simm.s32 $0x1  }
0x6: {  	s28 =	simm.s32 $0x14F80;
	s29 =	simm.s32 $0x16300;
	s30 =	simm.s32 $0x16380  }
0x7: {  	s31 =	simm.s32 $0x0;
	s2 =	sand.u32 $0x1, s2;
	s6 =	smul.u32 $0x278, s8  }
0x8: {  	[smem:$0x7FF] =	sst s4;
	s5 =	sadd.s32 $0x4A00, s0;
	s13 =	sadd.s32 $0x2BC00, s0  }
0x9: {  	s7 =	smul.u32 $0x2780, s2;
	s22 =	sshll.u32 s2, $0x4;
	s2 =	ssub.s32 $0x2, s2  }
0xa: {  	s14 =	sadd.s32 $0x35C00, s0;
	_ =	strace $0x80000047;
	s23 =	sshrl.u32 s2, $0x1  }
0xb: {  	s6 =	sadd.s32 s6, s7;
	s7 =	sor.u32 s8, s22;
	s8 =	smul.u32 $0x4F000, s8  }
0xc: {  	s2 =	ssub.s32 s2, s23;
	s22 =	simm.s32 $0x3;
	s9 =	smul.u32 $0x500, s7  }
0xd: {  	s23 =	simm.s32 $0x80;
	s6 =	sshll.u32 s6, $0x4;
	s11 =	smul.u32 $0x2800, s7  }
0xe: {  	s26 =	smax.u32 s2, $0x1;
	s0 =	sadd.s32 s6, s0;
	s8 =	sshrl.u32 s8, $0x2  }
0xf: {  	[dreg:$0x8] =	wrdreg s26;
	s26 =	simm.s32 $0x2;
	s6 =	sadd.s32 s13, s9  }
0x10: {  	s7 =	sadd.s32 s14, s9;
	s8 =	sadd.s32 s8, s3;
	s15 =	sshrl.u32 s11, $0x3  }
0x11: {  	s25 =	sadd.s32 $0x3FC00, s0;
	s0 =	sadd.s32 $0x8EC00, s0;
	s9 =	sadd.s32 $0x4000, s8  }
0x12: {  	s10 =	sadd.s32 $0x8000, s8;
	s15 =	sadd.s32 $0x280, s15;
	[dreg:$0x6] =	wrdreg s25  }
0x13: {  	s11 =	sadd.s32 $0xC000, s8;
	[dreg:$0x7] =	wrdreg s0;
	s13 =	sadd.s32 s13, s15  }
0x14: {  	s12 =	sadd.s32 $0x10000, s8;
	s24 =	sadd.s32 s14, s15;
	[dreg:$0x4] =	wrdreg s13  }
0x15: {  	v0 =	vimm.f32 $0.0e+00;
	s25 =	simm.s32 $0x4;
	[dreg:$0x5] =	wrdreg s24;
	s24 =	simm.s32 $0x1A400  }
.LBB2_1:
0x16: {  	[tilespmem:s18], [sflag:$0x3] =	stream.linear.gather [hbm4b:s6+s4], $0x1400, $0x38;
	[tilespmem:$0x1E400] =	vst v63  }
0x17: {  	s0 =	sand.u32 $0xFE00, s4  }
0x18: {  	s2 =	sand.u32 $0x70, s4;
	s13 =	sshrl.u32 s0, $0x2  }
0x19: {  	[tilespmem:s19], [sflag:$0x3] =	stream.linear.gather [hbm4b:s7+s4], $0x1400, $0x38;
	[tilespmem:$0x1E400] =	vst v63  }
0x1a: {  	s0 =	simm.s32 $0x40;
	s13 =	sor.u32 s2, s13;
	s2 =	simm.s32 $0x0  }
.LBB2_2:
0x1b: {  	p0 =	sne.s32 s0, $0xFFC0  }
0x1c: {  	[tilespmem:s13+$0x16400] =	vst v0;
	s2 =	sadd.s32 $0x10, s2;
	s13 =	smov.u32 s0;
	s0 =	sadd.s32 $0x40, s0  }
.Ltmp0:
0x1d: {  	(pc) =	sbr.rel @p0 .LBB2_2-.Ltmp0, $4  }
0x1e: {  	_ = 	snop  }
0x1f: {  	s13 =	sand.u32 $0xFE00, s13  }
0x20: {  	s14 =	sand.u32 $0x70, s2;
	s13 =	sshrl.u32 s13, $0x2  }
0x21: {  	s13 =	sor.u32 s14, s13  }
0x22: {  	[tilespmem:s13+$0x16400] =	vst v0  }
0x23: {  	[spmem:s8] =	stream.linear.scatter [tilespmem:s20], [sflag:$0x1], $0x4000, $0x38;
	[tilespmem:$0x1E400] =	vst v63  }
0x24: {  	_ = 	snop  }
0x25: {  	[spmem:s9] =	stream.linear.scatter [tilespmem:s20], [sflag:$0x1], $0x4000, $0x38;
	[tilespmem:$0x1E400] =	vst v63  }
0x26: {  	_ = 	snop  }
0x27: {  	[spmem:s10] =	stream.linear.scatter [tilespmem:s20], [sflag:$0x1], $0x4000, $0x38;
	[tilespmem:$0x1E400] =	vst v63  }
0x28: {  	_ = 	snop  }
0x29: {  	[spmem:s11] =	stream.linear.scatter [tilespmem:s20], [sflag:$0x1], $0x4000, $0x38;
	[tilespmem:$0x1E400] =	vst v63  }
0x2a: {  	_ = 	snop  }
0x2b: {  	[spmem:s12] =	stream.linear.scatter [tilespmem:s20], [sflag:$0x1], $0x3C00, $0x38;
	[tilespmem:$0x1E400] =	vst v63  }
0x2c: {  	_ =	swait.ge [sflag:s21], $0x4000  }
0x2d: {  	[sflag:s21] =	ssyncset.done $0x0  }
0x2e: {  	[sflag:s21] =	ssyncadd.s32 $0xFFFFC000  }
0x2f: {  	_ =	swait.ge [sflag:s21], $0x4000  }
0x30: {  	[sflag:s21] =	ssyncset.done $0x0  }
0x31: {  	[sflag:s21] =	ssyncadd.s32 $0xFFFFC000  }
0x32: {  	_ =	swait.ge [sflag:s21], $0x4000  }
0x33: {  	[sflag:s21] =	ssyncset.done $0x0  }
0x34: {  	[sflag:s21] =	ssyncadd.s32 $0xFFFFC000  }
0x35: {  	_ =	swait.ge [sflag:s21], $0x4000  }
0x36: {  	[sflag:s21] =	ssyncset.done $0x0  }
0x37: {  	[sflag:s21] =	ssyncadd.s32 $0xFFFFC000  }
0x38: {  	_ =	swait.ge [sflag:s21], $0x3C00  }
0x39: {  	[sflag:s21] =	ssyncset.done $0x0  }
0x3a: {  	[sflag:s21] =	ssyncadd.s32 $0xFFFFC400  }
0x3b: {  	_ =	swait.ge [sflag:s22], $0x1400  }
0x3c: {  	[sflag:s22] =	ssyncset.done $0x0  }
0x3d: {  	[sflag:s22] =	ssyncadd.s32 $0xFFFFEC00  }
0x3e: {  	_ =	swait.ge [sflag:s22], $0x1400  }
0x3f: {  	[sflag:s22] =	ssyncset.done $0x0  }
0x40: {  	[sflag:s22] =	ssyncadd.s32 $0xFFFFEC00  }
0x41: {  	[bflag:$0x0] =	sbarrier.arrive $0xFFFF  }
0x42: {  	[tilespmem:s20], [sflag:$0x1] =	stream.indirect.gather [hbm4b:s1+s23], $0x80, s18, s23, $0xb8;
	[tilespmem:$0x1E400] =	vst v63  }
0x43: {  	s0 =	simm.s32 $0x13C80  }
0x44: {  	[tilespmem:s24], [sflag:$0x2] =	stream.indirect.gather [hbm4b:s1+s23], $0x80, s0, s23, $0xb8;
	[tilespmem:$0x1E400] =	vst v63  }
0x45: {  	_ =	swait.ge [sflag:s21], $0x4000  }
0x46: {  	[sflag:s21] =	ssyncset.done $0x0  }
0x47: {  	s15 =	simm.s32 $0x15000;
	[sflag:s21] =	ssyncadd.s32 $0xFFFFC000  }
0x48: {  	[spmem:s3] =	stream.indirect.scatter.add.f32 [tilespmem:s20], [sflag:$0x4], $0x80, s15, s23, $0xb8;
	[tilespmem:$0x1E400] =	vst v63  }
0x49: {  	_ =	swait.ge [sflag:s25], $0x4000  }
0x4a: {  	[sflag:s25] =	ssyncset.done $0x0  }
0x4b: {  	s16 =	simm.s32 $0x13D00;
	[sflag:s25] =	ssyncadd.s32 $0xFFFFC000  }
0x4c: {  	[tilespmem:s20], [sflag:$0x1] =	stream.indirect.gather [hbm4b:s1+s23], $0x80, s16, s23, $0xb8;
	[tilespmem:$0x1E400] =	vst v63  }
0x4d: {  	_ =	swait.ge [sflag:s26], $0x4000  }
0x4e: {  	[sflag:s26] =	ssyncset.done $0x0  }
0x4f: {  	s17 =	simm.s32 $0x15080;
	[sflag:s26] =	ssyncadd.s32 $0xFFFFC000  }
0x50: {  	[spmem:s3] =	stream.indirect.scatter.add.f32 [tilespmem:s24], [sflag:$0x4], $0x80, s17, s23, $0xb8;
	[tilespmem:$0x1E400] =	vst v63  }
0x51: {  	_ =	swait.ge [sflag:s25], $0x4000  }
0x52: {  	s2 =	simm.s32 $0x800;
	s0 =	simm.s32 $0x100;
	[sflag:s25] =	ssyncset.done $0x0  }
.LBB2_4:
0x53: {  	s13 =	sadd.s32 $0x13C80, s0  }
0x54: {  	[sflag:s25] =	ssyncadd.s32 $0xFFFFC000;
	s14 =	smov.u32 s2;
	s15 =	sadd.s32 $0x400, s2  }
0x55: {  	[tilespmem:s24], [sflag:$0x2] =	stream.indirect.gather [hbm4b:s1+s23], $0x80, s13, s23, $0xb8;
	[tilespmem:$0x1E400] =	vst v63  }
0x56: {  	p0 =	sne.s32 s2, $0x4800;
	_ =	swait.ge [sflag:s21], $0x4000  }
0x57: {  	[sflag:s21] =	ssyncset.done $0x0  }
0x58: {  	s2 =	sadd.s32 $0x15000, s0;
	[sflag:s21] =	ssyncadd.s32 $0xFFFFC000  }
0x59: {  	[spmem:s3] =	stream.indirect.scatter.add.f32 [tilespmem:s20], [sflag:$0x4], $0x80, s2, s23, $0xb8;
	[tilespmem:$0x1E400] =	vst v63  }
0x5a: {  	_ =	swait.ge [sflag:s25], $0x4000  }
0x5b: {  	[sflag:s25] =	ssyncset.done $0x0  }
0x5c: {  	s2 =	sadd.s32 $0x13D00, s0;
	[sflag:s25] =	ssyncadd.s32 $0xFFFFC000  }
0x5d: {  	[tilespmem:s20], [sflag:$0x1] =	stream.indirect.gather [hbm4b:s1+s23], $0x80, s2, s23, $0xb8;
	[tilespmem:$0x1E400] =	vst v63  }
0x5e: {  	_ =	swait.ge [sflag:s26], $0x4000  }
.Ltmp1:
0x5f: {  	[sflag:s26] =	ssyncset.done $0x0;
	(pc) =	sbr.rel @p0 .LBB2_4-.Ltmp1, $4  }
0x60: {  	s0 =	sadd.s32 $0x15080, s0;
	[sflag:s26] =	ssyncadd.s32 $0xFFFFC000  }
0x61: {  	[spmem:s3] =	stream.indirect.scatter.add.f32 [tilespmem:s24], [sflag:$0x4], $0x80, s0, s23, $0xb8;
	[tilespmem:$0x1E400] =	vst v63  }
0x62: {  	_ =	swait.ge [sflag:s25], $0x4000  }
0x63: {  	s2 =	smov.u32 s15;
	s0 =	sshra.s32 s14, $0x2;
	[sflag:s25] =	ssyncset.done $0x0  }
0x64: {  	s2 =	sadd.s32 $0x13C80, s0;
	[sflag:s25] =	ssyncadd.s32 $0xFFFFC000  }
0x65: {  	[tilespmem:s24], [sflag:$0x2] =	stream.indirect.gather [hbm4b:s1+s23], $0x80, s2, s23, $0xb8;
	[tilespmem:$0x1E400] =	vst v63  }
0x66: {  	_ =	swait.ge [sflag:s21], $0x4000  }
0x67: {  	[sflag:s21] =	ssyncset.done $0x0  }
0x68: {  	s13 =	sadd.s32 $0x15000, s0;
	[sflag:s21] =	ssyncadd.s32 $0xFFFFC000  }
0x69: {  	[spmem:s3] =	stream.indirect.scatter.add.f32 [tilespmem:s20], [sflag:$0x4], $0x80, s13, s23, $0xb8;
	[tilespmem:$0x1E400] =	vst v63  }
0x6a: {  	_ =	swait.ge [sflag:s25], $0x4000  }
0x6b: {  	[sflag:s25] =	ssyncset.done $0x0  }
0x6c: {  	s14 =	sadd.s32 $0x13D00, s0;
	[sflag:s25] =	ssyncadd.s32 $0xFFFFC000  }
0x6d: {  	[tilespmem:s20], [sflag:$0x1] =	stream.indirect.gather [hbm4b:s1+s23], $0x80, s14, s23, $0xb8;
	[tilespmem:$0x1E400] =	vst v63  }
0x6e: {  	_ =	swait.ge [sflag:s26], $0x4000  }
0x6f: {  	[sflag:s26] =	ssyncset.done $0x0  }
0x70: {  	s15 =	sadd.s32 $0x15080, s0;
	[sflag:s26] =	ssyncadd.s32 $0xFFFFC000  }
0x71: {  	[spmem:s3] =	stream.indirect.scatter.add.f32 [tilespmem:s24], [sflag:$0x4], $0x80, s15, s23, $0xb8;
	[tilespmem:$0x1E400] =	vst v63  }
0x72: {  	_ =	swait.ge [sflag:s25], $0x4000  }
0x73: {  	[sflag:s25] =	ssyncset.done $0x0  }
0x74: {  	[sflag:s25] =	ssyncadd.s32 $0xFFFFC000  }
0x75: {  	[tilespmem:s24], [sflag:$0x2] =	stream.indirect.gather [hbm4b:s1+s23], $0x80, s28, s23, $0xb8;
	[tilespmem:$0x1E400] =	vst v63  }
0x76: {  	_ =	swait.ge [sflag:s21], $0x4000  }
0x77: {  	[sflag:s21] =	ssyncset.done $0x0  }
0x78: {  	[sflag:s21] =	ssyncadd.s32 $0xFFFFC000  }
0x79: {  	[spmem:s3] =	stream.indirect.scatter.add.f32 [tilespmem:s20], [sflag:$0x4], $0x80, s29, s23, $0xb8;
	[tilespmem:$0x1E400] =	vst v63  }
0x7a: {  	_ =	swait.ge [sflag:s25], $0x4000  }
0x7b: {  	[sflag:s25] =	ssyncset.done $0x0  }
0x7c: {  	[sflag:s25] =	ssyncadd.s32 $0xFFFFC000  }
0x7d: {  	_ =	swait.ge [sflag:s26], $0x4000  }
0x7e: {  	[sflag:s26] =	ssyncset.done $0x0  }
0x7f: {  	[sflag:s26] =	ssyncadd.s32 $0xFFFFC000  }
0x80: {  	[spmem:s3] =	stream.indirect.scatter.add.f32 [tilespmem:s24], [sflag:$0x4], $0x80, s30, s23, $0xb8;
	[tilespmem:$0x1E400] =	vst v63  }
0x81: {  	_ =	swait.ge [sflag:s25], $0x4000  }
0x82: {  	[sflag:s25] =	ssyncset.done $0x0  }
0x83: {  	s16 =	simm.s32 $0x0;
	s17 =	rddreg [dreg:$0x4];
	[sflag:s25] =	ssyncadd.s32 $0xFFFFC000  }
0x84: {  	[tilespmem:s18], [sflag:$0x4] =	stream.linear.gather [hbm4b:s17+s16], $0x1400, $0x38;
	[tilespmem:$0x1E400] =	vst v63  }
0x85: {  	_ =	swait.ge [sflag:s25], $0x1400  }
0x86: {  	[sflag:s25] =	ssyncset.done $0x0  }
0x87: {  	s13 =	rddreg [dreg:$0x5];
	[sflag:s25] =	ssyncadd.s32 $0xFFFFEC00  }
0x88: {  	[tilespmem:s19], [sflag:$0x4] =	stream.linear.gather [hbm4b:s13+s16], $0x1400, $0x38;
	[tilespmem:$0x1E400] =	vst v63  }
0x89: {  	_ =	swait.ge [sflag:s25], $0x1400  }
0x8a: {  	[sflag:s25] =	ssyncset.done $0x0  }
0x8b: {  	[sflag:s25] =	ssyncadd.s32 $0xFFFFEC00  }
0x8c: {  	[tilespmem:s20], [sflag:$0x1] =	stream.indirect.gather [hbm4b:s1+s23], $0x80, s18, s23, $0xb8;
	[tilespmem:$0x1E400] =	vst v63  }
0x8d: {  	s14 =	simm.s32 $0x13C80  }
0x8e: {  	[tilespmem:s24], [sflag:$0x2] =	stream.indirect.gather [hbm4b:s1+s23], $0x80, s14, s23, $0xb8;
	[tilespmem:$0x1E400] =	vst v63  }
0x8f: {  	_ =	swait.ge [sflag:s21], $0x4000  }
0x90: {  	[sflag:s21] =	ssyncset.done $0x0  }
0x91: {  	s15 =	simm.s32 $0x15000;
	[sflag:s21] =	ssyncadd.s32 $0xFFFFC000  }
0x92: {  	[spmem:s3] =	stream.indirect.scatter.add.f32 [tilespmem:s20], [sflag:$0x4], $0x80, s15, s23, $0xb8;
	[tilespmem:$0x1E400] =	vst v63  }
0x93: {  	_ =	swait.ge [sflag:s25], $0x4000  }
0x94: {  	[sflag:s25] =	ssyncset.done $0x0  }
0x95: {  	s16 =	simm.s32 $0x13D00;
	[sflag:s25] =	ssyncadd.s32 $0xFFFFC000  }
0x96: {  	[tilespmem:s20], [sflag:$0x1] =	stream.indirect.gather [hbm4b:s1+s23], $0x80, s16, s23, $0xb8;
	[tilespmem:$0x1E400] =	vst v63  }
0x97: {  	_ =	swait.ge [sflag:s26], $0x4000  }
0x98: {  	[sflag:s26] =	ssyncset.done $0x0  }
0x99: {  	s17 =	simm.s32 $0x15080;
	[sflag:s26] =	ssyncadd.s32 $0xFFFFC000  }
0x9a: {  	[spmem:s3] =	stream.indirect.scatter.add.f32 [tilespmem:s24], [sflag:$0x4], $0x80, s17, s23, $0xb8;
	[tilespmem:$0x1E400] =	vst v63  }
0x9b: {  	_ =	swait.ge [sflag:s25], $0x4000  }
0x9c: {  	s0 =	simm.s32 $0x100;
	s2 =	simm.s32 $0x800;
	[sflag:s25] =	ssyncset.done $0x0  }
.LBB2_6:
0x9d: {  	s13 =	sadd.s32 $0x13C80, s0  }
0x9e: {  	[sflag:s25] =	ssyncadd.s32 $0xFFFFC000;
	s14 =	smov.u32 s2;
	s15 =	sadd.s32 $0x400, s2  }
0x9f: {  	[tilespmem:s24], [sflag:$0x2] =	stream.indirect.gather [hbm4b:s1+s23], $0x80, s13, s23, $0xb8;
	[tilespmem:$0x1E400] =	vst v63  }
0xa0: {  	p0 =	sne.s32 s2, $0x4800;
	_ =	swait.ge [sflag:s21], $0x4000  }
0xa1: {  	[sflag:s21] =	ssyncset.done $0x0  }
0xa2: {  	s2 =	sadd.s32 $0x15000, s0;
	[sflag:s21] =	ssyncadd.s32 $0xFFFFC000  }
0xa3: {  	[spmem:s3] =	stream.indirect.scatter.add.f32 [tilespmem:s20], [sflag:$0x4], $0x80, s2, s23, $0xb8;
	[tilespmem:$0x1E400] =	vst v63  }
0xa4: {  	_ =	swait.ge [sflag:s25], $0x4000  }
0xa5: {  	[sflag:s25] =	ssyncset.done $0x0  }
0xa6: {  	s2 =	sadd.s32 $0x13D00, s0;
	[sflag:s25] =	ssyncadd.s32 $0xFFFFC000  }
0xa7: {  	[tilespmem:s20], [sflag:$0x1] =	stream.indirect.gather [hbm4b:s1+s23], $0x80, s2, s23, $0xb8;
	[tilespmem:$0x1E400] =	vst v63  }
0xa8: {  	_ =	swait.ge [sflag:s26], $0x4000  }
.Ltmp2:
0xa9: {  	[sflag:s26] =	ssyncset.done $0x0;
	(pc) =	sbr.rel @p0 .LBB2_6-.Ltmp2, $4  }
0xaa: {  	s0 =	sadd.s32 $0x15080, s0;
	[sflag:s26] =	ssyncadd.s32 $0xFFFFC000  }
0xab: {  	[spmem:s3] =	stream.indirect.scatter.add.f32 [tilespmem:s24], [sflag:$0x4], $0x80, s0, s23, $0xb8;
	[tilespmem:$0x1E400] =	vst v63  }
0xac: {  	_ =	swait.ge [sflag:s25], $0x4000  }
0xad: {  	s2 =	smov.u32 s15;
	s0 =	sshra.s32 s14, $0x2;
	[sflag:s25] =	ssyncset.done $0x0  }
0xae: {  	s2 =	sadd.s32 $0x13C80, s0;
	[sflag:s25] =	ssyncadd.s32 $0xFFFFC000  }
0xaf: {  	[tilespmem:s24], [sflag:$0x2] =	stream.indirect.gather [hbm4b:s1+s23], $0x80, s2, s23, $0xb8;
	[tilespmem:$0x1E400] =	vst v63  }
0xb0: {  	_ =	swait.ge [sflag:s21], $0x4000  }
0xb1: {  	[sflag:s21] =	ssyncset.done $0x0  }
0xb2: {  	s14 =	sadd.s32 $0x15000, s0;
	[sflag:s21] =	ssyncadd.s32 $0xFFFFC000  }
0xb3: {  	[spmem:s3] =	stream.indirect.scatter.add.f32 [tilespmem:s20], [sflag:$0x4], $0x80, s14, s23, $0xb8;
	[tilespmem:$0x1E400] =	vst v63  }
0xb4: {  	_ =	swait.ge [sflag:s25], $0x4000  }
0xb5: {  	[sflag:s25] =	ssyncset.done $0x0  }
0xb6: {  	s15 =	sadd.s32 $0x13D00, s0;
	[sflag:s25] =	ssyncadd.s32 $0xFFFFC000  }
0xb7: {  	[tilespmem:s20], [sflag:$0x1] =	stream.indirect.gather [hbm4b:s1+s23], $0x80, s15, s23, $0xb8;
	[tilespmem:$0x1E400] =	vst v63  }
0xb8: {  	_ =	swait.ge [sflag:s26], $0x4000  }
0xb9: {  	[sflag:s26] =	ssyncset.done $0x0  }
0xba: {  	s16 =	sadd.s32 $0x15080, s0;
	[sflag:s26] =	ssyncadd.s32 $0xFFFFC000  }
0xbb: {  	[spmem:s3] =	stream.indirect.scatter.add.f32 [tilespmem:s24], [sflag:$0x4], $0x80, s16, s23, $0xb8;
	[tilespmem:$0x1E400] =	vst v63  }
0xbc: {  	_ =	swait.ge [sflag:s25], $0x4000  }
0xbd: {  	[sflag:s25] =	ssyncset.done $0x0  }
0xbe: {  	[sflag:s25] =	ssyncadd.s32 $0xFFFFC000  }
0xbf: {  	[tilespmem:s24], [sflag:$0x2] =	stream.indirect.gather [hbm4b:s1+s23], $0x80, s28, s23, $0xb8;
	[tilespmem:$0x1E400] =	vst v63  }
0xc0: {  	_ =	swait.ge [sflag:s21], $0x4000  }
0xc1: {  	[sflag:s21] =	ssyncset.done $0x0  }
0xc2: {  	[sflag:s21] =	ssyncadd.s32 $0xFFFFC000  }
0xc3: {  	[spmem:s3] =	stream.indirect.scatter.add.f32 [tilespmem:s20], [sflag:$0x4], $0x80, s29, s23, $0xb8;
	[tilespmem:$0x1E400] =	vst v63  }
0xc4: {  	_ =	swait.ge [sflag:s25], $0x4000  }
0xc5: {  	[sflag:s25] =	ssyncset.done $0x0  }
0xc6: {  	[sflag:s25] =	ssyncadd.s32 $0xFFFFC000  }
0xc7: {  	_ =	swait.ge [sflag:s26], $0x4000  }
0xc8: {  	[sflag:s26] =	ssyncset.done $0x0  }
0xc9: {  	[sflag:s26] =	ssyncadd.s32 $0xFFFFC000  }
0xca: {  	[spmem:s3] =	stream.indirect.scatter.add.f32 [tilespmem:s24], [sflag:$0x4], $0x80, s30, s23, $0xb8;
	[tilespmem:$0x1E400] =	vst v63  }
0xcb: {  	_ =	swait.ge [sflag:s25], $0x4000  }
0xcc: {  	[sflag:s25] =	ssyncset.done $0x0  }
0xcd: {  	s17 =	stileid.u32;
	[sflag:s25] =	ssyncadd.s32 $0xFFFFC000  }
0xce: {  	s0 =	sshll.u32 s17, $0x6;
	[bflag:$0x0] =	sbarrier.arrive $0xFFFF  }
0xcf: {  	s2 =	sshrl.u32 s8, $0x3;
	s0 =	sor.u32 $0x1C04, s0;
	s13 =	rddreg [dreg:$0x6]  }
0xd0: {  	[hbm:s13], [sflag:s0] =	dma.local [spmem:s2], $0x2780  }
0xd1: {  	s13 =	simm.s32 $0x0  }
0xd2: {  	_ =	swait.ge [sflag:s25], $0x2780;
	s14 =	sand.u32 $0xFE00, s13  }
0xd3: {  	s15 =	sand.u32 $0x70, s13;
	[sflag:s25] =	ssyncset.done $0x0;
	s16 =	sshrl.u32 s14, $0x2  }
0xd4: {  	s14 =	simm.s32 $0x40;
	[sflag:s25] =	ssyncadd.s32 $0xFFFFD880;
	s15 =	sor.u32 s15, s16  }
.LBB2_8:
0xd5: {  	p0 =	sne.s32 s14, $0xFFC0  }
0xd6: {  	[tilespmem:s15+$0x16400] =	vst v0;
	s13 =	sadd.s32 $0x10, s13;
	s15 =	smov.u32 s14;
	s14 =	sadd.s32 $0x40, s14  }
.Ltmp3:
0xd7: {  	(pc) =	sbr.rel @p0 .LBB2_8-.Ltmp3, $4  }
0xd8: {  	_ = 	snop  }
0xd9: {  	s15 =	sand.u32 $0xFE00, s15  }
0xda: {  	s16 =	sand.u32 $0x70, s13;
	s15 =	sshrl.u32 s15, $0x2  }
0xdb: {  	s15 =	sor.u32 s16, s15  }
0xdc: {  	[tilespmem:s15+$0x16400] =	vst v0  }
0xdd: {  	[spmem:s8] =	stream.linear.scatter [tilespmem:s20], [sflag:$0x1], $0x4000, $0x38;
	[tilespmem:$0x1E400] =	vst v63  }
0xde: {  	_ = 	snop  }
0xdf: {  	[spmem:s9] =	stream.linear.scatter [tilespmem:s20], [sflag:$0x1], $0x4000, $0x38;
	[tilespmem:$0x1E400] =	vst v63  }
0xe0: {  	_ = 	snop  }
0xe1: {  	[spmem:s10] =	stream.linear.scatter [tilespmem:s20], [sflag:$0x1], $0x4000, $0x38;
	[tilespmem:$0x1E400] =	vst v63  }
0xe2: {  	_ = 	snop  }
0xe3: {  	[spmem:s11] =	stream.linear.scatter [tilespmem:s20], [sflag:$0x1], $0x4000, $0x38;
	[tilespmem:$0x1E400] =	vst v63  }
0xe4: {  	_ = 	snop  }
0xe5: {  	[spmem:s12] =	stream.linear.scatter [tilespmem:s20], [sflag:$0x1], $0x3C00, $0x38;
	[tilespmem:$0x1E400] =	vst v63  }
0xe6: {  	_ =	swait.ge [sflag:s21], $0x4000  }
0xe7: {  	[sflag:s21] =	ssyncset.done $0x0  }
0xe8: {  	[sflag:s21] =	ssyncadd.s32 $0xFFFFC000  }
0xe9: {  	_ =	swait.ge [sflag:s21], $0x4000  }
0xea: {  	[sflag:s21] =	ssyncset.done $0x0  }
0xeb: {  	[sflag:s21] =	ssyncadd.s32 $0xFFFFC000  }
0xec: {  	_ =	swait.ge [sflag:s21], $0x4000  }
0xed: {  	[sflag:s21] =	ssyncset.done $0x0  }
0xee: {  	[sflag:s21] =	ssyncadd.s32 $0xFFFFC000  }
0xef: {  	_ =	swait.ge [sflag:s21], $0x4000  }
0xf0: {  	[sflag:s21] =	ssyncset.done $0x0  }
0xf1: {  	[sflag:s21] =	ssyncadd.s32 $0xFFFFC000  }
0xf2: {  	_ =	swait.ge [sflag:s21], $0x3C00  }
0xf3: {  	[sflag:s21] =	ssyncset.done $0x0  }
0xf4: {  	[sflag:s21] =	ssyncadd.s32 $0xFFFFC400  }
0xf5: {  	[bflag:$0x0] =	sbarrier.arrive $0xFFFF  }
0xf6: {  	[tilespmem:s20], [sflag:$0x1] =	stream.indirect.gather [hbm4b:s5+s23], $0x80, s18, s23, $0xb8;
	[tilespmem:$0x1E400] =	vst v63  }
0xf7: {  	s13 =	simm.s32 $0x13C80  }
0xf8: {  	[tilespmem:s24], [sflag:$0x2] =	stream.indirect.gather [hbm4b:s5+s23], $0x80, s13, s23, $0xb8;
	[tilespmem:$0x1E400] =	vst v63  }
0xf9: {  	_ =	swait.ge [sflag:s21], $0x4000  }
0xfa: {  	[sflag:s21] =	ssyncset.done $0x0  }
0xfb: {  	s15 =	simm.s32 $0x15000;
	[sflag:s21] =	ssyncadd.s32 $0xFFFFC000  }
0xfc: {  	[spmem:s3] =	stream.indirect.scatter.add.f32 [tilespmem:s20], [sflag:$0x4], $0x80, s15, s23, $0xb8;
	[tilespmem:$0x1E400] =	vst v63  }
0xfd: {  	_ =	swait.ge [sflag:s25], $0x4000  }
0xfe: {  	[sflag:s25] =	ssyncset.done $0x0  }
0xff: {  	s16 =	simm.s32 $0x13D00;
	[sflag:s25] =	ssyncadd.s32 $0xFFFFC000  }
0x100: {  	[tilespmem:s20], [sflag:$0x1] =	stream.indirect.gather [hbm4b:s5+s23], $0x80, s16, s23, $0xb8;
	[tilespmem:$0x1E400] =	vst v63  }
0x101: {  	_ =	swait.ge [sflag:s26], $0x4000  }
0x102: {  	[sflag:s26] =	ssyncset.done $0x0  }
0x103: {  	s17 =	simm.s32 $0x15080;
	[sflag:s26] =	ssyncadd.s32 $0xFFFFC000  }
0x104: {  	[spmem:s3] =	stream.indirect.scatter.add.f32 [tilespmem:s24], [sflag:$0x4], $0x80, s17, s23, $0xb8;
	[tilespmem:$0x1E400] =	vst v63  }
0x105: {  	_ =	swait.ge [sflag:s25], $0x4000  }
0x106: {  	s14 =	simm.s32 $0x800;
	s13 =	simm.s32 $0x100;
	[sflag:s25] =	ssyncset.done $0x0  }
.LBB2_10:
0x107: {  	s15 =	sadd.s32 $0x13C80, s13  }
0x108: {  	[sflag:s25] =	ssyncadd.s32 $0xFFFFC000;
	s16 =	smov.u32 s14;
	s17 =	sadd.s32 $0x400, s14  }
0x109: {  	[tilespmem:s24], [sflag:$0x2] =	stream.indirect.gather [hbm4b:s5+s23], $0x80, s15, s23, $0xb8;
	[tilespmem:$0x1E400] =	vst v63  }
0x10a: {  	p0 =	sne.s32 s14, $0x4800;
	_ =	swait.ge [sflag:s21], $0x4000  }
0x10b: {  	[sflag:s21] =	ssyncset.done $0x0  }
0x10c: {  	s14 =	sadd.s32 $0x15000, s13;
	[sflag:s21] =	ssyncadd.s32 $0xFFFFC000  }
0x10d: {  	[spmem:s3] =	stream.indirect.scatter.add.f32 [tilespmem:s20], [sflag:$0x4], $0x80, s14, s23, $0xb8;
	[tilespmem:$0x1E400] =	vst v63  }
0x10e: {  	_ =	swait.ge [sflag:s25], $0x4000  }
0x10f: {  	[sflag:s25] =	ssyncset.done $0x0  }
0x110: {  	s14 =	sadd.s32 $0x13D00, s13;
	[sflag:s25] =	ssyncadd.s32 $0xFFFFC000  }
0x111: {  	[tilespmem:s20], [sflag:$0x1] =	stream.indirect.gather [hbm4b:s5+s23], $0x80, s14, s23, $0xb8;
	[tilespmem:$0x1E400] =	vst v63  }
0x112: {  	_ =	swait.ge [sflag:s26], $0x4000  }
.Ltmp4:
0x113: {  	[sflag:s26] =	ssyncset.done $0x0;
	(pc) =	sbr.rel @p0 .LBB2_10-.Ltmp4, $4  }
0x114: {  	s13 =	sadd.s32 $0x15080, s13;
	[sflag:s26] =	ssyncadd.s32 $0xFFFFC000  }
0x115: {  	[spmem:s3] =	stream.indirect.scatter.add.f32 [tilespmem:s24], [sflag:$0x4], $0x80, s13, s23, $0xb8;
	[tilespmem:$0x1E400] =	vst v63  }
0x116: {  	_ =	swait.ge [sflag:s25], $0x4000  }
0x117: {  	s14 =	smov.u32 s17;
	s13 =	sshra.s32 s16, $0x2;
	[sflag:s25] =	ssyncset.done $0x0  }
0x118: {  	s14 =	sadd.s32 $0x13C80, s13;
	[sflag:s25] =	ssyncadd.s32 $0xFFFFC000  }
0x119: {  	[tilespmem:s24], [sflag:$0x2] =	stream.indirect.gather [hbm4b:s5+s23], $0x80, s14, s23, $0xb8;
	[tilespmem:$0x1E400] =	vst v63  }
0x11a: {  	_ =	swait.ge [sflag:s21], $0x4000  }
0x11b: {  	[sflag:s21] =	ssyncset.done $0x0  }
0x11c: {  	s17 =	sadd.s32 $0x15000, s13;
	[sflag:s21] =	ssyncadd.s32 $0xFFFFC000  }
0x11d: {  	[spmem:s3] =	stream.indirect.scatter.add.f32 [tilespmem:s20], [sflag:$0x4], $0x80, s17, s23, $0xb8;
	[tilespmem:$0x1E400] =	vst v63  }
0x11e: {  	_ =	swait.ge [sflag:s25], $0x4000  }
0x11f: {  	[sflag:s25] =	ssyncset.done $0x0  }
0x120: {  	s15 =	sadd.s32 $0x13D00, s13;
	[sflag:s25] =	ssyncadd.s32 $0xFFFFC000  }
0x121: {  	[tilespmem:s20], [sflag:$0x1] =	stream.indirect.gather [hbm4b:s5+s23], $0x80, s15, s23, $0xb8;
	[tilespmem:$0x1E400] =	vst v63  }
0x122: {  	_ =	swait.ge [sflag:s26], $0x4000  }
0x123: {  	[sflag:s26] =	ssyncset.done $0x0  }
0x124: {  	s16 =	sadd.s32 $0x15080, s13;
	[sflag:s26] =	ssyncadd.s32 $0xFFFFC000  }
0x125: {  	[spmem:s3] =	stream.indirect.scatter.add.f32 [tilespmem:s24], [sflag:$0x4], $0x80, s16, s23, $0xb8;
	[tilespmem:$0x1E400] =	vst v63  }
0x126: {  	_ =	swait.ge [sflag:s25], $0x4000  }
0x127: {  	[sflag:s25] =	ssyncset.done $0x0  }
0x128: {  	[sflag:s25] =	ssyncadd.s32 $0xFFFFC000  }
0x129: {  	[tilespmem:s24], [sflag:$0x2] =	stream.indirect.gather [hbm4b:s5+s23], $0x80, s28, s23, $0xb8;
	[tilespmem:$0x1E400] =	vst v63  }
0x12a: {  	_ =	swait.ge [sflag:s21], $0x4000  }
0x12b: {  	[sflag:s21] =	ssyncset.done $0x0  }
0x12c: {  	[sflag:s21] =	ssyncadd.s32 $0xFFFFC000  }
0x12d: {  	[spmem:s3] =	stream.indirect.scatter.add.f32 [tilespmem:s20], [sflag:$0x4], $0x80, s29, s23, $0xb8;
	[tilespmem:$0x1E400] =	vst v63  }
0x12e: {  	_ =	swait.ge [sflag:s25], $0x4000  }
0x12f: {  	[sflag:s25] =	ssyncset.done $0x0  }
0x130: {  	[sflag:s25] =	ssyncadd.s32 $0xFFFFC000  }
0x131: {  	_ =	swait.ge [sflag:s26], $0x4000  }
0x132: {  	[sflag:s26] =	ssyncset.done $0x0  }
0x133: {  	[sflag:s26] =	ssyncadd.s32 $0xFFFFC000  }
0x134: {  	[spmem:s3] =	stream.indirect.scatter.add.f32 [tilespmem:s24], [sflag:$0x4], $0x80, s30, s23, $0xb8;
	[tilespmem:$0x1E400] =	vst v63  }
0x135: {  	_ =	swait.ge [sflag:s25], $0x4000  }
0x136: {  	[sflag:s25] =	ssyncset.done $0x0  }
0x137: {  	s17 =	simm.s32 $0x0;
	[sflag:s25] =	ssyncadd.s32 $0xFFFFC000  }
0x138: {  	[tilespmem:s18], [sflag:$0x4] =	stream.linear.gather [hbm4b:s6+s17], $0x1400, $0x38;
	[tilespmem:$0x1E400] =	vst v63  }
0x139: {  	_ =	swait.ge [sflag:s25], $0x1400  }
0x13a: {  	[sflag:s25] =	ssyncset.done $0x0  }
0x13b: {  	[sflag:s25] =	ssyncadd.s32 $0xFFFFEC00  }
0x13c: {  	[tilespmem:s19], [sflag:$0x4] =	stream.linear.gather [hbm4b:s7+s17], $0x1400, $0x38;
	[tilespmem:$0x1E400] =	vst v63  }
0x13d: {  	_ =	swait.ge [sflag:s25], $0x1400  }
0x13e: {  	[sflag:s25] =	ssyncset.done $0x0  }
0x13f: {  	[sflag:s25] =	ssyncadd.s32 $0xFFFFEC00  }
0x140: {  	[tilespmem:s20], [sflag:$0x1] =	stream.indirect.gather [hbm4b:s5+s23], $0x80, s18, s23, $0xb8;
	[tilespmem:$0x1E400] =	vst v63  }
0x141: {  	s14 =	simm.s32 $0x13C80  }
0x142: {  	[tilespmem:s24], [sflag:$0x2] =	stream.indirect.gather [hbm4b:s5+s23], $0x80, s14, s23, $0xb8;
	[tilespmem:$0x1E400] =	vst v63  }
0x143: {  	_ =	swait.ge [sflag:s21], $0x4000  }
0x144: {  	[sflag:s21] =	ssyncset.done $0x0  }
0x145: {  	s15 =	simm.s32 $0x15000;
	[sflag:s21] =	ssyncadd.s32 $0xFFFFC000  }
0x146: {  	[spmem:s3] =	stream.indirect.scatter.add.f32 [tilespmem:s20], [sflag:$0x4], $0x80, s15, s23, $0xb8;
	[tilespmem:$0x1E400] =	vst v63  }
0x147: {  	_ =	swait.ge [sflag:s25], $0x4000  }
0x148: {  	[sflag:s25] =	ssyncset.done $0x0  }
0x149: {  	s16 =	simm.s32 $0x13D00;
	[sflag:s25] =	ssyncadd.s32 $0xFFFFC000  }
0x14a: {  	[tilespmem:s20], [sflag:$0x1] =	stream.indirect.gather [hbm4b:s5+s23], $0x80, s16, s23, $0xb8;
	[tilespmem:$0x1E400] =	vst v63  }
0x14b: {  	_ =	swait.ge [sflag:s26], $0x4000  }
0x14c: {  	[sflag:s26] =	ssyncset.done $0x0  }
0x14d: {  	s17 =	simm.s32 $0x15080;
	[sflag:s26] =	ssyncadd.s32 $0xFFFFC000  }
0x14e: {  	[spmem:s3] =	stream.indirect.scatter.add.f32 [tilespmem:s24], [sflag:$0x4], $0x80, s17, s23, $0xb8;
	[tilespmem:$0x1E400] =	vst v63  }
0x14f: {  	_ =	swait.ge [sflag:s25], $0x4000  }
0x150: {  	s13 =	simm.s32 $0x100;
	s14 =	simm.s32 $0x800;
	[sflag:s25] =	ssyncset.done $0x0  }
.LBB2_12:
0x151: {  	s15 =	sadd.s32 $0x13C80, s13  }
0x152: {  	[sflag:s25] =	ssyncadd.s32 $0xFFFFC000;
	s16 =	smov.u32 s14;
	s17 =	sadd.s32 $0x400, s14  }
0x153: {  	[tilespmem:s24], [sflag:$0x2] =	stream.indirect.gather [hbm4b:s5+s23], $0x80, s15, s23, $0xb8;
	[tilespmem:$0x1E400] =	vst v63  }
0x154: {  	p0 =	sne.s32 s14, $0x4800;
	_ =	swait.ge [sflag:s21], $0x4000  }
0x155: {  	[sflag:s21] =	ssyncset.done $0x0  }
0x156: {  	s14 =	sadd.s32 $0x15000, s13;
	[sflag:s21] =	ssyncadd.s32 $0xFFFFC000  }
0x157: {  	[spmem:s3] =	stream.indirect.scatter.add.f32 [tilespmem:s20], [sflag:$0x4], $0x80, s14, s23, $0xb8;
	[tilespmem:$0x1E400] =	vst v63  }
0x158: {  	_ =	swait.ge [sflag:s25], $0x4000  }
0x159: {  	[sflag:s25] =	ssyncset.done $0x0  }
0x15a: {  	s14 =	sadd.s32 $0x13D00, s13;
	[sflag:s25] =	ssyncadd.s32 $0xFFFFC000  }
0x15b: {  	[tilespmem:s20], [sflag:$0x1] =	stream.indirect.gather [hbm4b:s5+s23], $0x80, s14, s23, $0xb8;
	[tilespmem:$0x1E400] =	vst v63  }
0x15c: {  	_ =	swait.ge [sflag:s26], $0x4000  }
.Ltmp5:
0x15d: {  	[sflag:s26] =	ssyncset.done $0x0;
	(pc) =	sbr.rel @p0 .LBB2_12-.Ltmp5, $4  }
0x15e: {  	s13 =	sadd.s32 $0x15080, s13;
	[sflag:s26] =	ssyncadd.s32 $0xFFFFC000  }
0x15f: {  	[spmem:s3] =	stream.indirect.scatter.add.f32 [tilespmem:s24], [sflag:$0x4], $0x80, s13, s23, $0xb8;
	[tilespmem:$0x1E400] =	vst v63  }
0x160: {  	_ =	swait.ge [sflag:s25], $0x4000  }
0x161: {  	s14 =	smov.u32 s17;
	s13 =	sshra.s32 s16, $0x2;
	[sflag:s25] =	ssyncset.done $0x0  }
0x162: {  	s14 =	sadd.s32 $0x13C80, s13;
	[sflag:s25] =	ssyncadd.s32 $0xFFFFC000  }
0x163: {  	[tilespmem:s24], [sflag:$0x2] =	stream.indirect.gather [hbm4b:s5+s23], $0x80, s14, s23, $0xb8;
	[tilespmem:$0x1E400] =	vst v63  }
0x164: {  	_ =	swait.ge [sflag:s21], $0x4000  }
0x165: {  	[sflag:s21] =	ssyncset.done $0x0  }
0x166: {  	s16 =	sadd.s32 $0x15000, s13;
	[sflag:s21] =	ssyncadd.s32 $0xFFFFC000  }
0x167: {  	[spmem:s3] =	stream.indirect.scatter.add.f32 [tilespmem:s20], [sflag:$0x4], $0x80, s16, s23, $0xb8;
	[tilespmem:$0x1E400] =	vst v63  }
0x168: {  	_ =	swait.ge [sflag:s25], $0x4000  }
0x169: {  	[sflag:s25] =	ssyncset.done $0x0  }
0x16a: {  	s17 =	sadd.s32 $0x13D00, s13;
	[sflag:s25] =	ssyncadd.s32 $0xFFFFC000  }
0x16b: {  	[tilespmem:s20], [sflag:$0x1] =	stream.indirect.gather [hbm4b:s5+s23], $0x80, s17, s23, $0xb8;
	[tilespmem:$0x1E400] =	vst v63  }
0x16c: {  	_ =	swait.ge [sflag:s26], $0x4000  }
0x16d: {  	[sflag:s26] =	ssyncset.done $0x0  }
0x16e: {  	s15 =	sadd.s32 $0x15080, s13;
	[sflag:s26] =	ssyncadd.s32 $0xFFFFC000  }
0x16f: {  	[spmem:s3] =	stream.indirect.scatter.add.f32 [tilespmem:s24], [sflag:$0x4], $0x80, s15, s23, $0xb8;
	[tilespmem:$0x1E400] =	vst v63  }
0x170: {  	_ =	swait.ge [sflag:s25], $0x4000  }
0x171: {  	[sflag:s25] =	ssyncset.done $0x0  }
0x172: {  	[sflag:s25] =	ssyncadd.s32 $0xFFFFC000  }
0x173: {  	[tilespmem:s24], [sflag:$0x2] =	stream.indirect.gather [hbm4b:s5+s23], $0x80, s28, s23, $0xb8;
	[tilespmem:$0x1E400] =	vst v63  }
0x174: {  	_ =	swait.ge [sflag:s21], $0x4000  }
0x175: {  	[sflag:s21] =	ssyncset.done $0x0  }
0x176: {  	[sflag:s21] =	ssyncadd.s32 $0xFFFFC000  }
0x177: {  	[spmem:s3] =	stream.indirect.scatter.add.f32 [tilespmem:s20], [sflag:$0x4], $0x80, s29, s23, $0xb8;
	[tilespmem:$0x1E400] =	vst v63  }
0x178: {  	_ =	swait.ge [sflag:s25], $0x4000  }
0x179: {  	[sflag:s25] =	ssyncset.done $0x0  }
0x17a: {  	[sflag:s25] =	ssyncadd.s32 $0xFFFFC000  }
0x17b: {  	_ =	swait.ge [sflag:s26], $0x4000  }
0x17c: {  	[sflag:s26] =	ssyncset.done $0x0  }
0x17d: {  	[sflag:s26] =	ssyncadd.s32 $0xFFFFC000  }
0x17e: {  	[spmem:s3] =	stream.indirect.scatter.add.f32 [tilespmem:s24], [sflag:$0x4], $0x80, s30, s23, $0xb8;
	[tilespmem:$0x1E400] =	vst v63  }
0x17f: {  	_ =	swait.ge [sflag:s25], $0x4000  }
0x180: {  	[sflag:s25] =	ssyncset.done $0x0  }
0x181: {  	[sflag:s25] =	ssyncadd.s32 $0xFFFFC000  }
0x182: {  	[bflag:$0x0] =	sbarrier.arrive $0xFFFF  }
0x183: {  	s16 =	rddreg [dreg:$0x7]  }
0x184: {  	[hbm:s16], [sflag:s0] =	dma.local [spmem:s2], $0x2780  }
0x185: {  	_ =	swait.ge [sflag:s25], $0x2780  }
0x186: {  	s31 =	sadd.s32 $0x1, s31;
	s17 =	rddreg [dreg:$0x8]  }
0x187: {  	p0 =	sne.s32 s31, s17  }
.Ltmp6:
0x188: {  	_ = 	snop;
	(pc) =	sbr.rel @p0 .LBB2_1-.Ltmp6, $3  }
0x189: {  	_ =	sdelay $0x1  }
0x18a: {  	[sflag:s25] =	ssyncset.done $0x0  }
0x18b: {  	[sflag:s25] =	ssyncadd.s32 $0xFFFFD880  }
0x18c: {  	_ =	sfence.sel $0x180000  }
0x18d: {  	[bflag:$0x0] =	sbarrier.arrive $0xFFFF  }
0x18e: {  	_ =	strace $0x90000047  }
0x18f: {  	s0 =	stileid.u32;
	[bflag:$0x2] =	sbarrier.arrive $0xFFFF  }
0x190: {  	p0 =	sne.s32 s0, $0x0;
	s0 =	rddreg [dreg:$0x3]  }
0x191: {  	s0 =	sadd.s32 @!p0 $0x100000, s0  }
0x192: {  	[sflag:s0] =	ssyncadd.tile.s32 @!p0 $0x1;
	_ =	shalt  }
.Lfunc_end2:
_tile_overlayer_lowered:
.L_overlay_start_2:
0x193: {  	(tag) =	ssettag $0x2  }
0x194: {  	s0 =	rddreg [dreg:$0x0];
	s2 =	stileid.u32  }
0x195: {  	s1 =	rddreg [dreg:$0x1];
	p0 =	sne.s32 s2, $0x0  }
0x196: {  	s3 =	rddreg [dreg:$0x2];
	[bflag:$0x3] =	sbarrier.arrive $0xFFFF;
	s2 =	simm.s32 @!p0 $0x1C04  }
0x197: {  	[timem:s3], [sflag:s2] =	dma.local @!p0 [hbm:s0], s1  }
0x198: {  	s0 =	simm.s32 @!p0 $0x4  }
0x199: {  	_ =	swait.ge @!p0 [sflag:s0], s1  }
0x19a: {  	s1 =	ssub.s32 @!p0 $0x0, s1;
	[sflag:s0] =	ssyncset.done @!p0 $0x0  }
0x19b: {  	[sflag:s0] =	ssyncadd.s32 @!p0 s1  }
0x19c: {  	[bflag:$0x3] =	sbarrier.arrive $0xFFFF  }
0x19d: {  	_ =	shalt  }

</sc_bundles>
